<compile_context>
chip_gen: v7x
topology: tpu7x:2x2x1
jax: 0.10.2.dev20260603
libtpu: 0.0.44.dev20260713+nightly
codegen_flags: <defaults>
</compile_context>

<pallas_src>
import functools

import jax
import jax.numpy as jnp
from jax import lax
from jax.experimental import pallas as pl
from jax.experimental.pallas import tpu as pltpu
from jax.experimental.pallas import tpu_sc as plsc

NIMG = 16
PER_IMG = 512 * 512
NBINS = 2048
RMAX = 16.0
INV_DELTA = NBINS / RMAX
TRASH = NBINS
LANE_STRIDE = NBINS + 16
ROWS_WIN = 32
NWIN = 256 // ROWS_WIN
UNROLL = 8


def _sc_body(out_hbm, tgt_hbm, hist_out,
             obuf0, obuf1, tbuf0, tbuf1, hist, outbuf,
             so0, so1, st0, st1):
    c = lax.axis_index("c")
    s = lax.axis_index("s")
    wid = c * 16 + s
    row0 = c * 256

    zero16 = jnp.zeros((16,), jnp.int32)

    @plsc.parallel_loop(0, 16 * LANE_STRIDE // 16, unroll=8)
    def zbody(i):
        hist[pl.ds(i * 16, 16)] = zero16

    lane_off = lax.iota(jnp.int32, 16) * LANE_STRIDE

    obufs = (obuf0, obuf1)
    tbufs = (tbuf0, tbuf1)
    osems = (so0, so1)
    tsems = (st0, st1)

    def start(w):
        rows = pl.ds(row0 + w * ROWS_WIN, ROWS_WIN)
        ob = pltpu.async_copy(out_hbm.at[s, rows, :], obufs[w % 2],
                              osems[w % 2])
        tb = pltpu.async_copy(tgt_hbm.at[s, rows, :], tbufs[w % 2],
                              tsems[w % 2])
        return ob, tb

    pend = start(0)
    for w in range(NWIN):
        pend[0].wait()
        pend[1].wait()
        if w + 1 < NWIN:
            pend = start(w + 1)
        obuf = obufs[w % 2]
        tbuf = tbufs[w % 2]

        @plsc.parallel_loop(0, ROWS_WIN * 512 // 16, unroll=UNROLL)
        def vbody(v):
            r = v // 32
            k = (v % 32) * 16
            o = obuf[r, pl.ds(k, 16)]
            ti = tbuf[r, pl.ds(k, 16)]
            g = ti.astype(jnp.float32)
            e = 1.0 - o * (2.0 * g - 1.0)
            b = jnp.clip((e * INV_DELTA).astype(jnp.int32), 0, NBINS - 1)
            b = jnp.where(e > 0.0, b, TRASH)
            val = lax.shift_left(ti, 16) + 1
            plsc.addupdate_scatter(hist, [lane_off + b], val)

    @plsc.parallel_loop(0, LANE_STRIDE // 16, unroll=2)
    def rbody(j):
        acc = hist[pl.ds(j * 16, 16)]
        for l in range(1, 16):
            acc = acc + hist[pl.ds(l * LANE_STRIDE + j * 16, 16)]
        outbuf[pl.ds(j * 16, 16)] = acc

    pltpu.sync_copy(outbuf, hist_out.at[pl.ds(wid * LANE_STRIDE,
                                              LANE_STRIDE)])


def _tc_body(hist_ref, out_ref):
    h = hist_ref[...]
    nfull = (h & 0xFFFF).astype(jnp.float32)
    pfull = lax.shift_right_logical(h, 16).astype(jnp.float32)
    G = jnp.sum(pfull, axis=(0, 2)).reshape(NIMG, 1)
    n = jnp.sum(nfull[:, :, :NBINS], axis=0)
    p = jnp.sum(pfull[:, :, :NBINS], axis=0)

    k = 1
    while k < NBINS:
        n = n + jnp.concatenate(
            [n[:, k:], jnp.zeros((NIMG, k), jnp.float32)], axis=1)
        p = p + jnp.concatenate(
            [p[:, k:], jnp.zeros((NIMG, k), jnp.float32)], axis=1)
        k *= 2

    P = float(PER_IMG)
    C = p
    jp = 1.0 - (G - C) / (G + n - C)
    jn = 1.0 - ((P - G) - (n - C)) / ((P - G) + C)
    J = jnp.where(n > 0.0, 0.5 * (jp + jn), 0.0)
    loss_img = (1.0 / INV_DELTA) * (jnp.sum(J, axis=1) - 0.5 * J[:, 0])
    out_ref[...] = (jnp.sum(loss_img) / NIMG).reshape(1, 1)


@jax.jit
def kernel(outputs, targets):
    tgt = targets.astype(jnp.int32)

    mesh = plsc.VectorSubcoreMesh(core_axis_name="c", subcore_axis_name="s")
    sc_fn = functools.partial(
        pl.kernel,
        out_type=jax.ShapeDtypeStruct((32 * LANE_STRIDE,), jnp.int32),
        mesh=mesh,
        compiler_params=pltpu.CompilerParams(needs_layout_passes=False),
        scratch_types=[
            pltpu.VMEM((ROWS_WIN, 512), jnp.float32),
            pltpu.VMEM((ROWS_WIN, 512), jnp.float32),
            pltpu.VMEM((ROWS_WIN, 512), jnp.int32),
            pltpu.VMEM((ROWS_WIN, 512), jnp.int32),
            pltpu.VMEM((16 * LANE_STRIDE,), jnp.int32),
            pltpu.VMEM((LANE_STRIDE,), jnp.int32),
            pltpu.SemaphoreType.DMA,
            pltpu.SemaphoreType.DMA,
            pltpu.SemaphoreType.DMA,
            pltpu.SemaphoreType.DMA,
        ],
    )(_sc_body)
    hist = sc_fn(outputs, tgt)

    loss = pl.pallas_call(
        _tc_body,
        out_shape=jax.ShapeDtypeStruct((1, 1), jnp.float32),
    )(hist.reshape(2, 16, LANE_STRIDE))
    return loss.reshape(())

# --- scband reference (transcript-rebuilt; emitter-appended) ---
"""Pipeline reference for scband-lovasz-loss-12051678233165 (READ-ONLY COPY).

The authoritative reference and input builder live on the scoring server;
editing this copy changes nothing except your own understanding.
"""

import jax, jax.numpy as jnp
import numpy as np


def lovasz_grad(gt_sorted):
    gts = jnp.sum(gt_sorted)
    intersection = gts - jnp.cumsum(gt_sorted)
    union = gts + jnp.cumsum(1.0 - gt_sorted)
    jaccard = 1.0 - intersection / union
    # jaccard[1:] = jaccard[1:] - jaccard[:-1]
    jaccard = jnp.concatenate([jaccard[:1], jaccard[1:] - jaccard[:-1]])
    return jaccard


def lovasz_hinge_flat(logits, labels):
    # logits: [P] float, labels: [P] float in {0,1}
    signs = 2.0 * labels - 1.0
    errors = 1.0 - logits * signs
    perm = jnp.argsort(-errors)  # descending sort
    errors_sorted = errors[perm]
    gt_sorted = labels[perm]
    grad = lovasz_grad(gt_sorted)
    # grad derives only from integer labels -> treated as constant (Variable(grad) in torch)
    return jnp.dot(jax.nn.relu(errors_sorted), jax.lax.stop_gradient(grad))


def lovasz_hinge(logits, labels):
    # per_image=True, ignore=None: flatten each image, loss per image, then mean
    B = logits.shape[0]
    flat_logits = logits.reshape(B, -1)
    flat_labels = labels.reshape(B, -1)
    losses = jax.vmap(lovasz_hinge_flat)(flat_logits, flat_labels)
    return jnp.mean(losses)


def symmetric_lovasz(outputs, targets):
    positive = lovasz_hinge(outputs, targets)
    negative = lovasz_hinge(-outputs, 1.0 - targets)
    return (positive + negative) / 2.0


def setup_inputs(seed: int = 0) -> dict:
    key = jax.random.key(seed)
    k1, k2 = jax.random.split(key)
    outputs = jax.random.normal(k1, (16, 512, 512), dtype=jnp.float32)
    targets = jax.random.randint(k2, (16, 512, 512), 0, 2, dtype=jnp.int64)
    return {"outputs": outputs, "targets": targets}


def reference(outputs, targets):
    t = targets.astype(jnp.float32)
    return symmetric_lovasz(outputs, t)

if __name__ == "__main__":
    import jax
    _d = setup_inputs()
    print(jax.jit(kernel)(*tuple(_d.values())))

</pallas_src>

<mosaic_0001>
#map = affine_map<(d0, d1) -> (0, 0, 0)>
#map1 = affine_map<(d0, d1) -> (0)>
module attributes {stable_mosaic.version = 14 : i64} {
  func.func @_sc_body(%arg0: i32, %arg1: i32, %arg2: memref<16x512x512xf32, #tpu.memory_space<hbm>>, %arg3: memref<16x512x512xi32, #tpu.memory_space<hbm>>, %arg4: memref<66048xi32, #tpu.memory_space<hbm>>, %arg5: memref<32x512xf32, #tpu.memory_space<vmem>>, %arg6: memref<32x512xf32, #tpu.memory_space<vmem>>, %arg7: memref<32x512xi32, #tpu.memory_space<vmem>>, %arg8: memref<32x512xi32, #tpu.memory_space<vmem>>, %arg9: memref<33024xi32, #tpu.memory_space<vmem>>, %arg10: memref<2064xi32, #tpu.memory_space<vmem>>, %arg11: memref<!tpu.dma_semaphore, #tpu.memory_space<semaphore_mem>>, %arg12: memref<!tpu.dma_semaphore, #tpu.memory_space<semaphore_mem>>, %arg13: memref<!tpu.dma_semaphore, #tpu.memory_space<semaphore_mem>>, %arg14: memref<!tpu.dma_semaphore, #tpu.memory_space<semaphore_mem>>) attributes {dimension_semantics = [#tpu.dimension_semantics<core_parallel>, #tpu.dimension_semantics<subcore_parallel>], iteration_bounds = array<i64: 2, 16>, scalar_prefetch = 0 : i64, scratch_operands = 10 : i64, tpu.core_type = #tpu.core_type<sc_vector_subcore>, window_params = [{transform_indices = #map}, {transform_indices = #map}, {transform_indices = #map1}]} {
    %mul3A = arith.constant 16 : i32
    %mul3A_0 = arith.muli %arg0, %mul3A : i32
    %add3A = arith.addi %mul3A_0, %arg1 : i32
    %mul3A_1 = arith.constant 256 : i32
    %mul3A_2 = arith.muli %arg0, %mul3A_1 : i32
    %broadcast_in_dim3A = arith.constant 0 : i32
    %broadcast_in_dim3A_3 = vector.broadcast %broadcast_in_dim3A : i32 to vector<16xi32>
    %parallel_loop3A = arith.constant 0 : i32
    %parallel_loop3A_4 = arith.constant 2064 : i32
    %parallel_loop3A_5 = arith.constant 1 : i32
    scf.for %parallel_loop3A_244 = %parallel_loop3A to %parallel_loop3A_4 step %parallel_loop3A_5  : i32 {
      %parallel_loop3A_245 = arith.constant 16 : i32
      %parallel_loop3A_246 = arith.muli %parallel_loop3A_244, %parallel_loop3A_245 : i32
      %parallel_loop3A_247 = arith.index_cast %parallel_loop3A_246 : i32 to index
      %parallel_loop3A_248 = tpu.vector_load %arg9[%parallel_loop3A_247] {strides = array<i32>} : memref<33024xi32, #tpu.memory_space<vmem>>, vector<16xi32>,
      tpu.vector_store %arg9[%parallel_loop3A_247], %broadcast_in_dim3A_3 {strides = array<i32>} : memref<33024xi32, #tpu.memory_space<vmem>>, vector<16xi32>,
    } {sc.loop_unroll_factor = 8 : i64, sc.parallel_access}
    %iota3A = tpu.iota {dimensions = array<i32: 0>} : vector<16xi32>
    %mul3A_6 = arith.constant 2064 : i32
    %mul3A_7 = vector.broadcast %mul3A_6 : i32 to vector<16xi32>
    %mul3A_8 = arith.muli %iota3A, %mul3A_7 : vector<16xi32>
    %add3A_9 = arith.constant 0 : i32
    %add3A_10 = arith.addi %mul3A_2, %add3A_9 : i32
    %dma_start3A = arith.constant 0 : i32
    %dma_start3A_11 = tpu.memref_slice %arg2[%arg1, %add3A_10, %dma_start3A] : memref<16x512x512xf32, #tpu.memory_space<hbm>> -> memref<1x32x512xf32, #tpu.memory_space<hbm>>
    %dma_start3A_12 = tpu.memref_squeeze %dma_start3A_11 : memref<1x32x512xf32, #tpu.memory_space<hbm>> -> memref<32x512xf32, #tpu.memory_space<hbm>>
    %dma_start3A_13 = arith.constant 0 : i32
    %dma_start3A_14 = tpu.memref_slice %arg2[%arg1, %add3A_10, %dma_start3A_13] : memref<16x512x512xf32, #tpu.memory_space<hbm>> -> memref<1x32x512xf32, #tpu.memory_space<hbm>>
    %dma_start3A_15 = tpu.memref_squeeze %dma_start3A_14 : memref<1x32x512xf32, #tpu.memory_space<hbm>> -> memref<32x512xf32, #tpu.memory_space<hbm>>
    tpu.enqueue_dma source(%dma_start3A_15 : memref<32x512xf32, #tpu.memory_space<hbm>>) target(%arg5 : memref<32x512xf32, #tpu.memory_space<vmem>>) target_semaphore(%arg11 : memref<!tpu.dma_semaphore, #tpu.memory_space<semaphore_mem>>)
    %dma_start3A_16 = arith.constant 0 : i32
    %dma_start3A_17 = tpu.memref_slice %arg3[%arg1, %add3A_10, %dma_start3A_16] : memref<16x512x512xi32, #tpu.memory_space<hbm>> -> memref<1x32x512xi32, #tpu.memory_space<hbm>>
    %dma_start3A_18 = tpu.memref_squeeze %dma_start3A_17 : memref<1x32x512xi32, #tpu.memory_space<hbm>> -> memref<32x512xi32, #tpu.memory_space<hbm>>
    %dma_start3A_19 = arith.constant 0 : i32
    %dma_start3A_20 = tpu.memref_slice %arg3[%arg1, %add3A_10, %dma_start3A_19] : memref<16x512x512xi32, #tpu.memory_space<hbm>> -> memref<1x32x512xi32, #tpu.memory_space<hbm>>
    %dma_start3A_21 = tpu.memref_squeeze %dma_start3A_20 : memref<1x32x512xi32, #tpu.memory_space<hbm>> -> memref<32x512xi32, #tpu.memory_space<hbm>>
    tpu.enqueue_dma source(%dma_start3A_21 : memref<32x512xi32, #tpu.memory_space<hbm>>) target(%arg7 : memref<32x512xi32, #tpu.memory_space<vmem>>) target_semaphore(%arg13 : memref<!tpu.dma_semaphore, #tpu.memory_space<semaphore_mem>>)
    %dma_wait3A = arith.constant 0 : i32
    %dma_wait3A_22 = tpu.memref_slice %arg2[%arg1, %add3A_10, %dma_wait3A] : memref<16x512x512xf32, #tpu.memory_space<hbm>> -> memref<1x32x512xf32, #tpu.memory_space<hbm>>
    %dma_wait3A_23 = tpu.memref_squeeze %dma_wait3A_22 : memref<1x32x512xf32, #tpu.memory_space<hbm>> -> memref<32x512xf32, #tpu.memory_space<hbm>>
    %dma_wait3A_24 = arith.constant 0 : i32
    %dma_wait3A_25 = tpu.memref_slice %arg2[%arg1, %add3A_10, %dma_wait3A_24] : memref<16x512x512xf32, #tpu.memory_space<hbm>> -> memref<1x32x512xf32, #tpu.memory_space<hbm>>
    %dma_wait3A_26 = tpu.memref_squeeze %dma_wait3A_25 : memref<1x32x512xf32, #tpu.memory_space<hbm>> -> memref<32x512xf32, #tpu.memory_space<hbm>>
    tpu.wait_dma2 semaphore(%arg11 : memref<!tpu.dma_semaphore, #tpu.memory_space<semaphore_mem>>) src(%dma_wait3A_26 : memref<32x512xf32, #tpu.memory_space<hbm>>) dst(%arg5 : memref<32x512xf32, #tpu.memory_space<vmem>>)
    %dma_wait3A_27 = arith.constant 0 : i32
    %dma_wait3A_28 = tpu.memref_slice %arg3[%arg1, %add3A_10, %dma_wait3A_27] : memref<16x512x512xi32, #tpu.memory_space<hbm>> -> memref<1x32x512xi32, #tpu.memory_space<hbm>>
    %dma_wait3A_29 = tpu.memref_squeeze %dma_wait3A_28 : memref<1x32x512xi32, #tpu.memory_space<hbm>> -> memref<32x512xi32, #tpu.memory_space<hbm>>
    %dma_wait3A_30 = arith.constant 0 : i32
    %dma_wait3A_31 = tpu.memref_slice %arg3[%arg1, %add3A_10, %dma_wait3A_30] : memref<16x512x512xi32, #tpu.memory_space<hbm>> -> memref<1x32x512xi32, #tpu.memory_space<hbm>>
    %dma_wait3A_32 = tpu.memref_squeeze %dma_wait3A_31 : memref<1x32x512xi32, #tpu.memory_space<hbm>> -> memref<32x512xi32, #tpu.memory_space<hbm>>
    tpu.wait_dma2 semaphore(%arg13 : memref<!tpu.dma_semaphore, #tpu.memory_space<semaphore_mem>>) src(%dma_wait3A_32 : memref<32x512xi32, #tpu.memory_space<hbm>>) dst(%arg7 : memref<32x512xi32, #tpu.memory_space<vmem>>)
    %add3A_33 = arith.constant 32 : i32
    %add3A_34 = arith.addi %mul3A_2, %add3A_33 : i32
    %dma_start3A_35 = arith.constant 0 : i32
    %dma_start3A_36 = tpu.memref_slice %arg2[%arg1, %add3A_34, %dma_start3A_35] : memref<16x512x512xf32, #tpu.memory_space<hbm>> -> memref<1x32x512xf32, #tpu.memory_space<hbm>>
    %dma_start3A_37 = tpu.memref_squeeze %dma_start3A_36 : memref<1x32x512xf32, #tpu.memory_space<hbm>> -> memref<32x512xf32, #tpu.memory_space<hbm>>
    %dma_start3A_38 = arith.constant 0 : i32
    %dma_start3A_39 = tpu.memref_slice %arg2[%arg1, %add3A_34, %dma_start3A_38] : memref<16x512x512xf32, #tpu.memory_space<hbm>> -> memref<1x32x512xf32, #tpu.memory_space<hbm>>
    %dma_start3A_40 = tpu.memref_squeeze %dma_start3A_39 : memref<1x32x512xf32, #tpu.memory_space<hbm>> -> memref<32x512xf32, #tpu.memory_space<hbm>>
    tpu.enqueue_dma source(%dma_start3A_40 : memref<32x512xf32, #tpu.memory_space<hbm>>) target(%arg6 : memref<32x512xf32, #tpu.memory_space<vmem>>) target_semaphore(%arg12 : memref<!tpu.dma_semaphore, #tpu.memory_space<semaphore_mem>>)
    %dma_start3A_41 = arith.constant 0 : i32
    %dma_start3A_42 = tpu.memref_slice %arg3[%arg1, %add3A_34, %dma_start3A_41] : memref<16x512x512xi32, #tpu.memory_space<hbm>> -> memref<1x32x512xi32, #tpu.memory_space<hbm>>
    %dma_start3A_43 = tpu.memref_squeeze %dma_start3A_42 : memref<1x32x512xi32, #tpu.memory_space<hbm>> -> memref<32x512xi32, #tpu.memory_space<hbm>>
    %dma_start3A_44 = arith.constant 0 : i32
    %dma_start3A_45 = tpu.memref_slice %arg3[%arg1, %add3A_34, %dma_start3A_44] : memref<16x512x512xi32, #tpu.memory_space<hbm>> -> memref<1x32x512xi32, #tpu.memory_space<hbm>>
    %dma_start3A_46 = tpu.memref_squeeze %dma_start3A_45 : memref<1x32x512xi32, #tpu.memory_space<hbm>> -> memref<32x512xi32, #tpu.memory_space<hbm>>
    tpu.enqueue_dma source(%dma_start3A_46 : memref<32x512xi32, #tpu.memory_space<hbm>>) target(%arg8 : memref<32x512xi32, #tpu.memory_space<vmem>>) target_semaphore(%arg14 : memref<!tpu.dma_semaphore, #tpu.memory_space<semaphore_mem>>)
    %parallel_loop3A_47 = arith.constant 0 : i32
    %parallel_loop3A_48 = arith.constant 1024 : i32
    %parallel_loop3A_49 = arith.constant 1 : i32
    scf.for %parallel_loop3A_244 = %parallel_loop3A_47 to %parallel_loop3A_48 step %parallel_loop3A_49  : i32 {
      %parallel_loop3A_245 = arith.constant 32 : i32
      %parallel_loop3A_246 = arith.divsi %parallel_loop3A_244, %parallel_loop3A_245 : i32
      %parallel_loop3A_247 = arith.constant 0 : i32
      %parallel_loop3A_248 = arith.cmpi sgt, %parallel_loop3A_244, %parallel_loop3A_247 : i32
      %parallel_loop3A_249 = arith.extui %parallel_loop3A_248 : i1 to i32
      %parallel_loop3A_250 = arith.constant 0 : i32
      %parallel_loop3A_251 = arith.cmpi slt, %parallel_loop3A_244, %parallel_loop3A_250 : i32
      %parallel_loop3A_252 = arith.extui %parallel_loop3A_251 : i1 to i32
      %parallel_loop3A_253 = arith.subi %parallel_loop3A_249, %parallel_loop3A_252 : i32
      %parallel_loop3A_254 = arith.constant 0 : i32
      %parallel_loop3A_255 = arith.cmpi sgt, %parallel_loop3A_245, %parallel_loop3A_254 : i32
      %parallel_loop3A_256 = arith.extui %parallel_loop3A_255 : i1 to i32
      %parallel_loop3A_257 = arith.constant 0 : i32
      %parallel_loop3A_258 = arith.cmpi slt, %parallel_loop3A_245, %parallel_loop3A_257 : i32
      %parallel_loop3A_259 = arith.extui %parallel_loop3A_258 : i1 to i32
      %parallel_loop3A_260 = arith.subi %parallel_loop3A_256, %parallel_loop3A_259 : i32
      %parallel_loop3A_261 = arith.cmpi ne, %parallel_loop3A_253, %parallel_loop3A_260 : i32
      %parallel_loop3A_262 = arith.remsi %parallel_loop3A_244, %parallel_loop3A_245 : i32
      %parallel_loop3A_263 = arith.constant 0 : i32
      %parallel_loop3A_264 = arith.cmpi ne, %parallel_loop3A_262, %parallel_loop3A_263 : i32
      %parallel_loop3A_265 = arith.andi %parallel_loop3A_261, %parallel_loop3A_264 : i1
      %parallel_loop3A_266 = arith.constant 1 : i32
      %parallel_loop3A_267 = arith.subi %parallel_loop3A_246, %parallel_loop3A_266 : i32
      %parallel_loop3A_268 = arith.select %parallel_loop3A_265, %parallel_loop3A_267, %parallel_loop3A_246 : i32
      %parallel_loop3A_269 = arith.constant 32 : i32
      %parallel_loop3A_270 = arith.constant 0 : i32
      %parallel_loop3A_271 = arith.cmpi eq, %parallel_loop3A_269, %parallel_loop3A_270 : i32
      %parallel_loop3A_272 = arith.constant 1 : i32
      %parallel_loop3A_273 = arith.select %parallel_loop3A_271, %parallel_loop3A_272, %parallel_loop3A_269 : i32
      %parallel_loop3A_274 = arith.remsi %parallel_loop3A_244, %parallel_loop3A_273 : i32
      %parallel_loop3A_275 = arith.constant 0 : i32
      %parallel_loop3A_276 = arith.cmpi ne, %parallel_loop3A_274, %parallel_loop3A_275 : i32
      %parallel_loop3A_277 = arith.constant 0 : i32
      %parallel_loop3A_278 = arith.cmpi slt, %parallel_loop3A_274, %parallel_loop3A_277 : i32
      %parallel_loop3A_279 = arith.constant 0 : i32
      %parallel_loop3A_280 = arith.cmpi slt, %parallel_loop3A_273, %parallel_loop3A_279 : i32
      %parallel_loop3A_281 = arith.xori %parallel_loop3A_278, %parallel_loop3A_280 : i1
      %parallel_loop3A_282 = arith.andi %parallel_loop3A_281, %parallel_loop3A_276 : i1
      %parallel_loop3A_283 = arith.addi %parallel_loop3A_274, %parallel_loop3A_273 : i32
      %parallel_loop3A_284 = arith.select %parallel_loop3A_282, %parallel_loop3A_283, %parallel_loop3A_274 : i32
      %parallel_loop3A_285 = arith.constant 16 : i32
      %parallel_loop3A_286 = arith.muli %parallel_loop3A_284, %parallel_loop3A_285 : i32
      %parallel_loop3A_287 = arith.index_cast %parallel_loop3A_268 : i32 to index
      %parallel_loop3A_288 = arith.index_cast %parallel_loop3A_286 : i32 to index
      %parallel_loop3A_289 = tpu.vector_load %arg5[%parallel_loop3A_287, %parallel_loop3A_288] {strides = array<i32>} : memref<32x512xf32, #tpu.memory_space<vmem>>, vector<16xf32>,
      %parallel_loop3A_290 = arith.index_cast %parallel_loop3A_268 : i32 to index
      %parallel_loop3A_291 = arith.index_cast %parallel_loop3A_286 : i32 to index
      %parallel_loop3A_292 = tpu.vector_load %arg7[%parallel_loop3A_290, %parallel_loop3A_291] {strides = array<i32>} : memref<32x512xi32, #tpu.memory_space<vmem>>, vector<16xi32>,
      %parallel_loop3A_293 = arith.sitofp %parallel_loop3A_292 : vector<16xi32> to vector<16xf32>
      %parallel_loop3A_294 = arith.constant 2.000000e+00 : f32
      %parallel_loop3A_295 = vector.broadcast %parallel_loop3A_294 : f32 to vector<16xf32>
      %parallel_loop3A_296 = arith.mulf %parallel_loop3A_295, %parallel_loop3A_293 : vector<16xf32>
      %parallel_loop3A_297 = arith.constant 1.000000e+00 : f32
      %parallel_loop3A_298 = vector.broadcast %parallel_loop3A_297 : f32 to vector<16xf32>
      %parallel_loop3A_299 = arith.subf %parallel_loop3A_296, %parallel_loop3A_298 : vector<16xf32>
      %parallel_loop3A_300 = arith.mulf %parallel_loop3A_289, %parallel_loop3A_299 : vector<16xf32>
      %parallel_loop3A_301 = arith.constant 1.000000e+00 : f32
      %parallel_loop3A_302 = vector.broadcast %parallel_loop3A_301 : f32 to vector<16xf32>
      %parallel_loop3A_303 = arith.subf %parallel_loop3A_302, %parallel_loop3A_300 : vector<16xf32>
      %parallel_loop3A_304 = arith.constant 1.280000e+02 : f32
      %parallel_loop3A_305 = vector.broadcast %parallel_loop3A_304 : f32 to vector<16xf32>
      %parallel_loop3A_306 = arith.mulf %parallel_loop3A_303, %parallel_loop3A_305 : vector<16xf32>
      %parallel_loop3A_307 = arith.fptosi %parallel_loop3A_306 : vector<16xf32> to vector<16xi32>
      %parallel_loop3A_308 = arith.constant 0 : i32
      %parallel_loop3A_309 = arith.constant 2047 : i32
      %parallel_loop3A_310 = vector.broadcast %parallel_loop3A_308 : i32 to vector<16xi32>
      %parallel_loop3A_311 = arith.maxsi %parallel_loop3A_310, %parallel_loop3A_307 : vector<16xi32>
      %parallel_loop3A_312 = vector.broadcast %parallel_loop3A_309 : i32 to vector<16xi32>
      %parallel_loop3A_313 = arith.minsi %parallel_loop3A_312, %parallel_loop3A_311 : vector<16xi32>
      %parallel_loop3A_314 = arith.constant 0.000000e+00 : f32
      %parallel_loop3A_315 = vector.broadcast %parallel_loop3A_314 : f32 to vector<16xf32>
      %parallel_loop3A_316 = arith.cmpf ogt, %parallel_loop3A_303, %parallel_loop3A_315 : vector<16xf32>
      %parallel_loop3A_317 = arith.constant 2048 : i32
      %parallel_loop3A_318 = vector.broadcast %parallel_loop3A_317 : i32 to vector<16xi32>
      %parallel_loop3A_319 = arith.select %parallel_loop3A_316, %parallel_loop3A_313, %parallel_loop3A_318 : vector<16xi1>, vector<16xi32>
      %parallel_loop3A_320 = arith.constant 16 : i32
      %parallel_loop3A_321 = vector.broadcast %parallel_loop3A_320 : i32 to vector<16xi32>
      %parallel_loop3A_322 = arith.shli %parallel_loop3A_292, %parallel_loop3A_321 : vector<16xi32>
      %parallel_loop3A_323 = arith.constant 1 : i32
      %parallel_loop3A_324 = vector.broadcast %parallel_loop3A_323 : i32 to vector<16xi32>
      %parallel_loop3A_325 = arith.addi %parallel_loop3A_322, %parallel_loop3A_324 : vector<16xi32>
      %parallel_loop3A_326 = arith.addi %mul3A_8, %parallel_loop3A_319 : vector<16xi32>
      tpu.vector_store_idx %arg9[%parallel_loop3A_326], %parallel_loop3A_325 {add = true} : memref<33024xi32, #tpu.memory_space<vmem>>[vector<16xi32>], vector<16xi32>,
    } {sc.loop_unroll_factor = 8 : i64, sc.parallel_access}
    %dma_wait3A_50 = arith.constant 0 : i32
    %dma_wait3A_51 = tpu.memref_slice %arg2[%arg1, %add3A_34, %dma_wait3A_50] : memref<16x512x512xf32, #tpu.memory_space<hbm>> -> memref<1x32x512xf32, #tpu.memory_space<hbm>>
    %dma_wait3A_52 = tpu.memref_squeeze %dma_wait3A_51 : memref<1x32x512xf32, #tpu.memory_space<hbm>> -> memref<32x512xf32, #tpu.memory_space<hbm>>
    %dma_wait3A_53 = arith.constant 0 : i32
    %dma_wait3A_54 = tpu.memref_slice %arg2[%arg1, %add3A_34, %dma_wait3A_53] : memref<16x512x512xf32, #tpu.memory_space<hbm>> -> memref<1x32x512xf32, #tpu.memory_space<hbm>>
    %dma_wait3A_55 = tpu.memref_squeeze %dma_wait3A_54 : memref<1x32x512xf32, #tpu.memory_space<hbm>> -> memref<32x512xf32, #tpu.memory_space<hbm>>
    tpu.wait_dma2 semaphore(%arg12 : memref<!tpu.dma_semaphore, #tpu.memory_space<semaphore_mem>>) src(%dma_wait3A_55 : memref<32x512xf32, #tpu.memory_space<hbm>>) dst(%arg6 : memref<32x512xf32, #tpu.memory_space<vmem>>)
    %dma_wait3A_56 = arith.constant 0 : i32
    %dma_wait3A_57 = tpu.memref_slice %arg3[%arg1, %add3A_34, %dma_wait3A_56] : memref<16x512x512xi32, #tpu.memory_space<hbm>> -> memref<1x32x512xi32, #tpu.memory_space<hbm>>
    %dma_wait3A_58 = tpu.memref_squeeze %dma_wait3A_57 : memref<1x32x512xi32, #tpu.memory_space<hbm>> -> memref<32x512xi32, #tpu.memory_space<hbm>>
    %dma_wait3A_59 = arith.constant 0 : i32
    %dma_wait3A_60 = tpu.memref_slice %arg3[%arg1, %add3A_34, %dma_wait3A_59] : memref<16x512x512xi32, #tpu.memory_space<hbm>> -> memref<1x32x512xi32, #tpu.memory_space<hbm>>
    %dma_wait3A_61 = tpu.memref_squeeze %dma_wait3A_60 : memref<1x32x512xi32, #tpu.memory_space<hbm>> -> memref<32x512xi32, #tpu.memory_space<hbm>>
    tpu.wait_dma2 semaphore(%arg14 : memref<!tpu.dma_semaphore, #tpu.memory_space<semaphore_mem>>) src(%dma_wait3A_61 : memref<32x512xi32, #tpu.memory_space<hbm>>) dst(%arg8 : memref<32x512xi32, #tpu.memory_space<vmem>>)
    %add3A_62 = arith.constant 64 : i32
    %add3A_63 = arith.addi %mul3A_2, %add3A_62 : i32
    %dma_start3A_64 = arith.constant 0 : i32
    %dma_start3A_65 = tpu.memref_slice %arg2[%arg1, %add3A_63, %dma_start3A_64] : memref<16x512x512xf32, #tpu.memory_space<hbm>> -> memref<1x32x512xf32, #tpu.memory_space<hbm>>
    %dma_start3A_66 = tpu.memref_squeeze %dma_start3A_65 : memref<1x32x512xf32, #tpu.memory_space<hbm>> -> memref<32x512xf32, #tpu.memory_space<hbm>>
    %dma_start3A_67 = arith.constant 0 : i32
    %dma_start3A_68 = tpu.memref_slice %arg2[%arg1, %add3A_63, %dma_start3A_67] : memref<16x512x512xf32, #tpu.memory_space<hbm>> -> memref<1x32x512xf32, #tpu.memory_space<hbm>>
    %dma_start3A_69 = tpu.memref_squeeze %dma_start3A_68 : memref<1x32x512xf32, #tpu.memory_space<hbm>> -> memref<32x512xf32, #tpu.memory_space<hbm>>
    tpu.enqueue_dma source(%dma_start3A_69 : memref<32x512xf32, #tpu.memory_space<hbm>>) target(%arg5 : memref<32x512xf32, #tpu.memory_space<vmem>>) target_semaphore(%arg11 : memref<!tpu.dma_semaphore, #tpu.memory_space<semaphore_mem>>)
    %dma_start3A_70 = arith.constant 0 : i32
    %dma_start3A_71 = tpu.memref_slice %arg3[%arg1, %add3A_63, %dma_start3A_70] : memref<16x512x512xi32, #tpu.memory_space<hbm>> -> memref<1x32x512xi32, #tpu.memory_space<hbm>>
    %dma_start3A_72 = tpu.memref_squeeze %dma_start3A_71 : memref<1x32x512xi32, #tpu.memory_space<hbm>> -> memref<32x512xi32, #tpu.memory_space<hbm>>
    %dma_start3A_73 = arith.constant 0 : i32
    %dma_start3A_74 = tpu.memref_slice %arg3[%arg1, %add3A_63, %dma_start3A_73] : memref<16x512x512xi32, #tpu.memory_space<hbm>> -> memref<1x32x512xi32, #tpu.memory_space<hbm>>
    %dma_start3A_75 = tpu.memref_squeeze %dma_start3A_74 : memref<1x32x512xi32, #tpu.memory_space<hbm>> -> memref<32x512xi32, #tpu.memory_space<hbm>>
    tpu.enqueue_dma source(%dma_start3A_75 : memref<32x512xi32, #tpu.memory_space<hbm>>) target(%arg7 : memref<32x512xi32, #tpu.memory_space<vmem>>) target_semaphore(%arg13 : memref<!tpu.dma_semaphore, #tpu.memory_space<semaphore_mem>>)
    %parallel_loop3A_76 = arith.constant 0 : i32
    %parallel_loop3A_77 = arith.constant 1024 : i32
    %parallel_loop3A_78 = arith.constant 1 : i32
    scf.for %parallel_loop3A_244 = %parallel_loop3A_76 to %parallel_loop3A_77 step %parallel_loop3A_78  : i32 {
      %parallel_loop3A_245 = arith.constant 32 : i32
      %parallel_loop3A_246 = arith.divsi %parallel_loop3A_244, %parallel_loop3A_245 : i32
      %parallel_loop3A_247 = arith.constant 0 : i32
      %parallel_loop3A_248 = arith.cmpi sgt, %parallel_loop3A_244, %parallel_loop3A_247 : i32
      %parallel_loop3A_249 = arith.extui %parallel_loop3A_248 : i1 to i32
      %parallel_loop3A_250 = arith.constant 0 : i32
      %parallel_loop3A_251 = arith.cmpi slt, %parallel_loop3A_244, %parallel_loop3A_250 : i32
      %parallel_loop3A_252 = arith.extui %parallel_loop3A_251 : i1 to i32
      %parallel_loop3A_253 = arith.subi %parallel_loop3A_249, %parallel_loop3A_252 : i32
      %parallel_loop3A_254 = arith.constant 0 : i32
      %parallel_loop3A_255 = arith.cmpi sgt, %parallel_loop3A_245, %parallel_loop3A_254 : i32
      %parallel_loop3A_256 = arith.extui %parallel_loop3A_255 : i1 to i32
      %parallel_loop3A_257 = arith.constant 0 : i32
      %parallel_loop3A_258 = arith.cmpi slt, %parallel_loop3A_245, %parallel_loop3A_257 : i32
      %parallel_loop3A_259 = arith.extui %parallel_loop3A_258 : i1 to i32
      %parallel_loop3A_260 = arith.subi %parallel_loop3A_256, %parallel_loop3A_259 : i32
      %parallel_loop3A_261 = arith.cmpi ne, %parallel_loop3A_253, %parallel_loop3A_260 : i32
      %parallel_loop3A_262 = arith.remsi %parallel_loop3A_244, %parallel_loop3A_245 : i32
      %parallel_loop3A_263 = arith.constant 0 : i32
      %parallel_loop3A_264 = arith.cmpi ne, %parallel_loop3A_262, %parallel_loop3A_263 : i32
      %parallel_loop3A_265 = arith.andi %parallel_loop3A_261, %parallel_loop3A_264 : i1
      %parallel_loop3A_266 = arith.constant 1 : i32
      %parallel_loop3A_267 = arith.subi %parallel_loop3A_246, %parallel_loop3A_266 : i32
      %parallel_loop3A_268 = arith.select %parallel_loop3A_265, %parallel_loop3A_267, %parallel_loop3A_246 : i32
      %parallel_loop3A_269 = arith.constant 32 : i32
      %parallel_loop3A_270 = arith.constant 0 : i32
      %parallel_loop3A_271 = arith.cmpi eq, %parallel_loop3A_269, %parallel_loop3A_270 : i32
      %parallel_loop3A_272 = arith.constant 1 : i32
      %parallel_loop3A_273 = arith.select %parallel_loop3A_271, %parallel_loop3A_272, %parallel_loop3A_269 : i32
      %parallel_loop3A_274 = arith.remsi %parallel_loop3A_244, %parallel_loop3A_273 : i32
      %parallel_loop3A_275 = arith.constant 0 : i32
      %parallel_loop3A_276 = arith.cmpi ne, %parallel_loop3A_274, %parallel_loop3A_275 : i32
      %parallel_loop3A_277 = arith.constant 0 : i32
      %parallel_loop3A_278 = arith.cmpi slt, %parallel_loop3A_274, %parallel_loop3A_277 : i32
      %parallel_loop3A_279 = arith.constant 0 : i32
      %parallel_loop3A_280 = arith.cmpi slt, %parallel_loop3A_273, %parallel_loop3A_279 : i32
      %parallel_loop3A_281 = arith.xori %parallel_loop3A_278, %parallel_loop3A_280 : i1
      %parallel_loop3A_282 = arith.andi %parallel_loop3A_281, %parallel_loop3A_276 : i1
      %parallel_loop3A_283 = arith.addi %parallel_loop3A_274, %parallel_loop3A_273 : i32
      %parallel_loop3A_284 = arith.select %parallel_loop3A_282, %parallel_loop3A_283, %parallel_loop3A_274 : i32
      %parallel_loop3A_285 = arith.constant 16 : i32
      %parallel_loop3A_286 = arith.muli %parallel_loop3A_284, %parallel_loop3A_285 : i32
      %parallel_loop3A_287 = arith.index_cast %parallel_loop3A_268 : i32 to index
      %parallel_loop3A_288 = arith.index_cast %parallel_loop3A_286 : i32 to index
      %parallel_loop3A_289 = tpu.vector_load %arg6[%parallel_loop3A_287, %parallel_loop3A_288] {strides = array<i32>} : memref<32x512xf32, #tpu.memory_space<vmem>>, vector<16xf32>,
      %parallel_loop3A_290 = arith.index_cast %parallel_loop3A_268 : i32 to index
      %parallel_loop3A_291 = arith.index_cast %parallel_loop3A_286 : i32 to index
      %parallel_loop3A_292 = tpu.vector_load %arg8[%parallel_loop3A_290, %parallel_loop3A_291] {strides = array<i32>} : memref<32x512xi32, #tpu.memory_space<vmem>>, vector<16xi32>,
      %parallel_loop3A_293 = arith.sitofp %parallel_loop3A_292 : vector<16xi32> to vector<16xf32>
      %parallel_loop3A_294 = arith.constant 2.000000e+00 : f32
      %parallel_loop3A_295 = vector.broadcast %parallel_loop3A_294 : f32 to vector<16xf32>
      %parallel_loop3A_296 = arith.mulf %parallel_loop3A_295, %parallel_loop3A_293 : vector<16xf32>
      %parallel_loop3A_297 = arith.constant 1.000000e+00 : f32
      %parallel_loop3A_298 = vector.broadcast %parallel_loop3A_297 : f32 to vector<16xf32>
      %parallel_loop3A_299 = arith.subf %parallel_loop3A_296, %parallel_loop3A_298 : vector<16xf32>
      %parallel_loop3A_300 = arith.mulf %parallel_loop3A_289, %parallel_loop3A_299 : vector<16xf32>
      %parallel_loop3A_301 = arith.constant 1.000000e+00 : f32
      %parallel_loop3A_302 = vector.broadcast %parallel_loop3A_301 : f32 to vector<16xf32>
      %parallel_loop3A_303 = arith.subf %parallel_loop3A_302, %parallel_loop3A_300 : vector<16xf32>
      %parallel_loop3A_304 = arith.constant 1.280000e+02 : f32
      %parallel_loop3A_305 = vector.broadcast %parallel_loop3A_304 : f32 to vector<16xf32>
      %parallel_loop3A_306 = arith.mulf %parallel_loop3A_303, %parallel_loop3A_305 : vector<16xf32>
      %parallel_loop3A_307 = arith.fptosi %parallel_loop3A_306 : vector<16xf32> to vector<16xi32>
      %parallel_loop3A_308 = arith.constant 0 : i32
      %parallel_loop3A_309 = arith.constant 2047 : i32
      %parallel_loop3A_310 = vector.broadcast %parallel_loop3A_308 : i32 to vector<16xi32>
      %parallel_loop3A_311 = arith.maxsi %parallel_loop3A_310, %parallel_loop3A_307 : vector<16xi32>
      %parallel_loop3A_312 = vector.broadcast %parallel_loop3A_309 : i32 to vector<16xi32>
      %parallel_loop3A_313 = arith.minsi %parallel_loop3A_312, %parallel_loop3A_311 : vector<16xi32>
      %parallel_loop3A_314 = arith.constant 0.000000e+00 : f32
      %parallel_loop3A_315 = vector.broadcast %parallel_loop3A_314 : f32 to vector<16xf32>
      %parallel_loop3A_316 = arith.cmpf ogt, %parallel_loop3A_303, %parallel_loop3A_315 : vector<16xf32>
      %parallel_loop3A_317 = arith.constant 2048 : i32
      %parallel_loop3A_318 = vector.broadcast %parallel_loop3A_317 : i32 to vector<16xi32>
      %parallel_loop3A_319 = arith.select %parallel_loop3A_316, %parallel_loop3A_313, %parallel_loop3A_318 : vector<16xi1>, vector<16xi32>
      %parallel_loop3A_320 = arith.constant 16 : i32
      %parallel_loop3A_321 = vector.broadcast %parallel_loop3A_320 : i32 to vector<16xi32>
      %parallel_loop3A_322 = arith.shli %parallel_loop3A_292, %parallel_loop3A_321 : vector<16xi32>
      %parallel_loop3A_323 = arith.constant 1 : i32
      %parallel_loop3A_324 = vector.broadcast %parallel_loop3A_323 : i32 to vector<16xi32>
      %parallel_loop3A_325 = arith.addi %parallel_loop3A_322, %parallel_loop3A_324 : vector<16xi32>
      %parallel_loop3A_326 = arith.addi %mul3A_8, %parallel_loop3A_319 : vector<16xi32>
      tpu.vector_store_idx %arg9[%parallel_loop3A_326], %parallel_loop3A_325 {add = true} : memref<33024xi32, #tpu.memory_space<vmem>>[vector<16xi32>], vector<16xi32>,
    } {sc.loop_unroll_factor = 8 : i64, sc.parallel_access}
    %dma_wait3A_79 = arith.constant 0 : i32
    %dma_wait3A_80 = tpu.memref_slice %arg2[%arg1, %add3A_63, %dma_wait3A_79] : memref<16x512x512xf32, #tpu.memory_space<hbm>> -> memref<1x32x512xf32, #tpu.memory_space<hbm>>
    %dma_wait3A_81 = tpu.memref_squeeze %dma_wait3A_80 : memref<1x32x512xf32, #tpu.memory_space<hbm>> -> memref<32x512xf32, #tpu.memory_space<hbm>>
    %dma_wait3A_82 = arith.constant 0 : i32
    %dma_wait3A_83 = tpu.memref_slice %arg2[%arg1, %add3A_63, %dma_wait3A_82] : memref<16x512x512xf32, #tpu.memory_space<hbm>> -> memref<1x32x512xf32, #tpu.memory_space<hbm>>
    %dma_wait3A_84 = tpu.memref_squeeze %dma_wait3A_83 : memref<1x32x512xf32, #tpu.memory_space<hbm>> -> memref<32x512xf32, #tpu.memory_space<hbm>>
    tpu.wait_dma2 semaphore(%arg11 : memref<!tpu.dma_semaphore, #tpu.memory_space<semaphore_mem>>) src(%dma_wait3A_84 : memref<32x512xf32, #tpu.memory_space<hbm>>) dst(%arg5 : memref<32x512xf32, #tpu.memory_space<vmem>>)
    %dma_wait3A_85 = arith.constant 0 : i32
    %dma_wait3A_86 = tpu.memref_slice %arg3[%arg1, %add3A_63, %dma_wait3A_85] : memref<16x512x512xi32, #tpu.memory_space<hbm>> -> memref<1x32x512xi32, #tpu.memory_space<hbm>>
    %dma_wait3A_87 = tpu.memref_squeeze %dma_wait3A_86 : memref<1x32x512xi32, #tpu.memory_space<hbm>> -> memref<32x512xi32, #tpu.memory_space<hbm>>
    %dma_wait3A_88 = arith.constant 0 : i32
    %dma_wait3A_89 = tpu.memref_slice %arg3[%arg1, %add3A_63, %dma_wait3A_88] : memref<16x512x512xi32, #tpu.memory_space<hbm>> -> memref<1x32x512xi32, #tpu.memory_space<hbm>>
    %dma_wait3A_90 = tpu.memref_squeeze %dma_wait3A_89 : memref<1x32x512xi32, #tpu.memory_space<hbm>> -> memref<32x512xi32, #tpu.memory_space<hbm>>
    tpu.wait_dma2 semaphore(%arg13 : memref<!tpu.dma_semaphore, #tpu.memory_space<semaphore_mem>>) src(%dma_wait3A_90 : memref<32x512xi32, #tpu.memory_space<hbm>>) dst(%arg7 : memref<32x512xi32, #tpu.memory_space<vmem>>)
    %add3A_91 = arith.constant 96 : i32
    %add3A_92 = arith.addi %mul3A_2, %add3A_91 : i32
    %dma_start3A_93 = arith.constant 0 : i32
    %dma_start3A_94 = tpu.memref_slice %arg2[%arg1, %add3A_92, %dma_start3A_93] : memref<16x512x512xf32, #tpu.memory_space<hbm>> -> memref<1x32x512xf32, #tpu.memory_space<hbm>>
    %dma_start3A_95 = tpu.memref_squeeze %dma_start3A_94 : memref<1x32x512xf32, #tpu.memory_space<hbm>> -> memref<32x512xf32, #tpu.memory_space<hbm>>
    %dma_start3A_96 = arith.constant 0 : i32
    %dma_start3A_97 = tpu.memref_slice %arg2[%arg1, %add3A_92, %dma_start3A_96] : memref<16x512x512xf32, #tpu.memory_space<hbm>> -> memref<1x32x512xf32, #tpu.memory_space<hbm>>
    %dma_start3A_98 = tpu.memref_squeeze %dma_start3A_97 : memref<1x32x512xf32, #tpu.memory_space<hbm>> -> memref<32x512xf32, #tpu.memory_space<hbm>>
    tpu.enqueue_dma source(%dma_start3A_98 : memref<32x512xf32, #tpu.memory_space<hbm>>) target(%arg6 : memref<32x512xf32, #tpu.memory_space<vmem>>) target_semaphore(%arg12 : memref<!tpu.dma_semaphore, #tpu.memory_space<semaphore_mem>>)
    %dma_start3A_99 = arith.constant 0 : i32
    %dma_start3A_100 = tpu.memref_slice %arg3[%arg1, %add3A_92, %dma_start3A_99] : memref<16x512x512xi32, #tpu.memory_space<hbm>> -> memref<1x32x512xi32, #tpu.memory_space<hbm>>
    %dma_start3A_101 = tpu.memref_squeeze %dma_start3A_100 : memref<1x32x512xi32, #tpu.memory_space<hbm>> -> memref<32x512xi32, #tpu.memory_space<hbm>>
    %dma_start3A_102 = arith.constant 0 : i32
    %dma_start3A_103 = tpu.memref_slice %arg3[%arg1, %add3A_92, %dma_start3A_102] : memref<16x512x512xi32, #tpu.memory_space<hbm>> -> memref<1x32x512xi32, #tpu.memory_space<hbm>>
    %dma_start3A_104 = tpu.memref_squeeze %dma_start3A_103 : memref<1x32x512xi32, #tpu.memory_space<hbm>> -> memref<32x512xi32, #tpu.memory_space<hbm>>
    tpu.enqueue_dma source(%dma_start3A_104 : memref<32x512xi32, #tpu.memory_space<hbm>>) target(%arg8 : memref<32x512xi32, #tpu.memory_space<vmem>>) target_semaphore(%arg14 : memref<!tpu.dma_semaphore, #tpu.memory_space<semaphore_mem>>)
    %parallel_loop3A_105 = arith.constant 0 : i32
    %parallel_loop3A_106 = arith.constant 1024 : i32
    %parallel_loop3A_107 = arith.constant 1 : i32
    scf.for %parallel_loop3A_244 = %parallel_loop3A_105 to %parallel_loop3A_106 step %parallel_loop3A_107  : i32 {
      %parallel_loop3A_245 = arith.constant 32 : i32
      %parallel_loop3A_246 = arith.divsi %parallel_loop3A_244, %parallel_loop3A_245 : i32
      %parallel_loop3A_247 = arith.constant 0 : i32
      %parallel_loop3A_248 = arith.cmpi sgt, %parallel_loop3A_244, %parallel_loop3A_247 : i32
      %parallel_loop3A_249 = arith.extui %parallel_loop3A_248 : i1 to i32
      %parallel_loop3A_250 = arith.constant 0 : i32
      %parallel_loop3A_251 = arith.cmpi slt, %parallel_loop3A_244, %parallel_loop3A_250 : i32
      %parallel_loop3A_252 = arith.extui %parallel_loop3A_251 : i1 to i32
      %parallel_loop3A_253 = arith.subi %parallel_loop3A_249, %parallel_loop3A_252 : i32
      %parallel_loop3A_254 = arith.constant 0 : i32
      %parallel_loop3A_255 = arith.cmpi sgt, %parallel_loop3A_245, %parallel_loop3A_254 : i32
      %parallel_loop3A_256 = arith.extui %parallel_loop3A_255 : i1 to i32
      %parallel_loop3A_257 = arith.constant 0 : i32
      %parallel_loop3A_258 = arith.cmpi slt, %parallel_loop3A_245, %parallel_loop3A_257 : i32
      %parallel_loop3A_259 = arith.extui %parallel_loop3A_258 : i1 to i32
      %parallel_loop3A_260 = arith.subi %parallel_loop3A_256, %parallel_loop3A_259 : i32
      %parallel_loop3A_261 = arith.cmpi ne, %parallel_loop3A_253, %parallel_loop3A_260 : i32
      %parallel_loop3A_262 = arith.remsi %parallel_loop3A_244, %parallel_loop3A_245 : i32
      %parallel_loop3A_263 = arith.constant 0 : i32
      %parallel_loop3A_264 = arith.cmpi ne, %parallel_loop3A_262, %parallel_loop3A_263 : i32
      %parallel_loop3A_265 = arith.andi %parallel_loop3A_261, %parallel_loop3A_264 : i1
      %parallel_loop3A_266 = arith.constant 1 : i32
      %parallel_loop3A_267 = arith.subi %parallel_loop3A_246, %parallel_loop3A_266 : i32
      %parallel_loop3A_268 = arith.select %parallel_loop3A_265, %parallel_loop3A_267, %parallel_loop3A_246 : i32
      %parallel_loop3A_269 = arith.constant 32 : i32
      %parallel_loop3A_270 = arith.constant 0 : i32
      %parallel_loop3A_271 = arith.cmpi eq, %parallel_loop3A_269, %parallel_loop3A_270 : i32
      %parallel_loop3A_272 = arith.constant 1 : i32
      %parallel_loop3A_273 = arith.select %parallel_loop3A_271, %parallel_loop3A_272, %parallel_loop3A_269 : i32
      %parallel_loop3A_274 = arith.remsi %parallel_loop3A_244, %parallel_loop3A_273 : i32
      %parallel_loop3A_275 = arith.constant 0 : i32
      %parallel_loop3A_276 = arith.cmpi ne, %parallel_loop3A_274, %parallel_loop3A_275 : i32
      %parallel_loop3A_277 = arith.constant 0 : i32
      %parallel_loop3A_278 = arith.cmpi slt, %parallel_loop3A_274, %parallel_loop3A_277 : i32
      %parallel_loop3A_279 = arith.constant 0 : i32
      %parallel_loop3A_280 = arith.cmpi slt, %parallel_loop3A_273, %parallel_loop3A_279 : i32
      %parallel_loop3A_281 = arith.xori %parallel_loop3A_278, %parallel_loop3A_280 : i1
      %parallel_loop3A_282 = arith.andi %parallel_loop3A_281, %parallel_loop3A_276 : i1
      %parallel_loop3A_283 = arith.addi %parallel_loop3A_274, %parallel_loop3A_273 : i32
      %parallel_loop3A_284 = arith.select %parallel_loop3A_282, %parallel_loop3A_283, %parallel_loop3A_274 : i32
      %parallel_loop3A_285 = arith.constant 16 : i32
      %parallel_loop3A_286 = arith.muli %parallel_loop3A_284, %parallel_loop3A_285 : i32
      %parallel_loop3A_287 = arith.index_cast %parallel_loop3A_268 : i32 to index
      %parallel_loop3A_288 = arith.index_cast %parallel_loop3A_286 : i32 to index
      %parallel_loop3A_289 = tpu.vector_load %arg5[%parallel_loop3A_287, %parallel_loop3A_288] {strides = array<i32>} : memref<32x512xf32, #tpu.memory_space<vmem>>, vector<16xf32>,
      %parallel_loop3A_290 = arith.index_cast %parallel_loop3A_268 : i32 to index
      %parallel_loop3A_291 = arith.index_cast %parallel_loop3A_286 : i32 to index
      %parallel_loop3A_292 = tpu.vector_load %arg7[%parallel_loop3A_290, %parallel_loop3A_291] {strides = array<i32>} : memref<32x512xi32, #tpu.memory_space<vmem>>, vector<16xi32>,
      %parallel_loop3A_293 = arith.sitofp %parallel_loop3A_292 : vector<16xi32> to vector<16xf32>
      %parallel_loop3A_294 = arith.constant 2.000000e+00 : f32
      %parallel_loop3A_295 = vector.broadcast %parallel_loop3A_294 : f32 to vector<16xf32>
      %parallel_loop3A_296 = arith.mulf %parallel_loop3A_295, %parallel_loop3A_293 : vector<16xf32>
      %parallel_loop3A_297 = arith.constant 1.000000e+00 : f32
      %parallel_loop3A_298 = vector.broadcast %parallel_loop3A_297 : f32 to vector<16xf32>
      %parallel_loop3A_299 = arith.subf %parallel_loop3A_296, %parallel_loop3A_298 : vector<16xf32>
      %parallel_loop3A_300 = arith.mulf %parallel_loop3A_289, %parallel_loop3A_299 : vector<16xf32>
      %parallel_loop3A_301 = arith.constant 1.000000e+00 : f32
      %parallel_loop3A_302 = vector.broadcast %parallel_loop3A_301 : f32 to vector<16xf32>
      %parallel_loop3A_303 = arith.subf %parallel_loop3A_302, %parallel_loop3A_300 : vector<16xf32>
      %parallel_loop3A_304 = arith.constant 1.280000e+02 : f32
      %parallel_loop3A_305 = vector.broadcast %parallel_loop3A_304 : f32 to vector<16xf32>
      %parallel_loop3A_306 = arith.mulf %parallel_loop3A_303, %parallel_loop3A_305 : vector<16xf32>
      %parallel_loop3A_307 = arith.fptosi %parallel_loop3A_306 : vector<16xf32> to vector<16xi32>
      %parallel_loop3A_308 = arith.constant 0 : i32
      %parallel_loop3A_309 = arith.constant 2047 : i32
      %parallel_loop3A_310 = vector.broadcast %parallel_loop3A_308 : i32 to vector<16xi32>
      %parallel_loop3A_311 = arith.maxsi %parallel_loop3A_310, %parallel_loop3A_307 : vector<16xi32>
      %parallel_loop3A_312 = vector.broadcast %parallel_loop3A_309 : i32 to vector<16xi32>
      %parallel_loop3A_313 = arith.minsi %parallel_loop3A_312, %parallel_loop3A_311 : vector<16xi32>
      %parallel_loop3A_314 = arith.constant 0.000000e+00 : f32
      %parallel_loop3A_315 = vector.broadcast %parallel_loop3A_314 : f32 to vector<16xf32>
      %parallel_loop3A_316 = arith.cmpf ogt, %parallel_loop3A_303, %parallel_loop3A_315 : vector<16xf32>
      %parallel_loop3A_317 = arith.constant 2048 : i32
      %parallel_loop3A_318 = vector.broadcast %parallel_loop3A_317 : i32 to vector<16xi32>
      %parallel_loop3A_319 = arith.select %parallel_loop3A_316, %parallel_loop3A_313, %parallel_loop3A_318 : vector<16xi1>, vector<16xi32>
      %parallel_loop3A_320 = arith.constant 16 : i32
      %parallel_loop3A_321 = vector.broadcast %parallel_loop3A_320 : i32 to vector<16xi32>
      %parallel_loop3A_322 = arith.shli %parallel_loop3A_292, %parallel_loop3A_321 : vector<16xi32>
      %parallel_loop3A_323 = arith.constant 1 : i32
      %parallel_loop3A_324 = vector.broadcast %parallel_loop3A_323 : i32 to vector<16xi32>
      %parallel_loop3A_325 = arith.addi %parallel_loop3A_322, %parallel_loop3A_324 : vector<16xi32>
      %parallel_loop3A_326 = arith.addi %mul3A_8, %parallel_loop3A_319 : vector<16xi32>
      tpu.vector_store_idx %arg9[%parallel_loop3A_326], %parallel_loop3A_325 {add = true} : memref<33024xi32, #tpu.memory_space<vmem>>[vector<16xi32>], vector<16xi32>,
    } {sc.loop_unroll_factor = 8 : i64, sc.parallel_access}
    %dma_wait3A_108 = arith.constant 0 : i32
    %dma_wait3A_109 = tpu.memref_slice %arg2[%arg1, %add3A_92, %dma_wait3A_108] : memref<16x512x512xf32, #tpu.memory_space<hbm>> -> memref<1x32x512xf32, #tpu.memory_space<hbm>>
    %dma_wait3A_110 = tpu.memref_squeeze %dma_wait3A_109 : memref<1x32x512xf32, #tpu.memory_space<hbm>> -> memref<32x512xf32, #tpu.memory_space<hbm>>
    %dma_wait3A_111 = arith.constant 0 : i32
    %dma_wait3A_112 = tpu.memref_slice %arg2[%arg1, %add3A_92, %dma_wait3A_111] : memref<16x512x512xf32, #tpu.memory_space<hbm>> -> memref<1x32x512xf32, #tpu.memory_space<hbm>>
    %dma_wait3A_113 = tpu.memref_squeeze %dma_wait3A_112 : memref<1x32x512xf32, #tpu.memory_space<hbm>> -> memref<32x512xf32, #tpu.memory_space<hbm>>
    tpu.wait_dma2 semaphore(%arg12 : memref<!tpu.dma_semaphore, #tpu.memory_space<semaphore_mem>>) src(%dma_wait3A_113 : memref<32x512xf32, #tpu.memory_space<hbm>>) dst(%arg6 : memref<32x512xf32, #tpu.memory_space<vmem>>)
    %dma_wait3A_114 = arith.constant 0 : i32
    %dma_wait3A_115 = tpu.memref_slice %arg3[%arg1, %add3A_92, %dma_wait3A_114] : memref<16x512x512xi32, #tpu.memory_space<hbm>> -> memref<1x32x512xi32, #tpu.memory_space<hbm>>
    %dma_wait3A_116 = tpu.memref_squeeze %dma_wait3A_115 : memref<1x32x512xi32, #tpu.memory_space<hbm>> -> memref<32x512xi32, #tpu.memory_space<hbm>>
    %dma_wait3A_117 = arith.constant 0 : i32
    %dma_wait3A_118 = tpu.memref_slice %arg3[%arg1, %add3A_92, %dma_wait3A_117] : memref<16x512x512xi32, #tpu.memory_space<hbm>> -> memref<1x32x512xi32, #tpu.memory_space<hbm>>
    %dma_wait3A_119 = tpu.memref_squeeze %dma_wait3A_118 : memref<1x32x512xi32, #tpu.memory_space<hbm>> -> memref<32x512xi32, #tpu.memory_space<hbm>>
    tpu.wait_dma2 semaphore(%arg14 : memref<!tpu.dma_semaphore, #tpu.memory_space<semaphore_mem>>) src(%dma_wait3A_119 : memref<32x512xi32, #tpu.memory_space<hbm>>) dst(%arg8 : memref<32x512xi32, #tpu.memory_space<vmem>>)
    %add3A_120 = arith.constant 128 : i32
    %add3A_121 = arith.addi %mul3A_2, %add3A_120 : i32
    %dma_start3A_122 = arith.constant 0 : i32
    %dma_start3A_123 = tpu.memref_slice %arg2[%arg1, %add3A_121, %dma_start3A_122] : memref<16x512x512xf32, #tpu.memory_space<hbm>> -> memref<1x32x512xf32, #tpu.memory_space<hbm>>
    %dma_start3A_124 = tpu.memref_squeeze %dma_start3A_123 : memref<1x32x512xf32, #tpu.memory_space<hbm>> -> memref<32x512xf32, #tpu.memory_space<hbm>>
    %dma_start3A_125 = arith.constant 0 : i32
    %dma_start3A_126 = tpu.memref_slice %arg2[%arg1, %add3A_121, %dma_start3A_125] : memref<16x512x512xf32, #tpu.memory_space<hbm>> -> memref<1x32x512xf32, #tpu.memory_space<hbm>>
    %dma_start3A_127 = tpu.memref_squeeze %dma_start3A_126 : memref<1x32x512xf32, #tpu.memory_space<hbm>> -> memref<32x512xf32, #tpu.memory_space<hbm>>
    tpu.enqueue_dma source(%dma_start3A_127 : memref<32x512xf32, #tpu.memory_space<hbm>>) target(%arg5 : memref<32x512xf32, #tpu.memory_space<vmem>>) target_semaphore(%arg11 : memref<!tpu.dma_semaphore, #tpu.memory_space<semaphore_mem>>)
    %dma_start3A_128 = arith.constant 0 : i32
    %dma_start3A_129 = tpu.memref_slice %arg3[%arg1, %add3A_121, %dma_start3A_128] : memref<16x512x512xi32, #tpu.memory_space<hbm>> -> memref<1x32x512xi32, #tpu.memory_space<hbm>>
    %dma_start3A_130 = tpu.memref_squeeze %dma_start3A_129 : memref<1x32x512xi32, #tpu.memory_space<hbm>> -> memref<32x512xi32, #tpu.memory_space<hbm>>
    %dma_start3A_131 = arith.constant 0 : i32
    %dma_start3A_132 = tpu.memref_slice %arg3[%arg1, %add3A_121, %dma_start3A_131] : memref<16x512x512xi32, #tpu.memory_space<hbm>> -> memref<1x32x512xi32, #tpu.memory_space<hbm>>
    %dma_start3A_133 = tpu.memref_squeeze %dma_start3A_132 : memref<1x32x512xi32, #tpu.memory_space<hbm>> -> memref<32x512xi32, #tpu.memory_space<hbm>>
    tpu.enqueue_dma source(%dma_start3A_133 : memref<32x512xi32, #tpu.memory_space<hbm>>) target(%arg7 : memref<32x512xi32, #tpu.memory_space<vmem>>) target_semaphore(%arg13 : memref<!tpu.dma_semaphore, #tpu.memory_space<semaphore_mem>>)
    %parallel_loop3A_134 = arith.constant 0 : i32
    %parallel_loop3A_135 = arith.constant 1024 : i32
    %parallel_loop3A_136 = arith.constant 1 : i32
    scf.for %parallel_loop3A_244 = %parallel_loop3A_134 to %parallel_loop3A_135 step %parallel_loop3A_136  : i32 {
      %parallel_loop3A_245 = arith.constant 32 : i32
      %parallel_loop3A_246 = arith.divsi %parallel_loop3A_244, %parallel_loop3A_245 : i32
      %parallel_loop3A_247 = arith.constant 0 : i32
      %parallel_loop3A_248 = arith.cmpi sgt, %parallel_loop3A_244, %parallel_loop3A_247 : i32
      %parallel_loop3A_249 = arith.extui %parallel_loop3A_248 : i1 to i32
      %parallel_loop3A_250 = arith.constant 0 : i32
      %parallel_loop3A_251 = arith.cmpi slt, %parallel_loop3A_244, %parallel_loop3A_250 : i32
      %parallel_loop3A_252 = arith.extui %parallel_loop3A_251 : i1 to i32
      %parallel_loop3A_253 = arith.subi %parallel_loop3A_249, %parallel_loop3A_252 : i32
      %parallel_loop3A_254 = arith.constant 0 : i32
      %parallel_loop3A_255 = arith.cmpi sgt, %parallel_loop3A_245, %parallel_loop3A_254 : i32
      %parallel_loop3A_256 = arith.extui %parallel_loop3A_255 : i1 to i32
      %parallel_loop3A_257 = arith.constant 0 : i32
      %parallel_loop3A_258 = arith.cmpi slt, %parallel_loop3A_245, %parallel_loop3A_257 : i32
      %parallel_loop3A_259 = arith.extui %parallel_loop3A_258 : i1 to i32
      %parallel_loop3A_260 = arith.subi %parallel_loop3A_256, %parallel_loop3A_259 : i32
      %parallel_loop3A_261 = arith.cmpi ne, %parallel_loop3A_253, %parallel_loop3A_260 : i32
      %parallel_loop3A_262 = arith.remsi %parallel_loop3A_244, %parallel_loop3A_245 : i32
      %parallel_loop3A_263 = arith.constant 0 : i32
      %parallel_loop3A_264 = arith.cmpi ne, %parallel_loop3A_262, %parallel_loop3A_263 : i32
      %parallel_loop3A_265 = arith.andi %parallel_loop3A_261, %parallel_loop3A_264 : i1
      %parallel_loop3A_266 = arith.constant 1 : i32
      %parallel_loop3A_267 = arith.subi %parallel_loop3A_246, %parallel_loop3A_266 : i32
      %parallel_loop3A_268 = arith.select %parallel_loop3A_265, %parallel_loop3A_267, %parallel_loop3A_246 : i32
      %parallel_loop3A_269 = arith.constant 32 : i32
      %parallel_loop3A_270 = arith.constant 0 : i32
      %parallel_loop3A_271 = arith.cmpi eq, %parallel_loop3A_269, %parallel_loop3A_270 : i32
      %parallel_loop3A_272 = arith.constant 1 : i32
      %parallel_loop3A_273 = arith.select %parallel_loop3A_271, %parallel_loop3A_272, %parallel_loop3A_269 : i32
      %parallel_loop3A_274 = arith.remsi %parallel_loop3A_244, %parallel_loop3A_273 : i32
      %parallel_loop3A_275 = arith.constant 0 : i32
      %parallel_loop3A_276 = arith.cmpi ne, %parallel_loop3A_274, %parallel_loop3A_275 : i32
      %parallel_loop3A_277 = arith.constant 0 : i32
      %parallel_loop3A_278 = arith.cmpi slt, %parallel_loop3A_274, %parallel_loop3A_277 : i32
      %parallel_loop3A_279 = arith.constant 0 : i32
      %parallel_loop3A_280 = arith.cmpi slt, %parallel_loop3A_273, %parallel_loop3A_279 : i32
      %parallel_loop3A_281 = arith.xori %parallel_loop3A_278, %parallel_loop3A_280 : i1
      %parallel_loop3A_282 = arith.andi %parallel_loop3A_281, %parallel_loop3A_276 : i1
      %parallel_loop3A_283 = arith.addi %parallel_loop3A_274, %parallel_loop3A_273 : i32
      %parallel_loop3A_284 = arith.select %parallel_loop3A_282, %parallel_loop3A_283, %parallel_loop3A_274 : i32
      %parallel_loop3A_285 = arith.constant 16 : i32
      %parallel_loop3A_286 = arith.muli %parallel_loop3A_284, %parallel_loop3A_285 : i32
      %parallel_loop3A_287 = arith.index_cast %parallel_loop3A_268 : i32 to index
      %parallel_loop3A_288 = arith.index_cast %parallel_loop3A_286 : i32 to index
      %parallel_loop3A_289 = tpu.vector_load %arg6[%parallel_loop3A_287, %parallel_loop3A_288] {strides = array<i32>} : memref<32x512xf32, #tpu.memory_space<vmem>>, vector<16xf32>,
      %parallel_loop3A_290 = arith.index_cast %parallel_loop3A_268 : i32 to index
      %parallel_loop3A_291 = arith.index_cast %parallel_loop3A_286 : i32 to index
      %parallel_loop3A_292 = tpu.vector_load %arg8[%parallel_loop3A_290, %parallel_loop3A_291] {strides = array<i32>} : memref<32x512xi32, #tpu.memory_space<vmem>>, vector<16xi32>,
      %parallel_loop3A_293 = arith.sitofp %parallel_loop3A_292 : vector<16xi32> to vector<16xf32>
      %parallel_loop3A_294 = arith.constant 2.000000e+00 : f32
      %parallel_loop3A_295 = vector.broadcast %parallel_loop3A_294 : f32 to vector<16xf32>
      %parallel_loop3A_296 = arith.mulf %parallel_loop3A_295, %parallel_loop3A_293 : vector<16xf32>
      %parallel_loop3A_297 = arith.constant 1.000000e+00 : f32
      %parallel_loop3A_298 = vector.broadcast %parallel_loop3A_297 : f32 to vector<16xf32>
      %parallel_loop3A_299 = arith.subf %parallel_loop3A_296, %parallel_loop3A_298 : vector<16xf32>
      %parallel_loop3A_300 = arith.mulf %parallel_loop3A_289, %parallel_loop3A_299 : vector<16xf32>
      %parallel_loop3A_301 = arith.constant 1.000000e+00 : f32
      %parallel_loop3A_302 = vector.broadcast %parallel_loop3A_301 : f32 to vector<16xf32>
      %parallel_loop3A_303 = arith.subf %parallel_loop3A_302, %parallel_loop3A_300 : vector<16xf32>
      %parallel_loop3A_304 = arith.constant 1.280000e+02 : f32
      %parallel_loop3A_305 = vector.broadcast %parallel_loop3A_304 : f32 to vector<16xf32>
      %parallel_loop3A_306 = arith.mulf %parallel_loop3A_303, %parallel_loop3A_305 : vector<16xf32>
      %parallel_loop3A_307 = arith.fptosi %parallel_loop3A_306 : vector<16xf32> to vector<16xi32>
      %parallel_loop3A_308 = arith.constant 0 : i32
      %parallel_loop3A_309 = arith.constant 2047 : i32
      %parallel_loop3A_310 = vector.broadcast %parallel_loop3A_308 : i32 to vector<16xi32>
      %parallel_loop3A_311 = arith.maxsi %parallel_loop3A_310, %parallel_loop3A_307 : vector<16xi32>
      %parallel_loop3A_312 = vector.broadcast %parallel_loop3A_309 : i32 to vector<16xi32>
      %parallel_loop3A_313 = arith.minsi %parallel_loop3A_312, %parallel_loop3A_311 : vector<16xi32>
      %parallel_loop3A_314 = arith.constant 0.000000e+00 : f32
      %parallel_loop3A_315 = vector.broadcast %parallel_loop3A_314 : f32 to vector<16xf32>
      %parallel_loop3A_316 = arith.cmpf ogt, %parallel_loop3A_303, %parallel_loop3A_315 : vector<16xf32>
      %parallel_loop3A_317 = arith.constant 2048 : i32
      %parallel_loop3A_318 = vector.broadcast %parallel_loop3A_317 : i32 to vector<16xi32>
      %parallel_loop3A_319 = arith.select %parallel_loop3A_316, %parallel_loop3A_313, %parallel_loop3A_318 : vector<16xi1>, vector<16xi32>
      %parallel_loop3A_320 = arith.constant 16 : i32
      %parallel_loop3A_321 = vector.broadcast %parallel_loop3A_320 : i32 to vector<16xi32>
      %parallel_loop3A_322 = arith.shli %parallel_loop3A_292, %parallel_loop3A_321 : vector<16xi32>
      %parallel_loop3A_323 = arith.constant 1 : i32
      %parallel_loop3A_324 = vector.broadcast %parallel_loop3A_323 : i32 to vector<16xi32>
      %parallel_loop3A_325 = arith.addi %parallel_loop3A_322, %parallel_loop3A_324 : vector<16xi32>
      %parallel_loop3A_326 = arith.addi %mul3A_8, %parallel_loop3A_319 : vector<16xi32>
      tpu.vector_store_idx %arg9[%parallel_loop3A_326], %parallel_loop3A_325 {add = true} : memref<33024xi32, #tpu.memory_space<vmem>>[vector<16xi32>], vector<16xi32>,
    } {sc.loop_unroll_factor = 8 : i64, sc.parallel_access}
    %dma_wait3A_137 = arith.constant 0 : i32
    %dma_wait3A_138 = tpu.memref_slice %arg2[%arg1, %add3A_121, %dma_wait3A_137] : memref<16x512x512xf32, #tpu.memory_space<hbm>> -> memref<1x32x512xf32, #tpu.memory_space<hbm>>
    %dma_wait3A_139 = tpu.memref_squeeze %dma_wait3A_138 : memref<1x32x512xf32, #tpu.memory_space<hbm>> -> memref<32x512xf32, #tpu.memory_space<hbm>>
    %dma_wait3A_140 = arith.constant 0 : i32
    %dma_wait3A_141 = tpu.memref_slice %arg2[%arg1, %add3A_121, %dma_wait3A_140] : memref<16x512x512xf32, #tpu.memory_space<hbm>> -> memref<1x32x512xf32, #tpu.memory_space<hbm>>
    %dma_wait3A_142 = tpu.memref_squeeze %dma_wait3A_141 : memref<1x32x512xf32, #tpu.memory_space<hbm>> -> memref<32x512xf32, #tpu.memory_space<hbm>>
    tpu.wait_dma2 semaphore(%arg11 : memref<!tpu.dma_semaphore, #tpu.memory_space<semaphore_mem>>) src(%dma_wait3A_142 : memref<32x512xf32, #tpu.memory_space<hbm>>) dst(%arg5 : memref<32x512xf32, #tpu.memory_space<vmem>>)
    %dma_wait3A_143 = arith.constant 0 : i32
    %dma_wait3A_144 = tpu.memref_slice %arg3[%arg1, %add3A_121, %dma_wait3A_143] : memref<16x512x512xi32, #tpu.memory_space<hbm>> -> memref<1x32x512xi32, #tpu.memory_space<hbm>>
    %dma_wait3A_145 = tpu.memref_squeeze %dma_wait3A_144 : memref<1x32x512xi32, #tpu.memory_space<hbm>> -> memref<32x512xi32, #tpu.memory_space<hbm>>
    %dma_wait3A_146 = arith.constant 0 : i32
    %dma_wait3A_147 = tpu.memref_slice %arg3[%arg1, %add3A_121, %dma_wait3A_146] : memref<16x512x512xi32, #tpu.memory_space<hbm>> -> memref<1x32x512xi32, #tpu.memory_space<hbm>>
    %dma_wait3A_148 = tpu.memref_squeeze %dma_wait3A_147 : memref<1x32x512xi32, #tpu.memory_space<hbm>> -> memref<32x512xi32, #tpu.memory_space<hbm>>
    tpu.wait_dma2 semaphore(%arg13 : memref<!tpu.dma_semaphore, #tpu.memory_space<semaphore_mem>>) src(%dma_wait3A_148 : memref<32x512xi32, #tpu.memory_space<hbm>>) dst(%arg7 : memref<32x512xi32, #tpu.memory_space<vmem>>)
    %add3A_149 = arith.constant 160 : i32
    %add3A_150 = arith.addi %mul3A_2, %add3A_149 : i32
    %dma_start3A_151 = arith.constant 0 : i32
    %dma_start3A_152 = tpu.memref_slice %arg2[%arg1, %add3A_150, %dma_start3A_151] : memref<16x512x512xf32, #tpu.memory_space<hbm>> -> memref<1x32x512xf32, #tpu.memory_space<hbm>>
    %dma_start3A_153 = tpu.memref_squeeze %dma_start3A_152 : memref<1x32x512xf32, #tpu.memory_space<hbm>> -> memref<32x512xf32, #tpu.memory_space<hbm>>
    %dma_start3A_154 = arith.constant 0 : i32
    %dma_start3A_155 = tpu.memref_slice %arg2[%arg1, %add3A_150, %dma_start3A_154] : memref<16x512x512xf32, #tpu.memory_space<hbm>> -> memref<1x32x512xf32, #tpu.memory_space<hbm>>
    %dma_start3A_156 = tpu.memref_squeeze %dma_start3A_155 : memref<1x32x512xf32, #tpu.memory_space<hbm>> -> memref<32x512xf32, #tpu.memory_space<hbm>>
    tpu.enqueue_dma source(%dma_start3A_156 : memref<32x512xf32, #tpu.memory_space<hbm>>) target(%arg6 : memref<32x512xf32, #tpu.memory_space<vmem>>) target_semaphore(%arg12 : memref<!tpu.dma_semaphore, #tpu.memory_space<semaphore_mem>>)
    %dma_start3A_157 = arith.constant 0 : i32
    %dma_start3A_158 = tpu.memref_slice %arg3[%arg1, %add3A_150, %dma_start3A_157] : memref<16x512x512xi32, #tpu.memory_space<hbm>> -> memref<1x32x512xi32, #tpu.memory_space<hbm>>
    %dma_start3A_159 = tpu.memref_squeeze %dma_start3A_158 : memref<1x32x512xi32, #tpu.memory_space<hbm>> -> memref<32x512xi32, #tpu.memory_space<hbm>>
    %dma_start3A_160 = arith.constant 0 : i32
    %dma_start3A_161 = tpu.memref_slice %arg3[%arg1, %add3A_150, %dma_start3A_160] : memref<16x512x512xi32, #tpu.memory_space<hbm>> -> memref<1x32x512xi32, #tpu.memory_space<hbm>>
    %dma_start3A_162 = tpu.memref_squeeze %dma_start3A_161 : memref<1x32x512xi32, #tpu.memory_space<hbm>> -> memref<32x512xi32, #tpu.memory_space<hbm>>
    tpu.enqueue_dma source(%dma_start3A_162 : memref<32x512xi32, #tpu.memory_space<hbm>>) target(%arg8 : memref<32x512xi32, #tpu.memory_space<vmem>>) target_semaphore(%arg14 : memref<!tpu.dma_semaphore, #tpu.memory_space<semaphore_mem>>)
    %parallel_loop3A_163 = arith.constant 0 : i32
    %parallel_loop3A_164 = arith.constant 1024 : i32
    %parallel_loop3A_165 = arith.constant 1 : i32
    scf.for %parallel_loop3A_244 = %parallel_loop3A_163 to %parallel_loop3A_164 step %parallel_loop3A_165  : i32 {
      %parallel_loop3A_245 = arith.constant 32 : i32
      %parallel_loop3A_246 = arith.divsi %parallel_loop3A_244, %parallel_loop3A_245 : i32
      %parallel_loop3A_247 = arith.constant 0 : i32
      %parallel_loop3A_248 = arith.cmpi sgt, %parallel_loop3A_244, %parallel_loop3A_247 : i32
      %parallel_loop3A_249 = arith.extui %parallel_loop3A_248 : i1 to i32
      %parallel_loop3A_250 = arith.constant 0 : i32
      %parallel_loop3A_251 = arith.cmpi slt, %parallel_loop3A_244, %parallel_loop3A_250 : i32
      %parallel_loop3A_252 = arith.extui %parallel_loop3A_251 : i1 to i32
      %parallel_loop3A_253 = arith.subi %parallel_loop3A_249, %parallel_loop3A_252 : i32
      %parallel_loop3A_254 = arith.constant 0 : i32
      %parallel_loop3A_255 = arith.cmpi sgt, %parallel_loop3A_245, %parallel_loop3A_254 : i32
      %parallel_loop3A_256 = arith.extui %parallel_loop3A_255 : i1 to i32
      %parallel_loop3A_257 = arith.constant 0 : i32
      %parallel_loop3A_258 = arith.cmpi slt, %parallel_loop3A_245, %parallel_loop3A_257 : i32
      %parallel_loop3A_259 = arith.extui %parallel_loop3A_258 : i1 to i32
      %parallel_loop3A_260 = arith.subi %parallel_loop3A_256, %parallel_loop3A_259 : i32
      %parallel_loop3A_261 = arith.cmpi ne, %parallel_loop3A_253, %parallel_loop3A_260 : i32
      %parallel_loop3A_262 = arith.remsi %parallel_loop3A_244, %parallel_loop3A_245 : i32
      %parallel_loop3A_263 = arith.constant 0 : i32
      %parallel_loop3A_264 = arith.cmpi ne, %parallel_loop3A_262, %parallel_loop3A_263 : i32
      %parallel_loop3A_265 = arith.andi %parallel_loop3A_261, %parallel_loop3A_264 : i1
      %parallel_loop3A_266 = arith.constant 1 : i32
      %parallel_loop3A_267 = arith.subi %parallel_loop3A_246, %parallel_loop3A_266 : i32
      %parallel_loop3A_268 = arith.select %parallel_loop3A_265, %parallel_loop3A_267, %parallel_loop3A_246 : i32
      %parallel_loop3A_269 = arith.constant 32 : i32
      %parallel_loop3A_270 = arith.constant 0 : i32
      %parallel_loop3A_271 = arith.cmpi eq, %parallel_loop3A_269, %parallel_loop3A_270 : i32
      %parallel_loop3A_272 = arith.constant 1 : i32
      %parallel_loop3A_273 = arith.select %parallel_loop3A_271, %parallel_loop3A_272, %parallel_loop3A_269 : i32
      %parallel_loop3A_274 = arith.remsi %parallel_loop3A_244, %parallel_loop3A_273 : i32
      %parallel_loop3A_275 = arith.constant 0 : i32
      %parallel_loop3A_276 = arith.cmpi ne, %parallel_loop3A_274, %parallel_loop3A_275 : i32
      %parallel_loop3A_277 = arith.constant 0 : i32
      %parallel_loop3A_278 = arith.cmpi slt, %parallel_loop3A_274, %parallel_loop3A_277 : i32
      %parallel_loop3A_279 = arith.constant 0 : i32
      %parallel_loop3A_280 = arith.cmpi slt, %parallel_loop3A_273, %parallel_loop3A_279 : i32
      %parallel_loop3A_281 = arith.xori %parallel_loop3A_278, %parallel_loop3A_280 : i1
      %parallel_loop3A_282 = arith.andi %parallel_loop3A_281, %parallel_loop3A_276 : i1
      %parallel_loop3A_283 = arith.addi %parallel_loop3A_274, %parallel_loop3A_273 : i32
      %parallel_loop3A_284 = arith.select %parallel_loop3A_282, %parallel_loop3A_283, %parallel_loop3A_274 : i32
      %parallel_loop3A_285 = arith.constant 16 : i32
      %parallel_loop3A_286 = arith.muli %parallel_loop3A_284, %parallel_loop3A_285 : i32
      %parallel_loop3A_287 = arith.index_cast %parallel_loop3A_268 : i32 to index
      %parallel_loop3A_288 = arith.index_cast %parallel_loop3A_286 : i32 to index
      %parallel_loop3A_289 = tpu.vector_load %arg5[%parallel_loop3A_287, %parallel_loop3A_288] {strides = array<i32>} : memref<32x512xf32, #tpu.memory_space<vmem>>, vector<16xf32>,
      %parallel_loop3A_290 = arith.index_cast %parallel_loop3A_268 : i32 to index
      %parallel_loop3A_291 = arith.index_cast %parallel_loop3A_286 : i32 to index
      %parallel_loop3A_292 = tpu.vector_load %arg7[%parallel_loop3A_290, %parallel_loop3A_291] {strides = array<i32>} : memref<32x512xi32, #tpu.memory_space<vmem>>, vector<16xi32>,
      %parallel_loop3A_293 = arith.sitofp %parallel_loop3A_292 : vector<16xi32> to vector<16xf32>
      %parallel_loop3A_294 = arith.constant 2.000000e+00 : f32
      %parallel_loop3A_295 = vector.broadcast %parallel_loop3A_294 : f32 to vector<16xf32>
      %parallel_loop3A_296 = arith.mulf %parallel_loop3A_295, %parallel_loop3A_293 : vector<16xf32>
      %parallel_loop3A_297 = arith.constant 1.000000e+00 : f32
      %parallel_loop3A_298 = vector.broadcast %parallel_loop3A_297 : f32 to vector<16xf32>
      %parallel_loop3A_299 = arith.subf %parallel_loop3A_296, %parallel_loop3A_298 : vector<16xf32>
      %parallel_loop3A_300 = arith.mulf %parallel_loop3A_289, %parallel_loop3A_299 : vector<16xf32>
      %parallel_loop3A_301 = arith.constant 1.000000e+00 : f32
      %parallel_loop3A_302 = vector.broadcast %parallel_loop3A_301 : f32 to vector<16xf32>
      %parallel_loop3A_303 = arith.subf %parallel_loop3A_302, %parallel_loop3A_300 : vector<16xf32>
      %parallel_loop3A_304 = arith.constant 1.280000e+02 : f32
      %parallel_loop3A_305 = vector.broadcast %parallel_loop3A_304 : f32 to vector<16xf32>
      %parallel_loop3A_306 = arith.mulf %parallel_loop3A_303, %parallel_loop3A_305 : vector<16xf32>
      %parallel_loop3A_307 = arith.fptosi %parallel_loop3A_306 : vector<16xf32> to vector<16xi32>
      %parallel_loop3A_308 = arith.constant 0 : i32
      %parallel_loop3A_309 = arith.constant 2047 : i32
      %parallel_loop3A_310 = vector.broadcast %parallel_loop3A_308 : i32 to vector<16xi32>
      %parallel_loop3A_311 = arith.maxsi %parallel_loop3A_310, %parallel_loop3A_307 : vector<16xi32>
      %parallel_loop3A_312 = vector.broadcast %parallel_loop3A_309 : i32 to vector<16xi32>
      %parallel_loop3A_313 = arith.minsi %parallel_loop3A_312, %parallel_loop3A_311 : vector<16xi32>
      %parallel_loop3A_314 = arith.constant 0.000000e+00 : f32
      %parallel_loop3A_315 = vector.broadcast %parallel_loop3A_314 : f32 to vector<16xf32>
      %parallel_loop3A_316 = arith.cmpf ogt, %parallel_loop3A_303, %parallel_loop3A_315 : vector<16xf32>
      %parallel_loop3A_317 = arith.constant 2048 : i32
      %parallel_loop3A_318 = vector.broadcast %parallel_loop3A_317 : i32 to vector<16xi32>
      %parallel_loop3A_319 = arith.select %parallel_loop3A_316, %parallel_loop3A_313, %parallel_loop3A_318 : vector<16xi1>, vector<16xi32>
      %parallel_loop3A_320 = arith.constant 16 : i32
      %parallel_loop3A_321 = vector.broadcast %parallel_loop3A_320 : i32 to vector<16xi32>
      %parallel_loop3A_322 = arith.shli %parallel_loop3A_292, %parallel_loop3A_321 : vector<16xi32>
      %parallel_loop3A_323 = arith.constant 1 : i32
      %parallel_loop3A_324 = vector.broadcast %parallel_loop3A_323 : i32 to vector<16xi32>
      %parallel_loop3A_325 = arith.addi %parallel_loop3A_322, %parallel_loop3A_324 : vector<16xi32>
      %parallel_loop3A_326 = arith.addi %mul3A_8, %parallel_loop3A_319 : vector<16xi32>
      tpu.vector_store_idx %arg9[%parallel_loop3A_326], %parallel_loop3A_325 {add = true} : memref<33024xi32, #tpu.memory_space<vmem>>[vector<16xi32>], vector<16xi32>,
    } {sc.loop_unroll_factor = 8 : i64, sc.parallel_access}
    %dma_wait3A_166 = arith.constant 0 : i32
    %dma_wait3A_167 = tpu.memref_slice %arg2[%arg1, %add3A_150, %dma_wait3A_166] : memref<16x512x512xf32, #tpu.memory_space<hbm>> -> memref<1x32x512xf32, #tpu.memory_space<hbm>>
    %dma_wait3A_168 = tpu.memref_squeeze %dma_wait3A_167 : memref<1x32x512xf32, #tpu.memory_space<hbm>> -> memref<32x512xf32, #tpu.memory_space<hbm>>
    %dma_wait3A_169 = arith.constant 0 : i32
    %dma_wait3A_170 = tpu.memref_slice %arg2[%arg1, %add3A_150, %dma_wait3A_169] : memref<16x512x512xf32, #tpu.memory_space<hbm>> -> memref<1x32x512xf32, #tpu.memory_space<hbm>>
    %dma_wait3A_171 = tpu.memref_squeeze %dma_wait3A_170 : memref<1x32x512xf32, #tpu.memory_space<hbm>> -> memref<32x512xf32, #tpu.memory_space<hbm>>
    tpu.wait_dma2 semaphore(%arg12 : memref<!tpu.dma_semaphore, #tpu.memory_space<semaphore_mem>>) src(%dma_wait3A_171 : memref<32x512xf32, #tpu.memory_space<hbm>>) dst(%arg6 : memref<32x512xf32, #tpu.memory_space<vmem>>)
    %dma_wait3A_172 = arith.constant 0 : i32
    %dma_wait3A_173 = tpu.memref_slice %arg3[%arg1, %add3A_150, %dma_wait3A_172] : memref<16x512x512xi32, #tpu.memory_space<hbm>> -> memref<1x32x512xi32, #tpu.memory_space<hbm>>
    %dma_wait3A_174 = tpu.memref_squeeze %dma_wait3A_173 : memref<1x32x512xi32, #tpu.memory_space<hbm>> -> memref<32x512xi32, #tpu.memory_space<hbm>>
    %dma_wait3A_175 = arith.constant 0 : i32
    %dma_wait3A_176 = tpu.memref_slice %arg3[%arg1, %add3A_150, %dma_wait3A_175] : memref<16x512x512xi32, #tpu.memory_space<hbm>> -> memref<1x32x512xi32, #tpu.memory_space<hbm>>
    %dma_wait3A_177 = tpu.memref_squeeze %dma_wait3A_176 : memref<1x32x512xi32, #tpu.memory_space<hbm>> -> memref<32x512xi32, #tpu.memory_space<hbm>>
    tpu.wait_dma2 semaphore(%arg14 : memref<!tpu.dma_semaphore, #tpu.memory_space<semaphore_mem>>) src(%dma_wait3A_177 : memref<32x512xi32, #tpu.memory_space<hbm>>) dst(%arg8 : memref<32x512xi32, #tpu.memory_space<vmem>>)
    %add3A_178 = arith.constant 192 : i32
    %add3A_179 = arith.addi %mul3A_2, %add3A_178 : i32
    %dma_start3A_180 = arith.constant 0 : i32
    %dma_start3A_181 = tpu.memref_slice %arg2[%arg1, %add3A_179, %dma_start3A_180] : memref<16x512x512xf32, #tpu.memory_space<hbm>> -> memref<1x32x512xf32, #tpu.memory_space<hbm>>
    %dma_start3A_182 = tpu.memref_squeeze %dma_start3A_181 : memref<1x32x512xf32, #tpu.memory_space<hbm>> -> memref<32x512xf32, #tpu.memory_space<hbm>>
    %dma_start3A_183 = arith.constant 0 : i32
    %dma_start3A_184 = tpu.memref_slice %arg2[%arg1, %add3A_179, %dma_start3A_183] : memref<16x512x512xf32, #tpu.memory_space<hbm>> -> memref<1x32x512xf32, #tpu.memory_space<hbm>>
    %dma_start3A_185 = tpu.memref_squeeze %dma_start3A_184 : memref<1x32x512xf32, #tpu.memory_space<hbm>> -> memref<32x512xf32, #tpu.memory_space<hbm>>
    tpu.enqueue_dma source(%dma_start3A_185 : memref<32x512xf32, #tpu.memory_space<hbm>>) target(%arg5 : memref<32x512xf32, #tpu.memory_space<vmem>>) target_semaphore(%arg11 : memref<!tpu.dma_semaphore, #tpu.memory_space<semaphore_mem>>)
    %dma_start3A_186 = arith.constant 0 : i32
    %dma_start3A_187 = tpu.memref_slice %arg3[%arg1, %add3A_179, %dma_start3A_186] : memref<16x512x512xi32, #tpu.memory_space<hbm>> -> memref<1x32x512xi32, #tpu.memory_space<hbm>>
    %dma_start3A_188 = tpu.memref_squeeze %dma_start3A_187 : memref<1x32x512xi32, #tpu.memory_space<hbm>> -> memref<32x512xi32, #tpu.memory_space<hbm>>
    %dma_start3A_189 = arith.constant 0 : i32
    %dma_start3A_190 = tpu.memref_slice %arg3[%arg1, %add3A_179, %dma_start3A_189] : memref<16x512x512xi32, #tpu.memory_space<hbm>> -> memref<1x32x512xi32, #tpu.memory_space<hbm>>
    %dma_start3A_191 = tpu.memref_squeeze %dma_start3A_190 : memref<1x32x512xi32, #tpu.memory_space<hbm>> -> memref<32x512xi32, #tpu.memory_space<hbm>>
    tpu.enqueue_dma source(%dma_start3A_191 : memref<32x512xi32, #tpu.memory_space<hbm>>) target(%arg7 : memref<32x512xi32, #tpu.memory_space<vmem>>) target_semaphore(%arg13 : memref<!tpu.dma_semaphore, #tpu.memory_space<semaphore_mem>>)
    %parallel_loop3A_192 = arith.constant 0 : i32
    %parallel_loop3A_193 = arith.constant 1024 : i32
    %parallel_loop3A_194 = arith.constant 1 : i32
    scf.for %parallel_loop3A_244 = %parallel_loop3A_192 to %parallel_loop3A_193 step %parallel_loop3A_194  : i32 {
      %parallel_loop3A_245 = arith.constant 32 : i32
      %parallel_loop3A_246 = arith.divsi %parallel_loop3A_244, %parallel_loop3A_245 : i32
      %parallel_loop3A_247 = arith.constant 0 : i32
      %parallel_loop3A_248 = arith.cmpi sgt, %parallel_loop3A_244, %parallel_loop3A_247 : i32
      %parallel_loop3A_249 = arith.extui %parallel_loop3A_248 : i1 to i32
      %parallel_loop3A_250 = arith.constant 0 : i32
      %parallel_loop3A_251 = arith.cmpi slt, %parallel_loop3A_244, %parallel_loop3A_250 : i32
      %parallel_loop3A_252 = arith.extui %parallel_loop3A_251 : i1 to i32
      %parallel_loop3A_253 = arith.subi %parallel_loop3A_249, %parallel_loop3A_252 : i32
      %parallel_loop3A_254 = arith.constant 0 : i32
      %parallel_loop3A_255 = arith.cmpi sgt, %parallel_loop3A_245, %parallel_loop3A_254 : i32
      %parallel_loop3A_256 = arith.extui %parallel_loop3A_255 : i1 to i32
      %parallel_loop3A_257 = arith.constant 0 : i32
      %parallel_loop3A_258 = arith.cmpi slt, %parallel_loop3A_245, %parallel_loop3A_257 : i32
      %parallel_loop3A_259 = arith.extui %parallel_loop3A_258 : i1 to i32
      %parallel_loop3A_260 = arith.subi %parallel_loop3A_256, %parallel_loop3A_259 : i32
      %parallel_loop3A_261 = arith.cmpi ne, %parallel_loop3A_253, %parallel_loop3A_260 : i32
      %parallel_loop3A_262 = arith.remsi %parallel_loop3A_244, %parallel_loop3A_245 : i32
      %parallel_loop3A_263 = arith.constant 0 : i32
      %parallel_loop3A_264 = arith.cmpi ne, %parallel_loop3A_262, %parallel_loop3A_263 : i32
      %parallel_loop3A_265 = arith.andi %parallel_loop3A_261, %parallel_loop3A_264 : i1
      %parallel_loop3A_266 = arith.constant 1 : i32
      %parallel_loop3A_267 = arith.subi %parallel_loop3A_246, %parallel_loop3A_266 : i32
      %parallel_loop3A_268 = arith.select %parallel_loop3A_265, %parallel_loop3A_267, %parallel_loop3A_246 : i32
      %parallel_loop3A_269 = arith.constant 32 : i32
      %parallel_loop3A_270 = arith.constant 0 : i32
      %parallel_loop3A_271 = arith.cmpi eq, %parallel_loop3A_269, %parallel_loop3A_270 : i32
      %parallel_loop3A_272 = arith.constant 1 : i32
      %parallel_loop3A_273 = arith.select %parallel_loop3A_271, %parallel_loop3A_272, %parallel_loop3A_269 : i32
      %parallel_loop3A_274 = arith.remsi %parallel_loop3A_244, %parallel_loop3A_273 : i32
      %parallel_loop3A_275 = arith.constant 0 : i32
      %parallel_loop3A_276 = arith.cmpi ne, %parallel_loop3A_274, %parallel_loop3A_275 : i32
      %parallel_loop3A_277 = arith.constant 0 : i32
      %parallel_loop3A_278 = arith.cmpi slt, %parallel_loop3A_274, %parallel_loop3A_277 : i32
      %parallel_loop3A_279 = arith.constant 0 : i32
      %parallel_loop3A_280 = arith.cmpi slt, %parallel_loop3A_273, %parallel_loop3A_279 : i32
      %parallel_loop3A_281 = arith.xori %parallel_loop3A_278, %parallel_loop3A_280 : i1
      %parallel_loop3A_282 = arith.andi %parallel_loop3A_281, %parallel_loop3A_276 : i1
      %parallel_loop3A_283 = arith.addi %parallel_loop3A_274, %parallel_loop3A_273 : i32
      %parallel_loop3A_284 = arith.select %parallel_loop3A_282, %parallel_loop3A_283, %parallel_loop3A_274 : i32
      %parallel_loop3A_285 = arith.constant 16 : i32
      %parallel_loop3A_286 = arith.muli %parallel_loop3A_284, %parallel_loop3A_285 : i32
      %parallel_loop3A_287 = arith.index_cast %parallel_loop3A_268 : i32 to index
      %parallel_loop3A_288 = arith.index_cast %parallel_loop3A_286 : i32 to index
      %parallel_loop3A_289 = tpu.vector_load %arg6[%parallel_loop3A_287, %parallel_loop3A_288] {strides = array<i32>} : memref<32x512xf32, #tpu.memory_space<vmem>>, vector<16xf32>,
      %parallel_loop3A_290 = arith.index_cast %parallel_loop3A_268 : i32 to index
      %parallel_loop3A_291 = arith.index_cast %parallel_loop3A_286 : i32 to index
      %parallel_loop3A_292 = tpu.vector_load %arg8[%parallel_loop3A_290, %parallel_loop3A_291] {strides = array<i32>} : memref<32x512xi32, #tpu.memory_space<vmem>>, vector<16xi32>,
      %parallel_loop3A_293 = arith.sitofp %parallel_loop3A_292 : vector<16xi32> to vector<16xf32>
      %parallel_loop3A_294 = arith.constant 2.000000e+00 : f32
      %parallel_loop3A_295 = vector.broadcast %parallel_loop3A_294 : f32 to vector<16xf32>
      %parallel_loop3A_296 = arith.mulf %parallel_loop3A_295, %parallel_loop3A_293 : vector<16xf32>
      %parallel_loop3A_297 = arith.constant 1.000000e+00 : f32
      %parallel_loop3A_298 = vector.broadcast %parallel_loop3A_297 : f32 to vector<16xf32>
      %parallel_loop3A_299 = arith.subf %parallel_loop3A_296, %parallel_loop3A_298 : vector<16xf32>
      %parallel_loop3A_300 = arith.mulf %parallel_loop3A_289, %parallel_loop3A_299 : vector<16xf32>
      %parallel_loop3A_301 = arith.constant 1.000000e+00 : f32
      %parallel_loop3A_302 = vector.broadcast %parallel_loop3A_301 : f32 to vector<16xf32>
      %parallel_loop3A_303 = arith.subf %parallel_loop3A_302, %parallel_loop3A_300 : vector<16xf32>
      %parallel_loop3A_304 = arith.constant 1.280000e+02 : f32
      %parallel_loop3A_305 = vector.broadcast %parallel_loop3A_304 : f32 to vector<16xf32>
      %parallel_loop3A_306 = arith.mulf %parallel_loop3A_303, %parallel_loop3A_305 : vector<16xf32>
      %parallel_loop3A_307 = arith.fptosi %parallel_loop3A_306 : vector<16xf32> to vector<16xi32>
      %parallel_loop3A_308 = arith.constant 0 : i32
      %parallel_loop3A_309 = arith.constant 2047 : i32
      %parallel_loop3A_310 = vector.broadcast %parallel_loop3A_308 : i32 to vector<16xi32>
      %parallel_loop3A_311 = arith.maxsi %parallel_loop3A_310, %parallel_loop3A_307 : vector<16xi32>
      %parallel_loop3A_312 = vector.broadcast %parallel_loop3A_309 : i32 to vector<16xi32>
      %parallel_loop3A_313 = arith.minsi %parallel_loop3A_312, %parallel_loop3A_311 : vector<16xi32>
      %parallel_loop3A_314 = arith.constant 0.000000e+00 : f32
      %parallel_loop3A_315 = vector.broadcast %parallel_loop3A_314 : f32 to vector<16xf32>
      %parallel_loop3A_316 = arith.cmpf ogt, %parallel_loop3A_303, %parallel_loop3A_315 : vector<16xf32>
      %parallel_loop3A_317 = arith.constant 2048 : i32
      %parallel_loop3A_318 = vector.broadcast %parallel_loop3A_317 : i32 to vector<16xi32>
      %parallel_loop3A_319 = arith.select %parallel_loop3A_316, %parallel_loop3A_313, %parallel_loop3A_318 : vector<16xi1>, vector<16xi32>
      %parallel_loop3A_320 = arith.constant 16 : i32
      %parallel_loop3A_321 = vector.broadcast %parallel_loop3A_320 : i32 to vector<16xi32>
      %parallel_loop3A_322 = arith.shli %parallel_loop3A_292, %parallel_loop3A_321 : vector<16xi32>
      %parallel_loop3A_323 = arith.constant 1 : i32
      %parallel_loop3A_324 = vector.broadcast %parallel_loop3A_323 : i32 to vector<16xi32>
      %parallel_loop3A_325 = arith.addi %parallel_loop3A_322, %parallel_loop3A_324 : vector<16xi32>
      %parallel_loop3A_326 = arith.addi %mul3A_8, %parallel_loop3A_319 : vector<16xi32>
      tpu.vector_store_idx %arg9[%parallel_loop3A_326], %parallel_loop3A_325 {add = true} : memref<33024xi32, #tpu.memory_space<vmem>>[vector<16xi32>], vector<16xi32>,
    } {sc.loop_unroll_factor = 8 : i64, sc.parallel_access}
    %dma_wait3A_195 = arith.constant 0 : i32
    %dma_wait3A_196 = tpu.memref_slice %arg2[%arg1, %add3A_179, %dma_wait3A_195] : memref<16x512x512xf32, #tpu.memory_space<hbm>> -> memref<1x32x512xf32, #tpu.memory_space<hbm>>
    %dma_wait3A_197 = tpu.memref_squeeze %dma_wait3A_196 : memref<1x32x512xf32, #tpu.memory_space<hbm>> -> memref<32x512xf32, #tpu.memory_space<hbm>>
    %dma_wait3A_198 = arith.constant 0 : i32
    %dma_wait3A_199 = tpu.memref_slice %arg2[%arg1, %add3A_179, %dma_wait3A_198] : memref<16x512x512xf32, #tpu.memory_space<hbm>> -> memref<1x32x512xf32, #tpu.memory_space<hbm>>
    %dma_wait3A_200 = tpu.memref_squeeze %dma_wait3A_199 : memref<1x32x512xf32, #tpu.memory_space<hbm>> -> memref<32x512xf32, #tpu.memory_space<hbm>>
    tpu.wait_dma2 semaphore(%arg11 : memref<!tpu.dma_semaphore, #tpu.memory_space<semaphore_mem>>) src(%dma_wait3A_200 : memref<32x512xf32, #tpu.memory_space<hbm>>) dst(%arg5 : memref<32x512xf32, #tpu.memory_space<vmem>>)
    %dma_wait3A_201 = arith.constant 0 : i32
    %dma_wait3A_202 = tpu.memref_slice %arg3[%arg1, %add3A_179, %dma_wait3A_201] : memref<16x512x512xi32, #tpu.memory_space<hbm>> -> memref<1x32x512xi32, #tpu.memory_space<hbm>>
    %dma_wait3A_203 = tpu.memref_squeeze %dma_wait3A_202 : memref<1x32x512xi32, #tpu.memory_space<hbm>> -> memref<32x512xi32, #tpu.memory_space<hbm>>
    %dma_wait3A_204 = arith.constant 0 : i32
    %dma_wait3A_205 = tpu.memref_slice %arg3[%arg1, %add3A_179, %dma_wait3A_204] : memref<16x512x512xi32, #tpu.memory_space<hbm>> -> memref<1x32x512xi32, #tpu.memory_space<hbm>>
    %dma_wait3A_206 = tpu.memref_squeeze %dma_wait3A_205 : memref<1x32x512xi32, #tpu.memory_space<hbm>> -> memref<32x512xi32, #tpu.memory_space<hbm>>
    tpu.wait_dma2 semaphore(%arg13 : memref<!tpu.dma_semaphore, #tpu.memory_space<semaphore_mem>>) src(%dma_wait3A_206 : memref<32x512xi32, #tpu.memory_space<hbm>>) dst(%arg7 : memref<32x512xi32, #tpu.memory_space<vmem>>)
    %add3A_207 = arith.constant 224 : i32
    %add3A_208 = arith.addi %mul3A_2, %add3A_207 : i32
    %dma_start3A_209 = arith.constant 0 : i32
    %dma_start3A_210 = tpu.memref_slice %arg2[%arg1, %add3A_208, %dma_start3A_209] : memref<16x512x512xf32, #tpu.memory_space<hbm>> -> memref<1x32x512xf32, #tpu.memory_space<hbm>>
    %dma_start3A_211 = tpu.memref_squeeze %dma_start3A_210 : memref<1x32x512xf32, #tpu.memory_space<hbm>> -> memref<32x512xf32, #tpu.memory_space<hbm>>
    %dma_start3A_212 = arith.constant 0 : i32
    %dma_start3A_213 = tpu.memref_slice %arg2[%arg1, %add3A_208, %dma_start3A_212] : memref<16x512x512xf32, #tpu.memory_space<hbm>> -> memref<1x32x512xf32, #tpu.memory_space<hbm>>
    %dma_start3A_214 = tpu.memref_squeeze %dma_start3A_213 : memref<1x32x512xf32, #tpu.memory_space<hbm>> -> memref<32x512xf32, #tpu.memory_space<hbm>>
    tpu.enqueue_dma source(%dma_start3A_214 : memref<32x512xf32, #tpu.memory_space<hbm>>) target(%arg6 : memref<32x512xf32, #tpu.memory_space<vmem>>) target_semaphore(%arg12 : memref<!tpu.dma_semaphore, #tpu.memory_space<semaphore_mem>>)
    %dma_start3A_215 = arith.constant 0 : i32
    %dma_start3A_216 = tpu.memref_slice %arg3[%arg1, %add3A_208, %dma_start3A_215] : memref<16x512x512xi32, #tpu.memory_space<hbm>> -> memref<1x32x512xi32, #tpu.memory_space<hbm>>
    %dma_start3A_217 = tpu.memref_squeeze %dma_start3A_216 : memref<1x32x512xi32, #tpu.memory_space<hbm>> -> memref<32x512xi32, #tpu.memory_space<hbm>>
    %dma_start3A_218 = arith.constant 0 : i32
    %dma_start3A_219 = tpu.memref_slice %arg3[%arg1, %add3A_208, %dma_start3A_218] : memref<16x512x512xi32, #tpu.memory_space<hbm>> -> memref<1x32x512xi32, #tpu.memory_space<hbm>>
    %dma_start3A_220 = tpu.memref_squeeze %dma_start3A_219 : memref<1x32x512xi32, #tpu.memory_space<hbm>> -> memref<32x512xi32, #tpu.memory_space<hbm>>
    tpu.enqueue_dma source(%dma_start3A_220 : memref<32x512xi32, #tpu.memory_space<hbm>>) target(%arg8 : memref<32x512xi32, #tpu.memory_space<vmem>>) target_semaphore(%arg14 : memref<!tpu.dma_semaphore, #tpu.memory_space<semaphore_mem>>)
    %parallel_loop3A_221 = arith.constant 0 : i32
    %parallel_loop3A_222 = arith.constant 1024 : i32
    %parallel_loop3A_223 = arith.constant 1 : i32
    scf.for %parallel_loop3A_244 = %parallel_loop3A_221 to %parallel_loop3A_222 step %parallel_loop3A_223  : i32 {
      %parallel_loop3A_245 = arith.constant 32 : i32
      %parallel_loop3A_246 = arith.divsi %parallel_loop3A_244, %parallel_loop3A_245 : i32
      %parallel_loop3A_247 = arith.constant 0 : i32
      %parallel_loop3A_248 = arith.cmpi sgt, %parallel_loop3A_244, %parallel_loop3A_247 : i32
      %parallel_loop3A_249 = arith.extui %parallel_loop3A_248 : i1 to i32
      %parallel_loop3A_250 = arith.constant 0 : i32
      %parallel_loop3A_251 = arith.cmpi slt, %parallel_loop3A_244, %parallel_loop3A_250 : i32
      %parallel_loop3A_252 = arith.extui %parallel_loop3A_251 : i1 to i32
      %parallel_loop3A_253 = arith.subi %parallel_loop3A_249, %parallel_loop3A_252 : i32
      %parallel_loop3A_254 = arith.constant 0 : i32
      %parallel_loop3A_255 = arith.cmpi sgt, %parallel_loop3A_245, %parallel_loop3A_254 : i32
      %parallel_loop3A_256 = arith.extui %parallel_loop3A_255 : i1 to i32
      %parallel_loop3A_257 = arith.constant 0 : i32
      %parallel_loop3A_258 = arith.cmpi slt, %parallel_loop3A_245, %parallel_loop3A_257 : i32
      %parallel_loop3A_259 = arith.extui %parallel_loop3A_258 : i1 to i32
      %parallel_loop3A_260 = arith.subi %parallel_loop3A_256, %parallel_loop3A_259 : i32
      %parallel_loop3A_261 = arith.cmpi ne, %parallel_loop3A_253, %parallel_loop3A_260 : i32
      %parallel_loop3A_262 = arith.remsi %parallel_loop3A_244, %parallel_loop3A_245 : i32
      %parallel_loop3A_263 = arith.constant 0 : i32
      %parallel_loop3A_264 = arith.cmpi ne, %parallel_loop3A_262, %parallel_loop3A_263 : i32
      %parallel_loop3A_265 = arith.andi %parallel_loop3A_261, %parallel_loop3A_264 : i1
      %parallel_loop3A_266 = arith.constant 1 : i32
      %parallel_loop3A_267 = arith.subi %parallel_loop3A_246, %parallel_loop3A_266 : i32
      %parallel_loop3A_268 = arith.select %parallel_loop3A_265, %parallel_loop3A_267, %parallel_loop3A_246 : i32
      %parallel_loop3A_269 = arith.constant 32 : i32
      %parallel_loop3A_270 = arith.constant 0 : i32
      %parallel_loop3A_271 = arith.cmpi eq, %parallel_loop3A_269, %parallel_loop3A_270 : i32
      %parallel_loop3A_272 = arith.constant 1 : i32
      %parallel_loop3A_273 = arith.select %parallel_loop3A_271, %parallel_loop3A_272, %parallel_loop3A_269 : i32
      %parallel_loop3A_274 = arith.remsi %parallel_loop3A_244, %parallel_loop3A_273 : i32
      %parallel_loop3A_275 = arith.constant 0 : i32
      %parallel_loop3A_276 = arith.cmpi ne, %parallel_loop3A_274, %parallel_loop3A_275 : i32
      %parallel_loop3A_277 = arith.constant 0 : i32
      %parallel_loop3A_278 = arith.cmpi slt, %parallel_loop3A_274, %parallel_loop3A_277 : i32
      %parallel_loop3A_279 = arith.constant 0 : i32
      %parallel_loop3A_280 = arith.cmpi slt, %parallel_loop3A_273, %parallel_loop3A_279 : i32
      %parallel_loop3A_281 = arith.xori %parallel_loop3A_278, %parallel_loop3A_280 : i1
      %parallel_loop3A_282 = arith.andi %parallel_loop3A_281, %parallel_loop3A_276 : i1
      %parallel_loop3A_283 = arith.addi %parallel_loop3A_274, %parallel_loop3A_273 : i32
      %parallel_loop3A_284 = arith.select %parallel_loop3A_282, %parallel_loop3A_283, %parallel_loop3A_274 : i32
      %parallel_loop3A_285 = arith.constant 16 : i32
      %parallel_loop3A_286 = arith.muli %parallel_loop3A_284, %parallel_loop3A_285 : i32
      %parallel_loop3A_287 = arith.index_cast %parallel_loop3A_268 : i32 to index
      %parallel_loop3A_288 = arith.index_cast %parallel_loop3A_286 : i32 to index
      %parallel_loop3A_289 = tpu.vector_load %arg5[%parallel_loop3A_287, %parallel_loop3A_288] {strides = array<i32>} : memref<32x512xf32, #tpu.memory_space<vmem>>, vector<16xf32>,
      %parallel_loop3A_290 = arith.index_cast %parallel_loop3A_268 : i32 to index
      %parallel_loop3A_291 = arith.index_cast %parallel_loop3A_286 : i32 to index
      %parallel_loop3A_292 = tpu.vector_load %arg7[%parallel_loop3A_290, %parallel_loop3A_291] {strides = array<i32>} : memref<32x512xi32, #tpu.memory_space<vmem>>, vector<16xi32>,
      %parallel_loop3A_293 = arith.sitofp %parallel_loop3A_292 : vector<16xi32> to vector<16xf32>
      %parallel_loop3A_294 = arith.constant 2.000000e+00 : f32
      %parallel_loop3A_295 = vector.broadcast %parallel_loop3A_294 : f32 to vector<16xf32>
      %parallel_loop3A_296 = arith.mulf %parallel_loop3A_295, %parallel_loop3A_293 : vector<16xf32>
      %parallel_loop3A_297 = arith.constant 1.000000e+00 : f32
      %parallel_loop3A_298 = vector.broadcast %parallel_loop3A_297 : f32 to vector<16xf32>
      %parallel_loop3A_299 = arith.subf %parallel_loop3A_296, %parallel_loop3A_298 : vector<16xf32>
      %parallel_loop3A_300 = arith.mulf %parallel_loop3A_289, %parallel_loop3A_299 : vector<16xf32>
      %parallel_loop3A_301 = arith.constant 1.000000e+00 : f32
      %parallel_loop3A_302 = vector.broadcast %parallel_loop3A_301 : f32 to vector<16xf32>
      %parallel_loop3A_303 = arith.subf %parallel_loop3A_302, %parallel_loop3A_300 : vector<16xf32>
      %parallel_loop3A_304 = arith.constant 1.280000e+02 : f32
      %parallel_loop3A_305 = vector.broadcast %parallel_loop3A_304 : f32 to vector<16xf32>
      %parallel_loop3A_306 = arith.mulf %parallel_loop3A_303, %parallel_loop3A_305 : vector<16xf32>
      %parallel_loop3A_307 = arith.fptosi %parallel_loop3A_306 : vector<16xf32> to vector<16xi32>
      %parallel_loop3A_308 = arith.constant 0 : i32
      %parallel_loop3A_309 = arith.constant 2047 : i32
      %parallel_loop3A_310 = vector.broadcast %parallel_loop3A_308 : i32 to vector<16xi32>
      %parallel_loop3A_311 = arith.maxsi %parallel_loop3A_310, %parallel_loop3A_307 : vector<16xi32>
      %parallel_loop3A_312 = vector.broadcast %parallel_loop3A_309 : i32 to vector<16xi32>
      %parallel_loop3A_313 = arith.minsi %parallel_loop3A_312, %parallel_loop3A_311 : vector<16xi32>
      %parallel_loop3A_314 = arith.constant 0.000000e+00 : f32
      %parallel_loop3A_315 = vector.broadcast %parallel_loop3A_314 : f32 to vector<16xf32>
      %parallel_loop3A_316 = arith.cmpf ogt, %parallel_loop3A_303, %parallel_loop3A_315 : vector<16xf32>
      %parallel_loop3A_317 = arith.constant 2048 : i32
      %parallel_loop3A_318 = vector.broadcast %parallel_loop3A_317 : i32 to vector<16xi32>
      %parallel_loop3A_319 = arith.select %parallel_loop3A_316, %parallel_loop3A_313, %parallel_loop3A_318 : vector<16xi1>, vector<16xi32>
      %parallel_loop3A_320 = arith.constant 16 : i32
      %parallel_loop3A_321 = vector.broadcast %parallel_loop3A_320 : i32 to vector<16xi32>
      %parallel_loop3A_322 = arith.shli %parallel_loop3A_292, %parallel_loop3A_321 : vector<16xi32>
      %parallel_loop3A_323 = arith.constant 1 : i32
      %parallel_loop3A_324 = vector.broadcast %parallel_loop3A_323 : i32 to vector<16xi32>
      %parallel_loop3A_325 = arith.addi %parallel_loop3A_322, %parallel_loop3A_324 : vector<16xi32>
      %parallel_loop3A_326 = arith.addi %mul3A_8, %parallel_loop3A_319 : vector<16xi32>
      tpu.vector_store_idx %arg9[%parallel_loop3A_326], %parallel_loop3A_325 {add = true} : memref<33024xi32, #tpu.memory_space<vmem>>[vector<16xi32>], vector<16xi32>,
    } {sc.loop_unroll_factor = 8 : i64, sc.parallel_access}
    %dma_wait3A_224 = arith.constant 0 : i32
    %dma_wait3A_225 = tpu.memref_slice %arg2[%arg1, %add3A_208, %dma_wait3A_224] : memref<16x512x512xf32, #tpu.memory_space<hbm>> -> memref<1x32x512xf32, #tpu.memory_space<hbm>>
    %dma_wait3A_226 = tpu.memref_squeeze %dma_wait3A_225 : memref<1x32x512xf32, #tpu.memory_space<hbm>> -> memref<32x512xf32, #tpu.memory_space<hbm>>
    %dma_wait3A_227 = arith.constant 0 : i32
    %dma_wait3A_228 = tpu.memref_slice %arg2[%arg1, %add3A_208, %dma_wait3A_227] : memref<16x512x512xf32, #tpu.memory_space<hbm>> -> memref<1x32x512xf32, #tpu.memory_space<hbm>>
    %dma_wait3A_229 = tpu.memref_squeeze %dma_wait3A_228 : memref<1x32x512xf32, #tpu.memory_space<hbm>> -> memref<32x512xf32, #tpu.memory_space<hbm>>
    tpu.wait_dma2 semaphore(%arg12 : memref<!tpu.dma_semaphore, #tpu.memory_space<semaphore_mem>>) src(%dma_wait3A_229 : memref<32x512xf32, #tpu.memory_space<hbm>>) dst(%arg6 : memref<32x512xf32, #tpu.memory_space<vmem>>)
    %dma_wait3A_230 = arith.constant 0 : i32
    %dma_wait3A_231 = tpu.memref_slice %arg3[%arg1, %add3A_208, %dma_wait3A_230] : memref<16x512x512xi32, #tpu.memory_space<hbm>> -> memref<1x32x512xi32, #tpu.memory_space<hbm>>
    %dma_wait3A_232 = tpu.memref_squeeze %dma_wait3A_231 : memref<1x32x512xi32, #tpu.memory_space<hbm>> -> memref<32x512xi32, #tpu.memory_space<hbm>>
    %dma_wait3A_233 = arith.constant 0 : i32
    %dma_wait3A_234 = tpu.memref_slice %arg3[%arg1, %add3A_208, %dma_wait3A_233] : memref<16x512x512xi32, #tpu.memory_space<hbm>> -> memref<1x32x512xi32, #tpu.memory_space<hbm>>
    %dma_wait3A_235 = tpu.memref_squeeze %dma_wait3A_234 : memref<1x32x512xi32, #tpu.memory_space<hbm>> -> memref<32x512xi32, #tpu.memory_space<hbm>>
    tpu.wait_dma2 semaphore(%arg14 : memref<!tpu.dma_semaphore, #tpu.memory_space<semaphore_mem>>) src(%dma_wait3A_235 : memref<32x512xi32, #tpu.memory_space<hbm>>) dst(%arg8 : memref<32x512xi32, #tpu.memory_space<vmem>>)
    %parallel_loop3A_236 = arith.constant 0 : i32
    %parallel_loop3A_237 = arith.constant 1024 : i32
    %parallel_loop3A_238 = arith.constant 1 : i32
    scf.for %parallel_loop3A_244 = %parallel_loop3A_236 to %parallel_loop3A_237 step %parallel_loop3A_238  : i32 {
      %parallel_loop3A_245 = arith.constant 32 : i32
      %parallel_loop3A_246 = arith.divsi %parallel_loop3A_244, %parallel_loop3A_245 : i32
      %parallel_loop3A_247 = arith.constant 0 : i32
      %parallel_loop3A_248 = arith.cmpi sgt, %parallel_loop3A_244, %parallel_loop3A_247 : i32
      %parallel_loop3A_249 = arith.extui %parallel_loop3A_248 : i1 to i32
      %parallel_loop3A_250 = arith.constant 0 : i32
      %parallel_loop3A_251 = arith.cmpi slt, %parallel_loop3A_244, %parallel_loop3A_250 : i32
      %parallel_loop3A_252 = arith.extui %parallel_loop3A_251 : i1 to i32
      %parallel_loop3A_253 = arith.subi %parallel_loop3A_249, %parallel_loop3A_252 : i32
      %parallel_loop3A_254 = arith.constant 0 : i32
      %parallel_loop3A_255 = arith.cmpi sgt, %parallel_loop3A_245, %parallel_loop3A_254 : i32
      %parallel_loop3A_256 = arith.extui %parallel_loop3A_255 : i1 to i32
      %parallel_loop3A_257 = arith.constant 0 : i32
      %parallel_loop3A_258 = arith.cmpi slt, %parallel_loop3A_245, %parallel_loop3A_257 : i32
      %parallel_loop3A_259 = arith.extui %parallel_loop3A_258 : i1 to i32
      %parallel_loop3A_260 = arith.subi %parallel_loop3A_256, %parallel_loop3A_259 : i32
      %parallel_loop3A_261 = arith.cmpi ne, %parallel_loop3A_253, %parallel_loop3A_260 : i32
      %parallel_loop3A_262 = arith.remsi %parallel_loop3A_244, %parallel_loop3A_245 : i32
      %parallel_loop3A_263 = arith.constant 0 : i32
      %parallel_loop3A_264 = arith.cmpi ne, %parallel_loop3A_262, %parallel_loop3A_263 : i32
      %parallel_loop3A_265 = arith.andi %parallel_loop3A_261, %parallel_loop3A_264 : i1
      %parallel_loop3A_266 = arith.constant 1 : i32
      %parallel_loop3A_267 = arith.subi %parallel_loop3A_246, %parallel_loop3A_266 : i32
      %parallel_loop3A_268 = arith.select %parallel_loop3A_265, %parallel_loop3A_267, %parallel_loop3A_246 : i32
      %parallel_loop3A_269 = arith.constant 32 : i32
      %parallel_loop3A_270 = arith.constant 0 : i32
      %parallel_loop3A_271 = arith.cmpi eq, %parallel_loop3A_269, %parallel_loop3A_270 : i32
      %parallel_loop3A_272 = arith.constant 1 : i32
      %parallel_loop3A_273 = arith.select %parallel_loop3A_271, %parallel_loop3A_272, %parallel_loop3A_269 : i32
      %parallel_loop3A_274 = arith.remsi %parallel_loop3A_244, %parallel_loop3A_273 : i32
      %parallel_loop3A_275 = arith.constant 0 : i32
      %parallel_loop3A_276 = arith.cmpi ne, %parallel_loop3A_274, %parallel_loop3A_275 : i32
      %parallel_loop3A_277 = arith.constant 0 : i32
      %parallel_loop3A_278 = arith.cmpi slt, %parallel_loop3A_274, %parallel_loop3A_277 : i32
      %parallel_loop3A_279 = arith.constant 0 : i32
      %parallel_loop3A_280 = arith.cmpi slt, %parallel_loop3A_273, %parallel_loop3A_279 : i32
      %parallel_loop3A_281 = arith.xori %parallel_loop3A_278, %parallel_loop3A_280 : i1
      %parallel_loop3A_282 = arith.andi %parallel_loop3A_281, %parallel_loop3A_276 : i1
      %parallel_loop3A_283 = arith.addi %parallel_loop3A_274, %parallel_loop3A_273 : i32
      %parallel_loop3A_284 = arith.select %parallel_loop3A_282, %parallel_loop3A_283, %parallel_loop3A_274 : i32
      %parallel_loop3A_285 = arith.constant 16 : i32
      %parallel_loop3A_286 = arith.muli %parallel_loop3A_284, %parallel_loop3A_285 : i32
      %parallel_loop3A_287 = arith.index_cast %parallel_loop3A_268 : i32 to index
      %parallel_loop3A_288 = arith.index_cast %parallel_loop3A_286 : i32 to index
      %parallel_loop3A_289 = tpu.vector_load %arg6[%parallel_loop3A_287, %parallel_loop3A_288] {strides = array<i32>} : memref<32x512xf32, #tpu.memory_space<vmem>>, vector<16xf32>,
      %parallel_loop3A_290 = arith.index_cast %parallel_loop3A_268 : i32 to index
      %parallel_loop3A_291 = arith.index_cast %parallel_loop3A_286 : i32 to index
      %parallel_loop3A_292 = tpu.vector_load %arg8[%parallel_loop3A_290, %parallel_loop3A_291] {strides = array<i32>} : memref<32x512xi32, #tpu.memory_space<vmem>>, vector<16xi32>,
      %parallel_loop3A_293 = arith.sitofp %parallel_loop3A_292 : vector<16xi32> to vector<16xf32>
      %parallel_loop3A_294 = arith.constant 2.000000e+00 : f32
      %parallel_loop3A_295 = vector.broadcast %parallel_loop3A_294 : f32 to vector<16xf32>
      %parallel_loop3A_296 = arith.mulf %parallel_loop3A_295, %parallel_loop3A_293 : vector<16xf32>
      %parallel_loop3A_297 = arith.constant 1.000000e+00 : f32
      %parallel_loop3A_298 = vector.broadcast %parallel_loop3A_297 : f32 to vector<16xf32>
      %parallel_loop3A_299 = arith.subf %parallel_loop3A_296, %parallel_loop3A_298 : vector<16xf32>
      %parallel_loop3A_300 = arith.mulf %parallel_loop3A_289, %parallel_loop3A_299 : vector<16xf32>
      %parallel_loop3A_301 = arith.constant 1.000000e+00 : f32
      %parallel_loop3A_302 = vector.broadcast %parallel_loop3A_301 : f32 to vector<16xf32>
      %parallel_loop3A_303 = arith.subf %parallel_loop3A_302, %parallel_loop3A_300 : vector<16xf32>
      %parallel_loop3A_304 = arith.constant 1.280000e+02 : f32
      %parallel_loop3A_305 = vector.broadcast %parallel_loop3A_304 : f32 to vector<16xf32>
      %parallel_loop3A_306 = arith.mulf %parallel_loop3A_303, %parallel_loop3A_305 : vector<16xf32>
      %parallel_loop3A_307 = arith.fptosi %parallel_loop3A_306 : vector<16xf32> to vector<16xi32>
      %parallel_loop3A_308 = arith.constant 0 : i32
      %parallel_loop3A_309 = arith.constant 2047 : i32
      %parallel_loop3A_310 = vector.broadcast %parallel_loop3A_308 : i32 to vector<16xi32>
      %parallel_loop3A_311 = arith.maxsi %parallel_loop3A_310, %parallel_loop3A_307 : vector<16xi32>
      %parallel_loop3A_312 = vector.broadcast %parallel_loop3A_309 : i32 to vector<16xi32>
      %parallel_loop3A_313 = arith.minsi %parallel_loop3A_312, %parallel_loop3A_311 : vector<16xi32>
      %parallel_loop3A_314 = arith.constant 0.000000e+00 : f32
      %parallel_loop3A_315 = vector.broadcast %parallel_loop3A_314 : f32 to vector<16xf32>
      %parallel_loop3A_316 = arith.cmpf ogt, %parallel_loop3A_303, %parallel_loop3A_315 : vector<16xf32>
      %parallel_loop3A_317 = arith.constant 2048 : i32
      %parallel_loop3A_318 = vector.broadcast %parallel_loop3A_317 : i32 to vector<16xi32>
      %parallel_loop3A_319 = arith.select %parallel_loop3A_316, %parallel_loop3A_313, %parallel_loop3A_318 : vector<16xi1>, vector<16xi32>
      %parallel_loop3A_320 = arith.constant 16 : i32
      %parallel_loop3A_321 = vector.broadcast %parallel_loop3A_320 : i32 to vector<16xi32>
      %parallel_loop3A_322 = arith.shli %parallel_loop3A_292, %parallel_loop3A_321 : vector<16xi32>
      %parallel_loop3A_323 = arith.constant 1 : i32
      %parallel_loop3A_324 = vector.broadcast %parallel_loop3A_323 : i32 to vector<16xi32>
      %parallel_loop3A_325 = arith.addi %parallel_loop3A_322, %parallel_loop3A_324 : vector<16xi32>
      %parallel_loop3A_326 = arith.addi %mul3A_8, %parallel_loop3A_319 : vector<16xi32>
      tpu.vector_store_idx %arg9[%parallel_loop3A_326], %parallel_loop3A_325 {add = true} : memref<33024xi32, #tpu.memory_space<vmem>>[vector<16xi32>], vector<16xi32>,
    } {sc.loop_unroll_factor = 8 : i64, sc.parallel_access}
    %parallel_loop3A_239 = arith.constant 0 : i32
    %parallel_loop3A_240 = arith.constant 129 : i32
    %parallel_loop3A_241 = arith.constant 1 : i32
    scf.for %parallel_loop3A_244 = %parallel_loop3A_239 to %parallel_loop3A_240 step %parallel_loop3A_241  : i32 {
      %parallel_loop3A_245 = arith.constant 16 : i32
      %parallel_loop3A_246 = arith.muli %parallel_loop3A_244, %parallel_loop3A_245 : i32
      %parallel_loop3A_247 = arith.index_cast %parallel_loop3A_246 : i32 to index
      %parallel_loop3A_248 = tpu.vector_load %arg9[%parallel_loop3A_247] {strides = array<i32>} : memref<33024xi32, #tpu.memory_space<vmem>>, vector<16xi32>,
      %parallel_loop3A_249 = arith.constant 16 : i32
      %parallel_loop3A_250 = arith.muli %parallel_loop3A_244, %parallel_loop3A_249 : i32
      %parallel_loop3A_251 = arith.constant 2064 : i32
      %parallel_loop3A_252 = arith.addi %parallel_loop3A_251, %parallel_loop3A_250 : i32
      %parallel_loop3A_253 = arith.index_cast %parallel_loop3A_252 : i32 to index
      %parallel_loop3A_254 = tpu.vector_load %arg9[%parallel_loop3A_253] {strides = array<i32>} : memref<33024xi32, #tpu.memory_space<vmem>>, vector<16xi32>,
      %parallel_loop3A_255 = arith.addi %parallel_loop3A_248, %parallel_loop3A_254 : vector<16xi32>
      %parallel_loop3A_256 = arith.constant 16 : i32
      %parallel_loop3A_257 = arith.muli %parallel_loop3A_244, %parallel_loop3A_256 : i32
      %parallel_loop3A_258 = arith.constant 4128 : i32
      %parallel_loop3A_259 = arith.addi %parallel_loop3A_258, %parallel_loop3A_257 : i32
      %parallel_loop3A_260 = arith.index_cast %parallel_loop3A_259 : i32 to index
      %parallel_loop3A_261 = tpu.vector_load %arg9[%parallel_loop3A_260] {strides = array<i32>} : memref<33024xi32, #tpu.memory_space<vmem>>, vector<16xi32>,
      %parallel_loop3A_262 = arith.addi %parallel_loop3A_255, %parallel_loop3A_261 : vector<16xi32>
      %parallel_loop3A_263 = arith.constant 16 : i32
      %parallel_loop3A_264 = arith.muli %parallel_loop3A_244, %parallel_loop3A_263 : i32
      %parallel_loop3A_265 = arith.constant 6192 : i32
      %parallel_loop3A_266 = arith.addi %parallel_loop3A_265, %parallel_loop3A_264 : i32
      %parallel_loop3A_267 = arith.index_cast %parallel_loop3A_266 : i32 to index
      %parallel_loop3A_268 = tpu.vector_load %arg9[%parallel_loop3A_267] {strides = array<i32>} : memref<33024xi32, #tpu.memory_space<vmem>>, vector<16xi32>,
      %parallel_loop3A_269 = arith.addi %parallel_loop3A_262, %parallel_loop3A_268 : vector<16xi32>
      %parallel_loop3A_270 = arith.constant 16 : i32
      %parallel_loop3A_271 = arith.muli %parallel_loop3A_244, %parallel_loop3A_270 : i32
      %parallel_loop3A_272 = arith.constant 8256 : i32
      %parallel_loop3A_273 = arith.addi %parallel_loop3A_272, %parallel_loop3A_271 : i32
      %parallel_loop3A_274 = arith.index_cast %parallel_loop3A_273 : i32 to index
      %parallel_loop3A_275 = tpu.vector_load %arg9[%parallel_loop3A_274] {strides = array<i32>} : memref<33024xi32, #tpu.memory_space<vmem>>, vector<16xi32>,
      %parallel_loop3A_276 = arith.addi %parallel_loop3A_269, %parallel_loop3A_275 : vector<16xi32>
      %parallel_loop3A_277 = arith.constant 16 : i32
      %parallel_loop3A_278 = arith.muli %parallel_loop3A_244, %parallel_loop3A_277 : i32
      %parallel_loop3A_279 = arith.constant 10320 : i32
      %parallel_loop3A_280 = arith.addi %parallel_loop3A_279, %parallel_loop3A_278 : i32
      %parallel_loop3A_281 = arith.index_cast %parallel_loop3A_280 : i32 to index
      %parallel_loop3A_282 = tpu.vector_load %arg9[%parallel_loop3A_281] {strides = array<i32>} : memref<33024xi32, #tpu.memory_space<vmem>>, vector<16xi32>,
      %parallel_loop3A_283 = arith.addi %parallel_loop3A_276, %parallel_loop3A_282 : vector<16xi32>
      %parallel_loop3A_284 = arith.constant 16 : i32
      %parallel_loop3A_285 = arith.muli %parallel_loop3A_244, %parallel_loop3A_284 : i32
      %parallel_loop3A_286 = arith.constant 12384 : i32
      %parallel_loop3A_287 = arith.addi %parallel_loop3A_286, %parallel_loop3A_285 : i32
      %parallel_loop3A_288 = arith.index_cast %parallel_loop3A_287 : i32 to index
      %parallel_loop3A_289 = tpu.vector_load %arg9[%parallel_loop3A_288] {strides = array<i32>} : memref<33024xi32, #tpu.memory_space<vmem>>, vector<16xi32>,
      %parallel_loop3A_290 = arith.addi %parallel_loop3A_283, %parallel_loop3A_289 : vector<16xi32>
      %parallel_loop3A_291 = arith.constant 16 : i32
      %parallel_loop3A_292 = arith.muli %parallel_loop3A_244, %parallel_loop3A_291 : i32
      %parallel_loop3A_293 = arith.constant 14448 : i32
      %parallel_loop3A_294 = arith.addi %parallel_loop3A_293, %parallel_loop3A_292 : i32
      %parallel_loop3A_295 = arith.index_cast %parallel_loop3A_294 : i32 to index
      %parallel_loop3A_296 = tpu.vector_load %arg9[%parallel_loop3A_295] {strides = array<i32>} : memref<33024xi32, #tpu.memory_space<vmem>>, vector<16xi32>,
      %parallel_loop3A_297 = arith.addi %parallel_loop3A_290, %parallel_loop3A_296 : vector<16xi32>
      %parallel_loop3A_298 = arith.constant 16 : i32
      %parallel_loop3A_299 = arith.muli %parallel_loop3A_244, %parallel_loop3A_298 : i32
      %parallel_loop3A_300 = arith.constant 16512 : i32
      %parallel_loop3A_301 = arith.addi %parallel_loop3A_300, %parallel_loop3A_299 : i32
      %parallel_loop3A_302 = arith.index_cast %parallel_loop3A_301 : i32 to index
      %parallel_loop3A_303 = tpu.vector_load %arg9[%parallel_loop3A_302] {strides = array<i32>} : memref<33024xi32, #tpu.memory_space<vmem>>, vector<16xi32>,
      %parallel_loop3A_304 = arith.addi %parallel_loop3A_297, %parallel_loop3A_303 : vector<16xi32>
      %parallel_loop3A_305 = arith.constant 16 : i32
      %parallel_loop3A_306 = arith.muli %parallel_loop3A_244, %parallel_loop3A_305 : i32
      %parallel_loop3A_307 = arith.constant 18576 : i32
      %parallel_loop3A_308 = arith.addi %parallel_loop3A_307, %parallel_loop3A_306 : i32
      %parallel_loop3A_309 = arith.index_cast %parallel_loop3A_308 : i32 to index
      %parallel_loop3A_310 = tpu.vector_load %arg9[%parallel_loop3A_309] {strides = array<i32>} : memref<33024xi32, #tpu.memory_space<vmem>>, vector<16xi32>,
      %parallel_loop3A_311 = arith.addi %parallel_loop3A_304, %parallel_loop3A_310 : vector<16xi32>
      %parallel_loop3A_312 = arith.constant 16 : i32
      %parallel_loop3A_313 = arith.muli %parallel_loop3A_244, %parallel_loop3A_312 : i32
      %parallel_loop3A_314 = arith.constant 20640 : i32
      %parallel_loop3A_315 = arith.addi %parallel_loop3A_314, %parallel_loop3A_313 : i32
      %parallel_loop3A_316 = arith.index_cast %parallel_loop3A_315 : i32 to index
      %parallel_loop3A_317 = tpu.vector_load %arg9[%parallel_loop3A_316] {strides = array<i32>} : memref<33024xi32, #tpu.memory_space<vmem>>, vector<16xi32>,
      %parallel_loop3A_318 = arith.addi %parallel_loop3A_311, %parallel_loop3A_317 : vector<16xi32>
      %parallel_loop3A_319 = arith.constant 16 : i32
      %parallel_loop3A_320 = arith.muli %parallel_loop3A_244, %parallel_loop3A_319 : i32
      %parallel_loop3A_321 = arith.constant 22704 : i32
      %parallel_loop3A_322 = arith.addi %parallel_loop3A_321, %parallel_loop3A_320 : i32
      %parallel_loop3A_323 = arith.index_cast %parallel_loop3A_322 : i32 to index
      %parallel_loop3A_324 = tpu.vector_load %arg9[%parallel_loop3A_323] {strides = array<i32>} : memref<33024xi32, #tpu.memory_space<vmem>>, vector<16xi32>,
      %parallel_loop3A_325 = arith.addi %parallel_loop3A_318, %parallel_loop3A_324 : vector<16xi32>
      %parallel_loop3A_326 = arith.constant 16 : i32
      %parallel_loop3A_327 = arith.muli %parallel_loop3A_244, %parallel_loop3A_326 : i32
      %parallel_loop3A_328 = arith.constant 24768 : i32
      %parallel_loop3A_329 = arith.addi %parallel_loop3A_328, %parallel_loop3A_327 : i32
      %parallel_loop3A_330 = arith.index_cast %parallel_loop3A_329 : i32 to index
      %parallel_loop3A_331 = tpu.vector_load %arg9[%parallel_loop3A_330] {strides = array<i32>} : memref<33024xi32, #tpu.memory_space<vmem>>, vector<16xi32>,
      %parallel_loop3A_332 = arith.addi %parallel_loop3A_325, %parallel_loop3A_331 : vector<16xi32>
      %parallel_loop3A_333 = arith.constant 16 : i32
      %parallel_loop3A_334 = arith.muli %parallel_loop3A_244, %parallel_loop3A_333 : i32
      %parallel_loop3A_335 = arith.constant 26832 : i32
      %parallel_loop3A_336 = arith.addi %parallel_loop3A_335, %parallel_loop3A_334 : i32
      %parallel_loop3A_337 = arith.index_cast %parallel_loop3A_336 : i32 to index
      %parallel_loop3A_338 = tpu.vector_load %arg9[%parallel_loop3A_337] {strides = array<i32>} : memref<33024xi32, #tpu.memory_space<vmem>>, vector<16xi32>,
      %parallel_loop3A_339 = arith.addi %parallel_loop3A_332, %parallel_loop3A_338 : vector<16xi32>
      %parallel_loop3A_340 = arith.constant 16 : i32
      %parallel_loop3A_341 = arith.muli %parallel_loop3A_244, %parallel_loop3A_340 : i32
      %parallel_loop3A_342 = arith.constant 28896 : i32
      %parallel_loop3A_343 = arith.addi %parallel_loop3A_342, %parallel_loop3A_341 : i32
      %parallel_loop3A_344 = arith.index_cast %parallel_loop3A_343 : i32 to index
      %parallel_loop3A_345 = tpu.vector_load %arg9[%parallel_loop3A_344] {strides = array<i32>} : memref<33024xi32, #tpu.memory_space<vmem>>, vector<16xi32>,
      %parallel_loop3A_346 = arith.addi %parallel_loop3A_339, %parallel_loop3A_345 : vector<16xi32>
      %parallel_loop3A_347 = arith.constant 16 : i32
      %parallel_loop3A_348 = arith.muli %parallel_loop3A_244, %parallel_loop3A_347 : i32
      %parallel_loop3A_349 = arith.constant 30960 : i32
      %parallel_loop3A_350 = arith.addi %parallel_loop3A_349, %parallel_loop3A_348 : i32
      %parallel_loop3A_351 = arith.index_cast %parallel_loop3A_350 : i32 to index
      %parallel_loop3A_352 = tpu.vector_load %arg9[%parallel_loop3A_351] {strides = array<i32>} : memref<33024xi32, #tpu.memory_space<vmem>>, vector<16xi32>,
      %parallel_loop3A_353 = arith.addi %parallel_loop3A_346, %parallel_loop3A_352 : vector<16xi32>
      %parallel_loop3A_354 = arith.constant 16 : i32
      %parallel_loop3A_355 = arith.muli %parallel_loop3A_244, %parallel_loop3A_354 : i32
      %parallel_loop3A_356 = arith.index_cast %parallel_loop3A_355 : i32 to index
      %parallel_loop3A_357 = tpu.vector_load %arg10[%parallel_loop3A_356] {strides = array<i32>} : memref<2064xi32, #tpu.memory_space<vmem>>, vector<16xi32>,
      tpu.vector_store %arg10[%parallel_loop3A_356], %parallel_loop3A_353 {strides = array<i32>} : memref<2064xi32, #tpu.memory_space<vmem>>, vector<16xi32>,
    } {sc.loop_unroll_factor = 2 : i64, sc.parallel_access}
    %mul3A_242 = arith.constant 2064 : i32
    %mul3A_243 = arith.muli %add3A, %mul3A_242 : i32
    "tpu.region"() ({
      %run_scoped3A = tpu.sem_alloc : memref<!tpu.dma_semaphore, #tpu.memory_space<semaphore_mem>>
      %dma_start3A_244 = tpu.memref_slice %arg4[%mul3A_243] : memref<66048xi32, #tpu.memory_space<hbm>> -> memref<2064xi32, #tpu.memory_space<hbm>>
      %dma_start3A_245 = tpu.memref_slice %arg4[%mul3A_243] : memref<66048xi32, #tpu.memory_space<hbm>> -> memref<2064xi32, #tpu.memory_space<hbm>>
      tpu.enqueue_dma source(%arg10 : memref<2064xi32, #tpu.memory_space<vmem>>) target(%dma_start3A_245 : memref<2064xi32, #tpu.memory_space<hbm>>) target_semaphore(%run_scoped3A : memref<!tpu.dma_semaphore, #tpu.memory_space<semaphore_mem>>)
      %dma_wait3A_246 = tpu.memref_slice %arg4[%mul3A_243] : memref<66048xi32, #tpu.memory_space<hbm>> -> memref<2064xi32, #tpu.memory_space<hbm>>
      %dma_wait3A_247 = tpu.memref_slice %arg4[%mul3A_243] : memref<66048xi32, #tpu.memory_space<hbm>> -> memref<2064xi32, #tpu.memory_space<hbm>>
      tpu.wait_dma2 semaphore(%run_scoped3A : memref<!tpu.dma_semaphore, #tpu.memory_space<semaphore_mem>>) src(%arg10 : memref<2064xi32, #tpu.memory_space<vmem>>) dst(%dma_wait3A_247 : memref<2064xi32, #tpu.memory_space<hbm>>)
      tpu.yield
    }) : () -> ()
    return
  }
}

module attributes {stable_mosaic.version = 14 : i64} {
  func.func @_tc_body(%arg0: memref<2x16x2064xi32, #tpu.memory_space<vmem>>, %arg1: memref<1x1xf32, #tpu.memory_space<vmem>>) attributes {dimension_semantics = [], scalar_prefetch = 0 : i64, scratch_operands = 0 : i64, tpu.core_type = #tpu.core_type<tc>} {
    %get3A = arith.constant 0 : index
    %get3A_0 = arith.constant 0 : index
    %get3A_1 = arith.constant 0 : index
    %get3A_2 = vector.load %arg0[%get3A, %get3A_0, %get3A_1] : memref<2x16x2064xi32, #tpu.memory_space<vmem>>, vector<2x16x2064xi32>
    %and3A = arith.constant 65535 : i32
    %and3A_3 = vector.broadcast %and3A : i32 to vector<2x16x2064xi32>
    %and3A_4 = arith.andi %get3A_2, %and3A_3 : vector<2x16x2064xi32>
    %convert_element_type3A = arith.sitofp %and3A_4 : vector<2x16x2064xi32> to vector<2x16x2064xf32>
    %shift_right_logical3A = arith.constant 16 : i32
    %shift_right_logical3A_5 = vector.broadcast %shift_right_logical3A : i32 to vector<2x16x2064xi32>
    %shift_right_logical3A_6 = arith.shrui %get3A_2, %shift_right_logical3A_5 : vector<2x16x2064xi32>
    %convert_element_type3A_7 = arith.sitofp %shift_right_logical3A_6 : vector<2x16x2064xi32> to vector<2x16x2064xf32>
    %reduce_sum3A = arith.constant dense<0.000000e+00> : vector<16xf32>
    %reduce_sum3A_8 = vector.multi_reduction <add>, %convert_element_type3A_7, %reduce_sum3A [0, 2] : vector<2x16x2064xf32> to vector<16xf32>
    %reshape3A = vector.shape_cast %reduce_sum3A_8 : vector<16xf32> to vector<16x1xf32>
    %slice3A = vector.extract_strided_slice %convert_element_type3A {offsets = [0, 0, 0], sizes = [2, 16, 2048], strides = [1, 1, 1]} : vector<2x16x2064xf32> to vector<2x16x2048xf32>
    %reduce_sum3A_9 = arith.constant dense<0.000000e+00> : vector<16x2048xf32>
    %reduce_sum3A_10 = vector.multi_reduction <add>, %slice3A, %reduce_sum3A_9 [0] : vector<2x16x2048xf32> to vector<16x2048xf32>
    %slice3A_11 = vector.extract_strided_slice %convert_element_type3A_7 {offsets = [0, 0, 0], sizes = [2, 16, 2048], strides = [1, 1, 1]} : vector<2x16x2064xf32> to vector<2x16x2048xf32>
    %reduce_sum3A_12 = arith.constant dense<0.000000e+00> : vector<16x2048xf32>
    %reduce_sum3A_13 = vector.multi_reduction <add>, %slice3A_11, %reduce_sum3A_12 [0] : vector<2x16x2048xf32> to vector<16x2048xf32>
    %slice3A_14 = vector.extract_strided_slice %reduce_sum3A_10 {offsets = [0, 1], sizes = [16, 2047], strides = [1, 1]} : vector<16x2048xf32> to vector<16x2047xf32>
    %broadcast_in_dim3A = arith.constant 0.000000e+00 : f32
    %broadcast_in_dim3A_15 = vector.broadcast %broadcast_in_dim3A : f32 to vector<16x1xf32>
    %concatenate3A = tpu.concatenate %slice3A_14, %broadcast_in_dim3A_15 in 1 : vector<16x2047xf32>, vector<16x1xf32> -> vector<16x2048xf32>
    %add3A = arith.addf %reduce_sum3A_10, %concatenate3A : vector<16x2048xf32>
    %slice3A_16 = vector.extract_strided_slice %reduce_sum3A_13 {offsets = [0, 1], sizes = [16, 2047], strides = [1, 1]} : vector<16x2048xf32> to vector<16x2047xf32>
    %broadcast_in_dim3A_17 = arith.constant 0.000000e+00 : f32
    %broadcast_in_dim3A_18 = vector.broadcast %broadcast_in_dim3A_17 : f32 to vector<16x1xf32>
    %concatenate3A_19 = tpu.concatenate %slice3A_16, %broadcast_in_dim3A_18 in 1 : vector<16x2047xf32>, vector<16x1xf32> -> vector<16x2048xf32>
    %add3A_20 = arith.addf %reduce_sum3A_13, %concatenate3A_19 : vector<16x2048xf32>
    %slice3A_21 = vector.extract_strided_slice %add3A {offsets = [0, 2], sizes = [16, 2046], strides = [1, 1]} : vector<16x2048xf32> to vector<16x2046xf32>
    %broadcast_in_dim3A_22 = arith.constant 0.000000e+00 : f32
    %broadcast_in_dim3A_23 = vector.broadcast %broadcast_in_dim3A_22 : f32 to vector<16x2xf32>
    %concatenate3A_24 = tpu.concatenate %slice3A_21, %broadcast_in_dim3A_23 in 1 : vector<16x2046xf32>, vector<16x2xf32> -> vector<16x2048xf32>
    %add3A_25 = arith.addf %add3A, %concatenate3A_24 : vector<16x2048xf32>
    %slice3A_26 = vector.extract_strided_slice %add3A_20 {offsets = [0, 2], sizes = [16, 2046], strides = [1, 1]} : vector<16x2048xf32> to vector<16x2046xf32>
    %broadcast_in_dim3A_27 = arith.constant 0.000000e+00 : f32
    %broadcast_in_dim3A_28 = vector.broadcast %broadcast_in_dim3A_27 : f32 to vector<16x2xf32>
    %concatenate3A_29 = tpu.concatenate %slice3A_26, %broadcast_in_dim3A_28 in 1 : vector<16x2046xf32>, vector<16x2xf32> -> vector<16x2048xf32>
    %add3A_30 = arith.addf %add3A_20, %concatenate3A_29 : vector<16x2048xf32>
    %slice3A_31 = vector.extract_strided_slice %add3A_25 {offsets = [0, 4], sizes = [16, 2044], strides = [1, 1]} : vector<16x2048xf32> to vector<16x2044xf32>
    %broadcast_in_dim3A_32 = arith.constant 0.000000e+00 : f32
    %broadcast_in_dim3A_33 = vector.broadcast %broadcast_in_dim3A_32 : f32 to vector<16x4xf32>
    %concatenate3A_34 = tpu.concatenate %slice3A_31, %broadcast_in_dim3A_33 in 1 : vector<16x2044xf32>, vector<16x4xf32> -> vector<16x2048xf32>
    %add3A_35 = arith.addf %add3A_25, %concatenate3A_34 : vector<16x2048xf32>
    %slice3A_36 = vector.extract_strided_slice %add3A_30 {offsets = [0, 4], sizes = [16, 2044], strides = [1, 1]} : vector<16x2048xf32> to vector<16x2044xf32>
    %broadcast_in_dim3A_37 = arith.constant 0.000000e+00 : f32
    %broadcast_in_dim3A_38 = vector.broadcast %broadcast_in_dim3A_37 : f32 to vector<16x4xf32>
    %concatenate3A_39 = tpu.concatenate %slice3A_36, %broadcast_in_dim3A_38 in 1 : vector<16x2044xf32>, vector<16x4xf32> -> vector<16x2048xf32>
    %add3A_40 = arith.addf %add3A_30, %concatenate3A_39 : vector<16x2048xf32>
    %slice3A_41 = vector.extract_strided_slice %add3A_35 {offsets = [0, 8], sizes = [16, 2040], strides = [1, 1]} : vector<16x2048xf32> to vector<16x2040xf32>
    %broadcast_in_dim3A_42 = arith.constant 0.000000e+00 : f32
    %broadcast_in_dim3A_43 = vector.broadcast %broadcast_in_dim3A_42 : f32 to vector<16x8xf32>
    %concatenate3A_44 = tpu.concatenate %slice3A_41, %broadcast_in_dim3A_43 in 1 : vector<16x2040xf32>, vector<16x8xf32> -> vector<16x2048xf32>
    %add3A_45 = arith.addf %add3A_35, %concatenate3A_44 : vector<16x2048xf32>
    %slice3A_46 = vector.extract_strided_slice %add3A_40 {offsets = [0, 8], sizes = [16, 2040], strides = [1, 1]} : vector<16x2048xf32> to vector<16x2040xf32>
    %broadcast_in_dim3A_47 = arith.constant 0.000000e+00 : f32
    %broadcast_in_dim3A_48 = vector.broadcast %broadcast_in_dim3A_47 : f32 to vector<16x8xf32>
    %concatenate3A_49 = tpu.concatenate %slice3A_46, %broadcast_in_dim3A_48 in 1 : vector<16x2040xf32>, vector<16x8xf32> -> vector<16x2048xf32>
    %add3A_50 = arith.addf %add3A_40, %concatenate3A_49 : vector<16x2048xf32>
    %slice3A_51 = vector.extract_strided_slice %add3A_45 {offsets = [0, 16], sizes = [16, 2032], strides = [1, 1]} : vector<16x2048xf32> to vector<16x2032xf32>
    %broadcast_in_dim3A_52 = arith.constant 0.000000e+00 : f32
    %broadcast_in_dim3A_53 = vector.broadcast %broadcast_in_dim3A_52 : f32 to vector<16x16xf32>
    %concatenate3A_54 = tpu.concatenate %slice3A_51, %broadcast_in_dim3A_53 in 1 : vector<16x2032xf32>, vector<16x16xf32> -> vector<16x2048xf32>
    %add3A_55 = arith.addf %add3A_45, %concatenate3A_54 : vector<16x2048xf32>
    %slice3A_56 = vector.extract_strided_slice %add3A_50 {offsets = [0, 16], sizes = [16, 2032], strides = [1, 1]} : vector<16x2048xf32> to vector<16x2032xf32>
    %broadcast_in_dim3A_57 = arith.constant 0.000000e+00 : f32
    %broadcast_in_dim3A_58 = vector.broadcast %broadcast_in_dim3A_57 : f32 to vector<16x16xf32>
    %concatenate3A_59 = tpu.concatenate %slice3A_56, %broadcast_in_dim3A_58 in 1 : vector<16x2032xf32>, vector<16x16xf32> -> vector<16x2048xf32>
    %add3A_60 = arith.addf %add3A_50, %concatenate3A_59 : vector<16x2048xf32>
    %slice3A_61 = vector.extract_strided_slice %add3A_55 {offsets = [0, 32], sizes = [16, 2016], strides = [1, 1]} : vector<16x2048xf32> to vector<16x2016xf32>
    %broadcast_in_dim3A_62 = arith.constant 0.000000e+00 : f32
    %broadcast_in_dim3A_63 = vector.broadcast %broadcast_in_dim3A_62 : f32 to vector<16x32xf32>
    %concatenate3A_64 = tpu.concatenate %slice3A_61, %broadcast_in_dim3A_63 in 1 : vector<16x2016xf32>, vector<16x32xf32> -> vector<16x2048xf32>
    %add3A_65 = arith.addf %add3A_55, %concatenate3A_64 : vector<16x2048xf32>
    %slice3A_66 = vector.extract_strided_slice %add3A_60 {offsets = [0, 32], sizes = [16, 2016], strides = [1, 1]} : vector<16x2048xf32> to vector<16x2016xf32>
    %broadcast_in_dim3A_67 = arith.constant 0.000000e+00 : f32
    %broadcast_in_dim3A_68 = vector.broadcast %broadcast_in_dim3A_67 : f32 to vector<16x32xf32>
    %concatenate3A_69 = tpu.concatenate %slice3A_66, %broadcast_in_dim3A_68 in 1 : vector<16x2016xf32>, vector<16x32xf32> -> vector<16x2048xf32>
    %add3A_70 = arith.addf %add3A_60, %concatenate3A_69 : vector<16x2048xf32>
    %slice3A_71 = vector.extract_strided_slice %add3A_65 {offsets = [0, 64], sizes = [16, 1984], strides = [1, 1]} : vector<16x2048xf32> to vector<16x1984xf32>
    %broadcast_in_dim3A_72 = arith.constant 0.000000e+00 : f32
    %broadcast_in_dim3A_73 = vector.broadcast %broadcast_in_dim3A_72 : f32 to vector<16x64xf32>
    %concatenate3A_74 = tpu.concatenate %slice3A_71, %broadcast_in_dim3A_73 in 1 : vector<16x1984xf32>, vector<16x64xf32> -> vector<16x2048xf32>
    %add3A_75 = arith.addf %add3A_65, %concatenate3A_74 : vector<16x2048xf32>
    %slice3A_76 = vector.extract_strided_slice %add3A_70 {offsets = [0, 64], sizes = [16, 1984], strides = [1, 1]} : vector<16x2048xf32> to vector<16x1984xf32>
    %broadcast_in_dim3A_77 = arith.constant 0.000000e+00 : f32
    %broadcast_in_dim3A_78 = vector.broadcast %broadcast_in_dim3A_77 : f32 to vector<16x64xf32>
    %concatenate3A_79 = tpu.concatenate %slice3A_76, %broadcast_in_dim3A_78 in 1 : vector<16x1984xf32>, vector<16x64xf32> -> vector<16x2048xf32>
    %add3A_80 = arith.addf %add3A_70, %concatenate3A_79 : vector<16x2048xf32>
    %slice3A_81 = vector.extract_strided_slice %add3A_75 {offsets = [0, 128], sizes = [16, 1920], strides = [1, 1]} : vector<16x2048xf32> to vector<16x1920xf32>
    %broadcast_in_dim3A_82 = arith.constant 0.000000e+00 : f32
    %broadcast_in_dim3A_83 = vector.broadcast %broadcast_in_dim3A_82 : f32 to vector<16x128xf32>
    %concatenate3A_84 = tpu.concatenate %slice3A_81, %broadcast_in_dim3A_83 in 1 : vector<16x1920xf32>, vector<16x128xf32> -> vector<16x2048xf32>
    %add3A_85 = arith.addf %add3A_75, %concatenate3A_84 : vector<16x2048xf32>
    %slice3A_86 = vector.extract_strided_slice %add3A_80 {offsets = [0, 128], sizes = [16, 1920], strides = [1, 1]} : vector<16x2048xf32> to vector<16x1920xf32>
    %broadcast_in_dim3A_87 = arith.constant 0.000000e+00 : f32
    %broadcast_in_dim3A_88 = vector.broadcast %broadcast_in_dim3A_87 : f32 to vector<16x128xf32>
    %concatenate3A_89 = tpu.concatenate %slice3A_86, %broadcast_in_dim3A_88 in 1 : vector<16x1920xf32>, vector<16x128xf32> -> vector<16x2048xf32>
    %add3A_90 = arith.addf %add3A_80, %concatenate3A_89 : vector<16x2048xf32>
    %slice3A_91 = vector.extract_strided_slice %add3A_85 {offsets = [0, 256], sizes = [16, 1792], strides = [1, 1]} : vector<16x2048xf32> to vector<16x1792xf32>
    %broadcast_in_dim3A_92 = arith.constant 0.000000e+00 : f32
    %broadcast_in_dim3A_93 = vector.broadcast %broadcast_in_dim3A_92 : f32 to vector<16x256xf32>
    %concatenate3A_94 = tpu.concatenate %slice3A_91, %broadcast_in_dim3A_93 in 1 : vector<16x1792xf32>, vector<16x256xf32> -> vector<16x2048xf32>
    %add3A_95 = arith.addf %add3A_85, %concatenate3A_94 : vector<16x2048xf32>
    %slice3A_96 = vector.extract_strided_slice %add3A_90 {offsets = [0, 256], sizes = [16, 1792], strides = [1, 1]} : vector<16x2048xf32> to vector<16x1792xf32>
    %broadcast_in_dim3A_97 = arith.constant 0.000000e+00 : f32
    %broadcast_in_dim3A_98 = vector.broadcast %broadcast_in_dim3A_97 : f32 to vector<16x256xf32>
    %concatenate3A_99 = tpu.concatenate %slice3A_96, %broadcast_in_dim3A_98 in 1 : vector<16x1792xf32>, vector<16x256xf32> -> vector<16x2048xf32>
    %add3A_100 = arith.addf %add3A_90, %concatenate3A_99 : vector<16x2048xf32>
    %slice3A_101 = vector.extract_strided_slice %add3A_95 {offsets = [0, 512], sizes = [16, 1536], strides = [1, 1]} : vector<16x2048xf32> to vector<16x1536xf32>
    %broadcast_in_dim3A_102 = arith.constant 0.000000e+00 : f32
    %broadcast_in_dim3A_103 = vector.broadcast %broadcast_in_dim3A_102 : f32 to vector<16x512xf32>
    %concatenate3A_104 = tpu.concatenate %slice3A_101, %broadcast_in_dim3A_103 in 1 : vector<16x1536xf32>, vector<16x512xf32> -> vector<16x2048xf32>
    %add3A_105 = arith.addf %add3A_95, %concatenate3A_104 : vector<16x2048xf32>
    %slice3A_106 = vector.extract_strided_slice %add3A_100 {offsets = [0, 512], sizes = [16, 1536], strides = [1, 1]} : vector<16x2048xf32> to vector<16x1536xf32>
    %broadcast_in_dim3A_107 = arith.constant 0.000000e+00 : f32
    %broadcast_in_dim3A_108 = vector.broadcast %broadcast_in_dim3A_107 : f32 to vector<16x512xf32>
    %concatenate3A_109 = tpu.concatenate %slice3A_106, %broadcast_in_dim3A_108 in 1 : vector<16x1536xf32>, vector<16x512xf32> -> vector<16x2048xf32>
    %add3A_110 = arith.addf %add3A_100, %concatenate3A_109 : vector<16x2048xf32>
    %slice3A_111 = vector.extract_strided_slice %add3A_105 {offsets = [0, 1024], sizes = [16, 1024], strides = [1, 1]} : vector<16x2048xf32> to vector<16x1024xf32>
    %broadcast_in_dim3A_112 = arith.constant 0.000000e+00 : f32
    %broadcast_in_dim3A_113 = vector.broadcast %broadcast_in_dim3A_112 : f32 to vector<16x1024xf32>
    %concatenate3A_114 = tpu.concatenate %slice3A_111, %broadcast_in_dim3A_113 in 1 : vector<16x1024xf32>, vector<16x1024xf32> -> vector<16x2048xf32>
    %add3A_115 = arith.addf %add3A_105, %concatenate3A_114 : vector<16x2048xf32>
    %slice3A_116 = vector.extract_strided_slice %add3A_110 {offsets = [0, 1024], sizes = [16, 1024], strides = [1, 1]} : vector<16x2048xf32> to vector<16x1024xf32>
    %broadcast_in_dim3A_117 = arith.constant 0.000000e+00 : f32
    %broadcast_in_dim3A_118 = vector.broadcast %broadcast_in_dim3A_117 : f32 to vector<16x1024xf32>
    %concatenate3A_119 = tpu.concatenate %slice3A_116, %broadcast_in_dim3A_118 in 1 : vector<16x1024xf32>, vector<16x1024xf32> -> vector<16x2048xf32>
    %add3A_120 = arith.addf %add3A_110, %concatenate3A_119 : vector<16x2048xf32>
    %sub3A = vector.broadcast %reshape3A : vector<16x1xf32> to vector<16x2048xf32>
    %sub3A_121 = arith.subf %sub3A, %add3A_120 : vector<16x2048xf32>
    %add3A_122 = vector.broadcast %reshape3A : vector<16x1xf32> to vector<16x2048xf32>
    %add3A_123 = arith.addf %add3A_122, %add3A_115 : vector<16x2048xf32>
    %sub3A_124 = arith.subf %add3A_123, %add3A_120 : vector<16x2048xf32>
    %div3A = arith.divf %sub3A_121, %sub3A_124 : vector<16x2048xf32>
    %sub3A_125 = arith.constant 1.000000e+00 : f32
    %sub3A_126 = vector.broadcast %sub3A_125 : f32 to vector<16x2048xf32>
    %sub3A_127 = arith.subf %sub3A_126, %div3A : vector<16x2048xf32>
    %sub3A_128 = arith.constant 2.621440e+05 : f32
    %sub3A_129 = vector.broadcast %sub3A_128 : f32 to vector<16x1xf32>
    %sub3A_130 = arith.subf %sub3A_129, %reshape3A : vector<16x1xf32>
    %sub3A_131 = arith.subf %add3A_115, %add3A_120 : vector<16x2048xf32>
    %sub3A_132 = vector.broadcast %sub3A_130 : vector<16x1xf32> to vector<16x2048xf32>
    %sub3A_133 = arith.subf %sub3A_132, %sub3A_131 : vector<16x2048xf32>
    %sub3A_134 = arith.constant 2.621440e+05 : f32
    %sub3A_135 = vector.broadcast %sub3A_134 : f32 to vector<16x1xf32>
    %sub3A_136 = arith.subf %sub3A_135, %reshape3A : vector<16x1xf32>
    %add3A_137 = vector.broadcast %sub3A_136 : vector<16x1xf32> to vector<16x2048xf32>
    %add3A_138 = arith.addf %add3A_137, %add3A_120 : vector<16x2048xf32>
    %div3A_139 = arith.divf %sub3A_133, %add3A_138 : vector<16x2048xf32>
    %sub3A_140 = arith.constant 1.000000e+00 : f32
    %sub3A_141 = vector.broadcast %sub3A_140 : f32 to vector<16x2048xf32>
    %sub3A_142 = arith.subf %sub3A_141, %div3A_139 : vector<16x2048xf32>
    %gt3A = arith.constant 0.000000e+00 : f32
    %gt3A_143 = vector.broadcast %gt3A : f32 to vector<16x2048xf32>
    %gt3A_144 = arith.cmpf ogt, %add3A_115, %gt3A_143 : vector<16x2048xf32>
    %add3A_145 = arith.addf %sub3A_127, %sub3A_142 : vector<16x2048xf32>
    %mul3A = arith.constant 5.000000e-01 : f32
    %mul3A_146 = vector.broadcast %mul3A : f32 to vector<16x2048xf32>
    %mul3A_147 = arith.mulf %mul3A_146, %add3A_145 : vector<16x2048xf32>
    %jit3A = arith.constant 0.000000e+00 : f32
    %broadcast_in_dim3A_148 = vector.broadcast %jit3A : f32 to vector<16x2048xf32>
    %select_n3A = arith.select %gt3A_144, %mul3A_147, %broadcast_in_dim3A_148 : vector<16x2048xi1>, vector<16x2048xf32>
    %reduce_sum3A_149 = arith.constant dense<0.000000e+00> : vector<16xf32>
    %reduce_sum3A_150 = vector.multi_reduction <add>, %select_n3A, %reduce_sum3A_149 [1] : vector<16x2048xf32> to vector<16xf32>
    %slice3A_151 = vector.extract_strided_slice %select_n3A {offsets = [0, 0], sizes = [16, 1], strides = [1, 1]} : vector<16x2048xf32> to vector<16x1xf32>
    %squeeze3A = vector.shape_cast %slice3A_151 : vector<16x1xf32> to vector<16xf32>
    %mul3A_152 = arith.constant 5.000000e-01 : f32
    %mul3A_153 = vector.broadcast %mul3A_152 : f32 to vector<16xf32>
    %mul3A_154 = arith.mulf %mul3A_153, %squeeze3A : vector<16xf32>
    %sub3A_155 = arith.subf %reduce_sum3A_150, %mul3A_154 : vector<16xf32>
    %mul3A_156 = arith.constant 7.812500e-03 : f32
    %mul3A_157 = vector.broadcast %mul3A_156 : f32 to vector<16xf32>
    %mul3A_158 = arith.mulf %mul3A_157, %sub3A_155 : vector<16xf32>
    %reduce_sum3A_159 = vector.shape_cast %mul3A_158 : vector<16xf32> to vector<1x16xf32>
    %reduce_sum3A_160 = arith.constant dense<0.000000e+00> : vector<1xf32>
    %reduce_sum3A_161 = vector.multi_reduction <add>, %reduce_sum3A_159, %reduce_sum3A_160 [1] : vector<1x16xf32> to vector<1xf32>
    %reduce_sum3A_162 = vector.shape_cast %reduce_sum3A_161 : vector<1xf32> to vector<1x1xf32>
    %reduce_sum3A_163 = vector.extract %reduce_sum3A_162[0, 0] : f32 from vector<1x1xf32>
    %div3A_164 = arith.constant 1.600000e+01 : f32
    %div3A_165 = arith.divf %reduce_sum3A_163, %div3A_164 : f32
    %reshape3A_166 = vector.broadcast %div3A_165 : f32 to vector<1x1xf32>
    %swap3A = arith.constant 0 : index
    %swap3A_167 = arith.constant 0 : index
    %swap3A_168 = vector.load %arg1[%swap3A, %swap3A_167] : memref<1x1xf32, #tpu.memory_space<vmem>>, vector<1x1xf32>
    tpu.vector_store %arg1[%swap3A, %swap3A_167], %reshape3A_166 {strides = array<i32>} : memref<1x1xf32, #tpu.memory_space<vmem>>, vector<1x1xf32>,
    return
  }
}

</mosaic_0001>

<sc_bundles>
// kernel: kernel.4.cloned.1.call-start
scs
__scs_entry_jumppad:
0x0: {  	(pc) =	sbr.rel $0x88, $3  }
0x1: {  	(tag) =	ssettag $0x0;
	lr =	simm.s32 $0x1  }
0x2: {  	[smem:$0x3F9F] =	sst lr;
	_ =	strace $0xD0000000  }
0x3: {  	_ = 	snop  }
0x4: {  	_ = 	snop  }
0x5: {  	_ = 	snop  }
0x6: {  	_ = 	snop  }
0x7: {  	_ = 	snop  }
__scs_overlays_trampoline_lowered:
0x8: {  	[smem:$0x3FAE] =	sst s0  }
0x9: {  	[smem:$0x3FAF] =	sst s1  }
0xa: {  	[smem:$0x3FB0] =	sst s2  }
0xb: {  	[smem:$0x3FB1] =	sst s3  }
0xc: {  	[smem:$0x3FB2] =	sst s4  }
0xd: {  	[smem:$0x3FB3] =	sst s5  }
0xe: {  	[smem:$0x3FB4] =	sst s6  }
0xf: {  	[smem:$0x3FB5] =	sst s7  }
0x10: {  	[smem:$0x3FB6] =	sst s8  }
0x11: {  	[smem:$0x3FB7] =	sst s9;
	s0 =	simm.s32 @!p0 $0x0  }
0x12: {  	s1 =	sld [smem:$0x3F9D];
	s0 =	simm.s32 @p0 $0x1  }
0x13: {  	[smem:$0x3FB8] =	sst s0;
	s0 =	simm.s32 @!p1 $0x0  }
0x14: {  	s2 =	sld [smem:$0x3F9C];
	s0 =	simm.s32 @p1 $0x1  }
0x15: {  	[smem:$0x3FB9] =	sst s0;
	s0 =	simm.s32 @!p2 $0x0  }
0x16: {  	s3 =	sld [smem:$0x3FDB];
	s0 =	simm.s32 @p2 $0x1  }
0x17: {  	s4 =	simm.s32 $0x1BF5;
	[smem:$0x3FBB] =	sst s0  }
0x18: {  	s0 =	sld [smem:$0x3F9E];
	_ =	swait.ge [sflag:s4], $0x0  }
0x19: {  	s7 =	sld [smem:$0x3F9F]  }
0x1a: {  	s8 =	sadd.s32 $0xFFFFE003, lr  }
0x1b: {  	s9 =	sadd.s32 $0xFFFFFEF7, lr;
	s5 =	simm.s32 $0xFFFFFFFF;
	p2 =	slt.u32 s8, $0xFFFFF086  }
0x1c: {  	p1 =	slt.u32 s9, $0xF7A;
	s5 =	simm.s32 @!p2 $0x0  }
0x1d: {  	s5 =	simm.s32 @p1 $0x1;
	p0 =	seq.s32 s7, s2  }
0x1e: {  	s7 =	smul.u32 @!p0 $0xF7A, s2;
	p2 =	seq.s32 @!p0 s5, $0x0  }
0x1f: {  	s9 =	smul.u32 $0xF7A, s1;
	s8 =	simm.s32 @!p0 $0x1BF5;
	p2 =	por !p2, p0  }
0x20: {  	[sflag:s8] =	ssyncset.s32 @!p0 $0xFFFFF086;
	s6 =	sadd.s32 @!p0 s3, s7;
	s7 =	simm.s32 @!p0 $0x108  }
0x21: {  	s3 =	sadd.s32 s3, s9;
	s6 =	sadd.s32 @!p0 $0x88, s6;
	s7 =	simm.s32 @p2 $0x1082  }
0x22: {  	[simem:s7], [sflag:s8] =	dma.local @!p0 [hbm:s6], $0xF7A  }
0x23: {  	s9 =	sor.u32 $0xD0000000, s2;
	s6 =	simm.s32 $0x108;
	_ =	swait.ge @!p0 [sflag:s8], $0x0  }
0x24: {  	s3 =	sadd.s32 $0x88, s3;
	s6 =	simm.s32 @!p1 $0x1082;
	[sflag:s4] =	ssyncset.s32 $0xFFFFF086  }
0x25: {  	[simem:s6], [sflag:s4] =	dma.local [hbm:s3], $0xF7A  }
0x26: {  	[smem:$0x3F9F] =	sst s1;
	(tag) =	ssettag s2;
	_ =	strace s9  }
0x27: {  	s1 =	sld [smem:$0x3FAF]  }
0x28: {  	s2 =	sld [smem:$0x3FB0]  }
0x29: {  	s4 =	sld [smem:$0x3FB2]  }
0x2a: {  	p0 =	seq.s32 s5, $0x0;
	s5 =	sld [smem:$0x3FB3]  }
0x2b: {  	s6 =	sld [smem:$0x3FB4]  }
0x2c: {  	s7 =	sld [smem:$0x3FB5]  }
0x2d: {  	s3 =	simm.s32 $0x108;
	s8 =	sld [smem:$0x3FB6]  }
0x2e: {  	s3 =	simm.s32 @!p0 $0x1082;
	s9 =	sld [smem:$0x3FB7]  }
0x2f: {  	lr =	sadd.s32 s0, s3;
	s0 =	sld [smem:$0x3FAE]  }
0x30: {  	s3 =	sld [smem:$0x3FB1]  }
0x31: {  	[smem:$0x3FBA] =	sst s10  }
0x32: {  	s10 =	sld [smem:$0x3FB8];
	_ =	sdelay $0x3  }
0x33: {  	p0 =	seq.s32 s10, $0x1;
	s10 =	sld [smem:$0x3FBA];
	_ =	sdelay $0x3  }
0x34: {  	[smem:$0x3FBA] =	sst s10  }
0x35: {  	s10 =	sld [smem:$0x3FB9];
	_ =	sdelay $0x3  }
0x36: {  	p1 =	seq.s32 s10, $0x1;
	s10 =	sld [smem:$0x3FBA];
	_ =	sdelay $0x3  }
0x37: {  	[smem:$0x3FBA] =	sst s10  }
0x38: {  	s10 =	sld [smem:$0x3FBB]  }
0x39: {  	_ = 	snop;
	(pc) =	sbr.ind lr, $3  }
0x3a: {  	_ = 	snop  }
0x3b: {  	_ = 	snop  }
0x3c: {  	p2 =	seq.s32 s10, $0x1;
	s10 =	sld [smem:$0x3FBA]  }
0x3d: {  	_ =	shalt  }
0x3e: {  	_ =	shalt  }
0x3f: {  	_ =	shalt  }
0x40: {  	_ =	shalt  }
0x41: {  	_ =	shalt  }
0x42: {  	_ =	shalt  }
0x43: {  	_ =	shalt  }
0x44: {  	_ =	shalt  }
0x45: {  	_ =	shalt  }
0x46: {  	_ =	shalt  }
0x47: {  	_ =	shalt  }
0x48: {  	_ =	shalt  }
0x49: {  	_ =	shalt  }
0x4a: {  	_ =	shalt  }
0x4b: {  	_ =	shalt  }
0x4c: {  	_ =	shalt  }
0x4d: {  	_ =	shalt  }
0x4e: {  	_ =	shalt  }
0x4f: {  	_ =	shalt  }
0x50: {  	_ =	shalt  }
0x51: {  	_ =	shalt  }
0x52: {  	_ =	shalt  }
0x53: {  	_ =	shalt  }
0x54: {  	_ =	shalt  }
0x55: {  	_ =	shalt  }
0x56: {  	_ =	shalt  }
0x57: {  	_ =	shalt  }
0x58: {  	_ =	shalt  }
0x59: {  	_ =	shalt  }
0x5a: {  	_ =	shalt  }
0x5b: {  	_ =	shalt  }
0x5c: {  	_ =	shalt  }
0x5d: {  	_ =	shalt  }
0x5e: {  	_ =	shalt  }
0x5f: {  	_ =	shalt  }
0x60: {  	_ =	shalt  }
0x61: {  	_ =	shalt  }
0x62: {  	_ =	shalt  }
0x63: {  	_ =	shalt  }
0x64: {  	_ =	shalt  }
0x65: {  	_ =	shalt  }
0x66: {  	_ =	shalt  }
0x67: {  	_ =	shalt  }
0x68: {  	_ =	shalt  }
0x69: {  	_ =	shalt  }
0x6a: {  	_ =	shalt  }
0x6b: {  	_ =	shalt  }
0x6c: {  	_ =	shalt  }
0x6d: {  	_ =	shalt  }
0x6e: {  	_ =	shalt  }
0x6f: {  	_ =	shalt  }
0x70: {  	_ =	shalt  }
0x71: {  	_ =	shalt  }
0x72: {  	_ =	shalt  }
0x73: {  	_ =	shalt  }
0x74: {  	_ =	shalt  }
0x75: {  	_ =	shalt  }
0x76: {  	_ =	shalt  }
0x77: {  	_ =	shalt  }
0x78: {  	_ =	shalt  }
0x79: {  	_ =	shalt  }
0x7a: {  	_ =	shalt  }
0x7b: {  	_ =	shalt  }
0x7c: {  	_ =	shalt  }
0x7d: {  	_ =	shalt  }
0x7e: {  	_ =	shalt  }
0x7f: {  	_ =	shalt  }
0x80: {  	_ =	shalt  }
0x81: {  	_ =	shalt  }
0x82: {  	_ =	shalt  }
0x83: {  	_ =	shalt  }
0x84: {  	_ =	shalt  }
0x85: {  	_ =	shalt  }
0x86: {  	_ =	shalt  }
0x87: {  	_ =	shalt  }
.Lfunc_end0:
.L_simem_size_0:
called_computation_lowered:
.L_overlay_start_0:
0x88: {  	s2 =	sld [smem:$0x3FD9]  }
0x89: {  	s3 =	sld [smem:$0x3FFE];
	_ =	sdelay $0x1  }
0x8a: {  	s1 =	srdreg.scid  }
0x8b: {  	s0 =	sand.u32 $0x1, s1  }
0x8c: {  	s17 =	sshll.u32 s0, $0xA;
	s2 =	sadd.s32 s3, s2  }
0x8d: {  	s2 =	sadd.s32 s2, s17  }
0x8e: {  	[smem:$0x3FC6] =	sst s2  }
0x8f: {  	_ = 	snop  }
0x90: {  	s2 =	sld [smem:$0x3FC9]  }
0x91: {  	s18 =	sld [smem:$0x3FC8];
	(tm) =	ssettm $0x1  }
0x92: {  	s4 =	sld [smem:$0x3FFB];
	_ =	sdelay $0x3  }
0x93: {  	_ =	strace s4  }
0x94: {  	s4 =	sld [smem:$0x3FFC];
	_ =	sdelay $0x3  }
0x95: {  	_ =	strace s4  }
0x96: {  	s4 =	sld [smem:$0x3FFD];
	_ =	sdelay $0x3  }
0x97: {  	_ =	strace s4  }
0x98: {  	_ =	strace $0x8FFFFFFF  }
0x99: {  	s19 =	sld [smem:$0x3FDB];
	_ =	sdelay $0x1  }
0x9a: {  	s5 =	simm.s32 $_scs_section_size  }
0x9b: {  	s6 =	simm.s32 $_size__tile_overlayer_lowered;
	s7 =	simm.s32 $_tile_overlayer_lowered  }
0x9c: {  	s22 =	simm.s32 $0x1BFF;
	s21 =	sshll.u32 s7, $0x1;
	s4 =	sadd.s32 s5, s19  }
0x9d: {  	s8 =	simm.s32 $0x0;
	s20 =	sshll.u32 s6, $0x1;
	s6 =	sadd.s32 s21, s4  }
0x9e: {  	[timem:s8], [sflag:s22] =	dma.local [hbm:s6], s20  }
0x9f: {  	_ =	swait.ge [sflag:s22], s20  }
0xa0: {  	s5 =	ssub.s32 $0x0, s20;
	[sflag:s22] =	ssyncset.done $0x0  }
0xa1: {  	[sflag:s22] =	ssyncadd.s32 s5;
	_ =	sdelay $0x1  }
0xa2: {  	s23 =	simm.s32 $0x1B8B  }
0xa3: {  	_ =	swait.ge [sflag:s23], $0x1  }
0xa4: {  	[sflag:s23] =	ssyncset.done $0x0  }
0xa5: {  	s25 =	simm.s32 $0x1B8E;
	s24 =	sld [smem:$0x3FFE];
	[sflag:s23] =	ssyncadd.s32 $0xFFFFFFFF  }
0xa6: {  	s26 =	simm.s32 $execute0_lowered;
	[smem:$0x3FD2] =	sst s25  }
0xa7: {  	s6 =	sshll.u32 s26, $0x1;
	_ =	strace $0x80000046;
	[dreg:$0x1] =	wrdreg $0xFFFFFFFF  }
0xa8: {  	s28 =	simm.s32 $_size_execute0_lowered;
	s4 =	sadd.s32 s4, s6;
	[dreg:$0x0] =	wrdreg $0x0  }
0xa9: {  	s6 =	sshll.u32 s28, $0x1;
	[dreg:$0x2] =	wrdreg s4  }
0xaa: {  	[dreg:$0x3] =	wrdreg s6  }
0xab: {  	[dreg:$0x4] =	wrdreg $0xC0  }
0xac: {  	_ =	task [dreg:s8], $0x5FFFF  }
0xad: {  	[dreg:$0x1] =	wrdreg $0xFFFFFFFF  }
0xae: {  	[dreg:$0x0] =	wrdreg $0x60  }
0xaf: {  	[dreg:$0x2] =	wrdreg s2  }
0xb0: {  	[dreg:$0x3] =	wrdreg s18  }
0xb1: {  	[dreg:$0x4] =	wrdreg s24  }
0xb2: {  	[dreg:$0x5] =	wrdreg $0x9  }
0xb3: {  	_ =	task.clear_ibuf [dreg:s8], $0x6FFFF;
	_ =	strace $0x90000046  }
0xb4: {  	s29 =	simm.s32 $0x9;
	_ =	strace $0x80000048  }
0xb5: {  	_ =	swait.ge [sflag:s29], $0x1  }
0xb6: {  	[sflag:s29] =	ssyncadd.s32 $0xFFFFFFFF  }
0xb7: {  	_ =	strace $0x90000048  }
0xb8: {  	_ =	sfence  }
0xb9: {  	s30 =	sld [smem:$0x0];
	_ =	sdelay $0x2  }
0xba: {  	s31 =	sshll.u32 s1, $0xD;
	s1 =	sshrl.u32 s1, $0x2  }
0xbb: {  	s3 =	sand.u32 $0x4000, s31;
	s1 =	sadd.s32 s1, s30  }
0xbc: {  	s0 =	sor.u32 s3, s0;
	s1 =	sshll.u32 s1, $0x11  }
0xbd: {  	s0 =	sor.u32 s1, s0  }
0xbe: {  	s0 =	sadd.s32 $0x8F2B, s0  }
0xbf: {  	[sflag:s0] =	ssyncadd.remote.s32 $0x1  }
0xc0: {  	_ =	sfence.sel $0xFFFF  }
0xc1: {  	[dreg:$0x0] =	wrdreg $0xFFFFFFFF;
	(pc) =	sbr.abs _section_cstart, $3  }
0xc2: {  	[dreg:$0x1] =	wrdreg $0xFFFFFFFF  }
0xc3: {  	_ =	task.clear_ibuf [dreg:s8], $0x2FFFF;
	_ =	strace $0x9FFFFFFF  }
0xc4: {  	(tm) =	ssettm $0x7FFFFFFF  }
0xc5: {  	_ =	shalt  }
tec
execute0_lowered:
.L_overlay_start_1:
0x0: {  	(tag) =	ssettag $0x1  }
0x1: {  	s0 =	rddreg [dreg:$0x0]  }
0x2: {  	s1 =	rddreg [dreg:$0x1]  }
0x3: {  	s2 =	rddreg [dreg:$0x2]  }
0x4: {  	s3 =	srdreg.scid;
	s5 =	simm.s32 $0x0;
	s7 =	stileid.u32  }
0x5: {  	s21 =	simm.s32 $0x8000;
	s22 =	simm.s32 $0x1;
	s28 =	simm.s32 $0x2  }
0x6: {  	s29 =	simm.s32 $0x4;
	s3 =	sand.u32 $0x1, s3;
	[smem:$0x7FF] =	sst s5  }
0x7: {  	s31 =	simm.s32 $0x5;
	s4 =	sshll.u32 s3, $0x4;
	_ =	strace $0x80000047  }
0x8: {  	s23 =	ssub.s32 $0x2, s3;
	s3 =	sshll.u32 s3, $0xE;
	s4 =	sor.u32 s7, s4  }
0x9: {  	s6 =	sshrl.u32 s23, $0x1;
	s7 =	sshll.u32 s7, $0xF;
	s4 =	smul.u32 $0x102, s4  }
0xa: {  	s20 =	ssub.s32 s23, s6;
	s3 =	sor.u32 s3, s7;
	s23 =	simm.s32 $0x3  }
0xb: {  	s24 =	sadd.s32 s0, s3;
	s25 =	sadd.s32 s1, s3;
	s26 =	sor.u32 $0x800, s3  }
0xc: {  	s8 =	sor.u32 $0x1000, s3;
	s10 =	sor.u32 $0x1800, s3;
	s12 =	sor.u32 $0x2000, s3  }
0xd: {  	s14 =	sor.u32 $0x2800, s3;
	s16 =	sor.u32 $0x3000, s3;
	s3 =	sor.u32 $0x3800, s3  }
0xe: {  	s20 =	smax.u32 s20, $0x1;
	s2 =	sadd.s32 s4, s2;
	[dreg:$0x4] =	wrdreg s24  }
0xf: {  	[dreg:$0x5] =	wrdreg s25;
	s30 =	sadd.s32 s0, s26;
	s6 =	sadd.s32 s1, s26  }
0x10: {  	s7 =	sadd.s32 s0, s8;
	s8 =	sadd.s32 s1, s8;
	s9 =	sadd.s32 s0, s10  }
0x11: {  	s10 =	sadd.s32 s1, s10;
	s11 =	sadd.s32 s0, s12;
	s12 =	sadd.s32 s1, s12  }
0x12: {  	v0 =	vlaneseq.u32;
	s13 =	sadd.s32 s0, s14;
	s14 =	sadd.s32 s1, s14;
	s15 =	sadd.s32 s0, s16  }
0x13: {  	v0 =	vmul.u32 $0x810, v0;
	s16 =	sadd.s32 s1, s16;
	s17 =	sadd.s32 s0, s3;
	s18 =	sadd.s32 s1, s3  }
0x14: {  	s24 =	simm.s32 $0x4000;
	s25 =	simm.s32 $0xC000;
	s26 =	simm.s32 $0x10000  }
0x15: {  	v1 =	vimm.s32 $0x0;
	v2 =	vadd.s32 $0x800, v0;
	s0 =	simm.s32 $0x0;
	[dreg:$0x6] =	wrdreg s30;
	s19 =	sadd.s32 $0x400, s2  }
.LBB2_1:
0x16: {  	s1 =	simm.s32 $0x10040  }
0x17: {  	[tilespmem:s1+$0xFFFFFFC0] =	vst v1  }
0x18: {  	[tilespmem:s1+$0x30] =	vst v1  }
0x19: {  	[tilespmem:s1+$0x20] =	vst v1  }
0x1a: {  	[tilespmem:s1+$0x10] =	vst v1  }
0x1b: {  	[tilespmem:s1+$0x0] =	vst v1  }
0x1c: {  	[tilespmem:s1+$0xFFFFFFF0] =	vst v1  }
0x1d: {  	s2 =	simm.s32 $0x0;
	[tilespmem:s1+$0xFFFFFFE0] =	vst v1  }
.LBB2_2:
0x1e: {  	s2 =	sadd.s32 $0x8, s2;
	[tilespmem:s1+$0xFFFFFFD0] =	vst v1;
	s1 =	sadd.s32 $0x80, s1  }
0x1f: {  	[tilespmem:s1+$0xFFFFFFC0] =	vst v1;
	p0 =	slt.u32 s2, $0x808  }
0x20: {  	[tilespmem:s1+$0x30] =	vst v1  }
.Ltmp0:
0x21: {  	[tilespmem:s1+$0x20] =	vst v1;
	(pc) =	sbr.rel @p0 .LBB2_2-.Ltmp0, $4  }
0x22: {  	[tilespmem:s1+$0x10] =	vst v1  }
0x23: {  	[tilespmem:s1+$0x0] =	vst v1  }
0x24: {  	[tilespmem:s1+$0xFFFFFFF0] =	vst v1  }
0x25: {  	[tilespmem:s1+$0xFFFFFFE0] =	vst v1  }
0x26: {  	[tilespmem:s1+$0xFFFFFFD0] =	vst v1  }
0x27: {  	s1 =	simm.s32 $0x0;
	s2 =	rddreg [dreg:$0x4]  }
0x28: {  	[tilespmem:s1], [sflag:$0x1] =	stream.linear.gather [hbm4b:s2+s1], $0x4000, $0x38;
	[tilespmem:$0x18980] =	vst v63  }
0x29: {  	s5 =	rddreg [dreg:$0x5]  }
0x2a: {  	[tilespmem:s21], [sflag:$0x3] =	stream.linear.gather [hbm4b:s5+s1], $0x4000, $0x38;
	[tilespmem:$0x18980] =	vst v63  }
0x2b: {  	_ =	swait.ge [sflag:s22], $0x4000  }
0x2c: {  	[sflag:s22] =	ssyncset.done $0x0  }
0x2d: {  	[sflag:s22] =	ssyncadd.s32 $0xFFFFC000  }
0x2e: {  	_ =	swait.ge [sflag:s23], $0x4000  }
0x2f: {  	[sflag:s23] =	ssyncset.done $0x0  }
0x30: {  	s4 =	simm.s32 $0x0;
	s3 =	rddreg [dreg:$0x6];
	[sflag:s23] =	ssyncadd.s32 $0xFFFFC000  }
0x31: {  	[tilespmem:s24], [sflag:$0x2] =	stream.linear.gather [hbm4b:s3+s1], $0x4000, $0x38;
	[tilespmem:$0x18980] =	vst v63  }
0x32: {  	s30 =	simm.s32 $0x0;
	s2 =	sand.u32 $0x3000, s4;
	s3 =	sand.u32 $0xC00, s1  }
0x33: {  	s5 =	sand.u32 $0x380, s30;
	s2 =	sor.u32 s3, s2  }
0x34: {  	[tilespmem:s25], [sflag:$0x4] =	stream.linear.gather [hbm4b:s6+s1], $0x4000, $0x38;
	[tilespmem:$0x18980] =	vst v63  }
0x35: {  	s2 =	sor.u32 s5, s2  }
0x36: {  	v13 =	vld [tilespmem:s2+$0x8070]  }
0x37: {  	v5 =	vld [tilespmem:s2+$0x8000]  }
0x38: {  	v6 =	vld [tilespmem:s2+$0x8010]  }
0x39: {  	v7 =	vld [tilespmem:s2+$0x8020]  }
0x3a: {  	v4 =	vld [tilespmem:s2+$0x8030]  }
0x3b: {  	v3 =	vld [tilespmem:s2+$0x8040]  }
0x3c: {  	v8 =	vld [tilespmem:s2+$0x8050]  }
0x3d: {  	v9 =	vcvt.s32.f32 v13;
	v10 =	vcvt.s32.f32 v5;
	v5 =	vshll.u32 v5, $0x10  }
0x3e: {  	v11 =	vld [tilespmem:s2+$0x70];
	v12 =	vcvt.s32.f32 v6;
	v6 =	vshll.u32 v6, $0x10;
	v15 =	vcvt.s32.f32 v7  }
0x3f: {  	v16 =	vld [tilespmem:s2+$0x0];
	v7 =	vshll.u32 v7, $0x10;
	v17 =	vcvt.s32.f32 v4;
	v14 =	vadd.f32 v9, v9  }
0x40: {  	v18 =	vld [tilespmem:s2+$0x10];
	v19 =	vcvt.s32.f32 v3;
	v10 =	vadd.f32 v10, v10;
	v12 =	vadd.f32 v12, v12  }
0x41: {  	v21 =	vcvt.s32.f32 v8;
	v9 =	vld [tilespmem:s2+$0x8060];
	v15 =	vadd.f32 v15, v15;
	v14 =	vadd.f32 $-1.000000000e+00, v14  }
0x42: {  	v20 =	vld [tilespmem:s2+$0x20];
	v13 =	vshll.u32 v13, $0x10;
	v17 =	vadd.f32 v17, v17;
	v19 =	vadd.f32 v19, v19  }
0x43: {  	v22 =	vld [tilespmem:s2+$0x40];
	v10 =	vadd.f32 $-1.000000000e+00, v10;
	v12 =	vadd.f32 $-1.000000000e+00, v12;
	v11 =	vmul.f32 v14, v11  }
0x44: {  	v59 =	vor.u32 $0x1, v13;
	v17 =	vadd.f32 $-1.000000000e+00, v17;
	v14 =	vadd.f32 $-1.000000000e+00, v15;
	v15 =	vld [tilespmem:s2+$0x30]  }
0x45: {  	v10 =	vmul.f32 v10, v16;
	v12 =	vmul.f32 v12, v18;
	v24 =	vsub.f32 $1.000000000e+00, v11  }
0x46: {  	v16 =	vld [tilespmem:s2+$0x50];
	v23 =	vcvt.s32.f32 v9;
	v11 =	vadd.f32 $-1.000000000e+00, v19;
	v19 =	vadd.f32 v21, v21  }
0x47: {  	v18 =	vld [tilespmem:s2+$0x60];
	v25 =	vsub.f32 $1.000000000e+00, v10;
	v10 =	vmul.f32 v14, v20;
	v20 =	vsub.f32 $1.000000000e+00, v12  }
0x48: {  	v51 =	vadd.f32 v23, v23;
	v52 =	vmul.f32 $1.280000000e+02, v24;
	v11 =	vmul.f32 v11, v22  }
0x49: {  	v14 =	vadd.f32 $-1.000000000e+00, v19;
	vm1 =	vgt.f32 v20, $0.0e+00;
	v15 =	vmul.f32 v17, v15  }
0x4a: {  	v17 =	vadd.f32 $-1.000000000e+00, v51;
	v19 =	vtrunc.f32 v52;
	v11 =	vsub.f32 $1.000000000e+00, v11  }
0x4b: {  	v12 =	vcvt.f32.s32 v19;
	v19 =	vsub.f32 $1.000000000e+00, v10;
	v10 =	vmul.f32 v14, v16  }
0x4c: {  	v15 =	vsub.f32 $1.000000000e+00, v15;
	v14 =	vmul.f32 v17, v18;
	v16 =	vmul.f32 $1.280000000e+02, v25  }
0x4d: {  	v18 =	vmul.f32 $1.280000000e+02, v20;
	v54 =	vmul.f32 $1.280000000e+02, v11;
	vm0 =	vgt.s32 v12, $0x0  }
0x4e: {  	v10 =	vsub.f32 $1.000000000e+00, v10;
	v53 =	vmul.f32 $1.280000000e+02, v15;
	v16 =	vtrunc.f32 v16  }
0x4f: {  	v18 =	vtrunc.f32 v18;
	vm2 =	vgt.f32 v19, $0.0e+00;
	vm3 =	vgt.f32 v15, $0.0e+00  }
0x50: {  	v17 =	vnsel vm0, $0x0, v12;
	v12 =	vsub.f32 $1.000000000e+00, v14;
	v57 =	vtrunc.f32 v54  }
0x51: {  	vm0 =	vgt.f32 v24, $0.0e+00;
	v13 =	vcvt.f32.s32 v16;
	v18 =	vcvt.f32.s32 v18  }
0x52: {  	v14 =	vmin.u32 v17, $0x7FF;
	v17 =	vmul.f32 $1.280000000e+02, v19;
	v55 =	vmul.f32 $1.280000000e+02, v10  }
0x53: {  	v20 =	vtrunc.f32 v53;
	v19 =	vcvt.f32.s32 v57;
	v14 =	vadd.s32 v0, v14  }
0x54: {  	v56 =	vmul.f32 $1.280000000e+02, v12;
	vm4 =	vgt.s32 v13, $0x0;
	v15 =	vcvt.f32.s32 v20  }
0x55: {  	vm5 =	vgt.s32 v18, $0x0;
	v14 =	vsel vm0, v14, v2;
	vm0 =	vgt.f32 v25, $0.0e+00  }
0x56: {  	v17 =	vtrunc.f32 v17;
	v58 =	vtrunc.f32 v55;
	v61 =	vnsel vm4, $0x0, v13  }
0x57: {  	vm4 =	vgt.s32 v19, $0x0;
	v62 =	vnsel vm5, $0x0, v18;
	v16 =	vtrunc.f32 v56  }
0x58: {  	v17 =	vcvt.f32.s32 v17;
	v20 =	vcvt.f32.s32 v58;
	vm7 =	vgt.s32 v15, $0x0  }
0x59: {  	v18 =	vmin.u32 v61, $0x7FF;
	v60 =	vcvt.f32.s32 v16;
	v15 =	vnsel vm7, $0x0, v15  }
0x5a: {  	v16 =	vnsel vm4, $0x0, v19;
	v19 =	vmin.u32 v62, $0x7FF;
	vm6 =	vgt.s32 v17, $0x0  }
0x5b: {  	vm5 =	vgt.s32 v20, $0x0;
	v63 =	vnsel vm6, $0x0, v17;
	vm15 =	vgt.s32 v60, $0x0  }
0x5c: {  	s30 =	simm.s32 $0x0;
	v17 =	vnsel vm5, $0x0, v20;
	v13 =	vnsel vm15, $0x0, v60;
	[tilespmem:v14+s26+$0x0] =	vst.idx.add.s32.msk $0xffff, v59;
	v14 =	vmin.u32 v63, $0x7FF  }
.LBB2_4:
0x5d: {  	s30 =	sadd.s32 $0x8, s30;
	v15 =	vmin.u32 v15, $0x7FF;
	v16 =	vmin.u32 v16, $0x7FF;
	v17 =	vmin.u32 v17, $0x7FF  }
0x5e: {  	v18 =	vadd.s32 v0, v18;
	v19 =	vadd.s32 v0, v19;
	v13 =	vmin.u32 v13, $0x7FF;
	s1 =	sadd.s32 $0x400, s1;
	s2 =	sshll.u32 s30, $0x4;
	p0 =	slt.u32 s30, $0x3F8  }
0x5f: {  	v14 =	vadd.s32 v0, v14;
	s3 =	sand.u32 $0xC00, s1;
	s4 =	sshll.u32 s30, $0x2;
	v15 =	vadd.s32 v0, v15;
	v16 =	vadd.s32 v0, v16;
	s2 =	sand.u32 $0x3000, s2  }
0x60: {  	vm4 =	vgt.f32 v11, $0.0e+00;
	v11 =	vadd.s32 v0, v17;
	v17 =	vadd.s32 v0, v13;
	s2 =	sor.u32 s3, s2;
	s3 =	sand.u32 $0x380, s4  }
0x61: {  	v20 =	vshll.u32 v4, $0x10;
	vm5 =	vgt.f32 v10, $0.0e+00;
	vm6 =	vgt.f32 v12, $0.0e+00;
	s2 =	sor.u32 s3, s2  }
0x62: {  	v3 =	vshll.u32 v3, $0x10;
	v8 =	vshll.u32 v8, $0x10;
	v9 =	vshll.u32 v9, $0x10;
	v13 =	vld [tilespmem:s2+$0x8070]  }
0x63: {  	v12 =	vsel vm0, v18, v2;
	v18 =	vsel vm1, v19, v2;
	v14 =	vsel vm2, v14, v2;
	v10 =	vld [tilespmem:s2+$0x8000]  }
0x64: {  	v15 =	vsel vm3, v15, v2;
	v16 =	vsel vm4, v16, v2;
	v21 =	vsel vm5, v11, v2;
	v19 =	vld [tilespmem:s2+$0x8010]  }
0x65: {  	v22 =	vor.u32 $0x1, v5;
	v23 =	vor.u32 $0x1, v6;
	v17 =	vsel vm6, v17, v2;
	v11 =	vld [tilespmem:s2+$0x8020]  }
0x66: {  	v24 =	vor.u32 $0x1, v7;
	v20 =	vor.u32 $0x1, v20;
	v25 =	vor.u32 $0x1, v3;
	v4 =	vld [tilespmem:s2+$0x8030]  }
0x67: {  	v26 =	vor.u32 $0x1, v8;
	v27 =	vor.u32 $0x1, v9;
	v3 =	vld [tilespmem:s2+$0x8040];
	v7 =	vcvt.s32.f32 v13  }
0x68: {  	v9 =	vcvt.s32.f32 v10;
	v5 =	vshll.u32 v10, $0x10;
	v10 =	vld [tilespmem:s2+$0x70]  }
0x69: {  	v28 =	vcvt.s32.f32 v19;
	v6 =	vshll.u32 v19, $0x10;
	v8 =	vld [tilespmem:s2+$0x8050];
	v19 =	vadd.f32 v7, v7  }
0x6a: {  	v29 =	vadd.f32 v9, v9;
	v30 =	vcvt.s32.f32 v11;
	v7 =	vshll.u32 v11, $0x10;
	v9 =	vld [tilespmem:s2+$0x8060]  }
0x6b: {  	v11 =	vld [tilespmem:s2+$0x0];
	v28 =	vadd.f32 v28, v28;
	v31 =	vcvt.s32.f32 v4;
	v19 =	vadd.f32 $-1.000000000e+00, v19  }
0x6c: {  	v29 =	vadd.f32 $-1.000000000e+00, v29;
	v32 =	vld [tilespmem:s2+$0x10];
	v30 =	vadd.f32 v30, v30;
	v33 =	vcvt.s32.f32 v3  }
0x6d: {  	v28 =	vadd.f32 $-1.000000000e+00, v28;
	v34 =	vld [tilespmem:s2+$0x20];
	v31 =	vadd.f32 v31, v31;
	v10 =	vmul.f32 v19, v10  }
0x6e: {  	v19 =	vadd.f32 $-1.000000000e+00, v30;
	v30 =	vld [tilespmem:s2+$0x30];
	v33 =	vadd.f32 v33, v33;
	v35 =	vcvt.s32.f32 v8  }
0x6f: {  	v31 =	vadd.f32 $-1.000000000e+00, v31;
	v36 =	vld [tilespmem:s2+$0x40];
	v37 =	vcvt.s32.f32 v9;
	v38 =	vsub.f32 $1.000000000e+00, v10  }
0x70: {  	v10 =	vmul.f32 v29, v11;
	v11 =	vadd.f32 $-1.000000000e+00, v33;
	v29 =	vld [tilespmem:s2+$0x50];
	v33 =	vadd.f32 v35, v35  }
0x71: {  	v28 =	vmul.f32 v28, v32;
	v32 =	vld [tilespmem:s2+$0x60];
	v35 =	vadd.f32 v37, v37;
	v37 =	vmul.f32 $1.280000000e+02, v38  }
0x72: {  	v39 =	vsub.f32 $1.000000000e+00, v10;
	v10 =	vmul.f32 v19, v34;
	v19 =	vadd.f32 $-1.000000000e+00, v33;
	[tilespmem:v12+s26+$0x0] =	vst.idx.add.s32.msk $0xffff, v22  }
0x73: {  	v12 =	vmul.f32 v31, v30;
	v22 =	vadd.f32 $-1.000000000e+00, v35;
	v30 =	vtrunc.f32 v37;
	[tilespmem:v18+s26+$0x0] =	vst.idx.add.s32.msk $0xffff, v23  }
0x74: {  	v18 =	vsub.f32 $1.000000000e+00, v28;
	v11 =	vmul.f32 v11, v36;
	v23 =	vcvt.f32.s32 v30;
	[tilespmem:v14+s26+$0x0] =	vst.idx.add.s32.msk $0xffff, v24  }
0x75: {  	v14 =	vsub.f32 $1.000000000e+00, v10;
	v24 =	vsub.f32 $1.000000000e+00, v12;
	v10 =	vmul.f32 v19, v29;
	[tilespmem:v15+s26+$0x0] =	vst.idx.add.s32.msk $0xffff, v20  }
0x76: {  	v11 =	vsub.f32 $1.000000000e+00, v11;
	v12 =	vmul.f32 v22, v32;
	vm0 =	vgt.s32 v23, $0x0;
	[tilespmem:v16+s26+$0x0] =	vst.idx.add.s32.msk $0xffff, v25  }
0x77: {  	v15 =	vmul.f32 $1.280000000e+02, v39;
	v10 =	vsub.f32 $1.000000000e+00, v10;
	v16 =	vnsel vm0, $0x0, v23;
	[tilespmem:v21+s26+$0x0] =	vst.idx.add.s32.msk $0xffff, v26  }
0x78: {  	v19 =	vmul.f32 $1.280000000e+02, v18;
	v12 =	vsub.f32 $1.000000000e+00, v12;
	v16 =	vmin.u32 v16, $0x7FF;
	[tilespmem:v17+s26+$0x0] =	vst.idx.add.s32.msk $0xffff, v27  }
0x79: {  	vm0 =	vgt.f32 v38, $0.0e+00;
	v17 =	vmul.f32 $1.280000000e+02, v14;
	v16 =	vadd.s32 v0, v16  }
0x7a: {  	v20 =	vmul.f32 $1.280000000e+02, v24;
	v21 =	vmul.f32 $1.280000000e+02, v11;
	v16 =	vsel vm0, v16, v2  }
0x7b: {  	v22 =	vmul.f32 $1.280000000e+02, v10;
	vm0 =	vgt.f32 v39, $0.0e+00;
	v23 =	vmul.f32 $1.280000000e+02, v12  }
0x7c: {  	vm1 =	vgt.f32 v18, $0.0e+00;
	v15 =	vtrunc.f32 v15;
	v19 =	vtrunc.f32 v19  }
0x7d: {  	v13 =	vshll.u32 v13, $0x10;
	v18 =	vtrunc.f32 v20;
	v17 =	vtrunc.f32 v17  }
0x7e: {  	v13 =	vor.u32 $0x1, v13;
	v20 =	vtrunc.f32 v21;
	v21 =	vtrunc.f32 v22  }
0x7f: {  	vm2 =	vgt.f32 v14, $0.0e+00;
	v15 =	vcvt.f32.s32 v15;
	v14 =	vtrunc.f32 v23;
	[tilespmem:v16+s26+$0x0] =	vst.idx.add.s32.msk $0xffff, v13  }
0x80: {  	vm3 =	vgt.f32 v24, $0.0e+00;
	v13 =	vcvt.f32.s32 v19;
	v16 =	vcvt.f32.s32 v17  }
0x81: {  	vm4 =	vgt.s32 v15, $0x0;
	v17 =	vcvt.f32.s32 v18;
	v18 =	vcvt.f32.s32 v20  }
0x82: {  	v14 =	vcvt.f32.s32 v14;
	v19 =	vcvt.f32.s32 v21;
	vm5 =	vgt.s32 v13, $0x0  }
.Ltmp1:
0x83: {  	vm6 =	vgt.s32 v16, $0x0;
	vm7 =	vgt.s32 v17, $0x0;
	vm8 =	vgt.s32 v18, $0x0;
	(pc) =	sbr.rel @p0 .LBB2_4-.Ltmp1, $4  }
0x84: {  	v20 =	vnsel vm4, $0x0, v15;
	vm9 =	vgt.s32 v14, $0x0;
	vm4 =	vgt.s32 v19, $0x0  }
0x85: {  	v21 =	vnsel vm5, $0x0, v13;
	v22 =	vnsel vm6, $0x0, v16;
	v15 =	vnsel vm7, $0x0, v17  }
0x86: {  	v16 =	vnsel vm8, $0x0, v18;
	v17 =	vnsel vm4, $0x0, v19;
	v13 =	vnsel vm9, $0x0, v14  }
0x87: {  	v18 =	vmin.u32 v20, $0x7FF;
	v19 =	vmin.u32 v21, $0x7FF;
	v14 =	vmin.u32 v22, $0x7FF  }
0x88: {  	v15 =	vmin.u32 v15, $0x7FF  }
0x89: {  	v16 =	vmin.u32 v16, $0x7FF;
	v17 =	vmin.u32 v17, $0x7FF;
	v18 =	vadd.s32 v0, v18  }
0x8a: {  	v19 =	vadd.s32 v0, v19;
	v13 =	vmin.u32 v13, $0x7FF;
	v18 =	vsel vm0, v18, v2  }
0x8b: {  	v14 =	vadd.s32 v0, v14;
	v5 =	vor.u32 $0x1, v5;
	v19 =	vsel vm1, v19, v2  }
0x8c: {  	v15 =	vadd.s32 v0, v15;
	vm0 =	vgt.f32 v11, $0.0e+00;
	v11 =	vsel vm2, v14, v2  }
0x8d: {  	v6 =	vor.u32 $0x1, v6;
	v16 =	vadd.s32 v0, v16;
	v15 =	vsel vm3, v15, v2  }
0x8e: {  	v14 =	vadd.s32 v0, v17;
	vm1 =	vgt.f32 v10, $0.0e+00;
	v10 =	vsel vm0, v16, v2  }
0x8f: {  	v13 =	vadd.s32 v0, v13;
	vm0 =	vgt.f32 v12, $0.0e+00;
	v12 =	vsel vm1, v14, v2;
	[tilespmem:v18+s26+$0x0] =	vst.idx.add.s32.msk $0xffff, v5  }
0x90: {  	v4 =	vshll.u32 v4, $0x10;
	v7 =	vor.u32 $0x1, v7;
	v5 =	vsel vm0, v13, v2;
	[tilespmem:v19+s26+$0x0] =	vst.idx.add.s32.msk $0xffff, v6  }
0x91: {  	v3 =	vshll.u32 v3, $0x10;
	v4 =	vor.u32 $0x1, v4;
	[tilespmem:v11+s26+$0x0] =	vst.idx.add.s32.msk $0xffff, v7  }
0x92: {  	v3 =	vor.u32 $0x1, v3;
	v6 =	vshll.u32 v8, $0x10;
	[tilespmem:v15+s26+$0x0] =	vst.idx.add.s32.msk $0xffff, v4  }
0x93: {  	v4 =	vshll.u32 v9, $0x10;
	v6 =	vor.u32 $0x1, v6;
	[tilespmem:v10+s26+$0x0] =	vst.idx.add.s32.msk $0xffff, v3  }
0x94: {  	v3 =	vor.u32 $0x1, v4;
	[tilespmem:v12+s26+$0x0] =	vst.idx.add.s32.msk $0xffff, v6  }
0x95: {  	[tilespmem:v5+s26+$0x0] =	vst.idx.add.s32.msk $0xffff, v3  }
0x96: {  	_ =	swait.ge [sflag:s28], $0x4000  }
0x97: {  	[sflag:s28] =	ssyncset.done $0x0  }
0x98: {  	s1 =	simm.s32 $0x0;
	[sflag:s28] =	ssyncadd.s32 $0xFFFFC000  }
0x99: {  	s2 =	simm.s32 $0x0;
	s4 =	simm.s32 $0x0;
	_ =	swait.ge [sflag:s29], $0x4000  }
0x9a: {  	s2 =	sand.u32 $0x3000, s2;
	s3 =	sand.u32 $0xC00, s1;
	[sflag:s29] =	ssyncset.done $0x0  }
0x9b: {  	s5 =	sand.u32 $0x380, s4;
	s2 =	sor.u32 s3, s2;
	[sflag:s29] =	ssyncadd.s32 $0xFFFFC000  }
0x9c: {  	[tilespmem:s1], [sflag:$0x1] =	stream.linear.gather [hbm4b:s7+s1], $0x4000, $0x38;
	[tilespmem:$0x18980] =	vst v63  }
0x9d: {  	s2 =	sor.u32 s5, s2  }
0x9e: {  	[tilespmem:s21], [sflag:$0x3] =	stream.linear.gather [hbm4b:s8+s1], $0x4000, $0x38;
	[tilespmem:$0x18980] =	vst v63  }
0x9f: {  	v13 =	vld [tilespmem:s2+$0xC070]  }
0xa0: {  	v5 =	vld [tilespmem:s2+$0xC000]  }
0xa1: {  	v6 =	vld [tilespmem:s2+$0xC010]  }
0xa2: {  	v7 =	vld [tilespmem:s2+$0xC020]  }
0xa3: {  	v4 =	vld [tilespmem:s2+$0xC030]  }
0xa4: {  	v3 =	vld [tilespmem:s2+$0xC040]  }
0xa5: {  	v8 =	vld [tilespmem:s2+$0xC050]  }
0xa6: {  	v9 =	vcvt.s32.f32 v13;
	v10 =	vcvt.s32.f32 v5;
	v5 =	vshll.u32 v5, $0x10  }
0xa7: {  	v11 =	vld [tilespmem:s2+$0x4070];
	v12 =	vcvt.s32.f32 v6;
	v6 =	vshll.u32 v6, $0x10;
	v15 =	vcvt.s32.f32 v7  }
0xa8: {  	v16 =	vld [tilespmem:s2+$0x4000];
	v7 =	vshll.u32 v7, $0x10;
	v17 =	vcvt.s32.f32 v4;
	v14 =	vadd.f32 v9, v9  }
0xa9: {  	v18 =	vld [tilespmem:s2+$0x4010];
	v19 =	vcvt.s32.f32 v3;
	v10 =	vadd.f32 v10, v10;
	v12 =	vadd.f32 v12, v12  }
0xaa: {  	v21 =	vcvt.s32.f32 v8;
	v9 =	vld [tilespmem:s2+$0xC060];
	v15 =	vadd.f32 v15, v15;
	v14 =	vadd.f32 $-1.000000000e+00, v14  }
0xab: {  	v20 =	vld [tilespmem:s2+$0x4020];
	v13 =	vshll.u32 v13, $0x10;
	v17 =	vadd.f32 v17, v17;
	v19 =	vadd.f32 v19, v19  }
0xac: {  	v22 =	vld [tilespmem:s2+$0x4040];
	v10 =	vadd.f32 $-1.000000000e+00, v10;
	v12 =	vadd.f32 $-1.000000000e+00, v12;
	v11 =	vmul.f32 v14, v11  }
0xad: {  	v59 =	vor.u32 $0x1, v13;
	v17 =	vadd.f32 $-1.000000000e+00, v17;
	v14 =	vadd.f32 $-1.000000000e+00, v15;
	v15 =	vld [tilespmem:s2+$0x4030]  }
0xae: {  	v10 =	vmul.f32 v10, v16;
	v12 =	vmul.f32 v12, v18;
	v24 =	vsub.f32 $1.000000000e+00, v11  }
0xaf: {  	v16 =	vld [tilespmem:s2+$0x4050];
	v23 =	vcvt.s32.f32 v9;
	v11 =	vadd.f32 $-1.000000000e+00, v19;
	v19 =	vadd.f32 v21, v21  }
0xb0: {  	v18 =	vld [tilespmem:s2+$0x4060];
	v25 =	vsub.f32 $1.000000000e+00, v10;
	v10 =	vmul.f32 v14, v20;
	v20 =	vsub.f32 $1.000000000e+00, v12  }
0xb1: {  	v51 =	vadd.f32 v23, v23;
	v52 =	vmul.f32 $1.280000000e+02, v24;
	v11 =	vmul.f32 v11, v22  }
0xb2: {  	v14 =	vadd.f32 $-1.000000000e+00, v19;
	vm1 =	vgt.f32 v20, $0.0e+00;
	v15 =	vmul.f32 v17, v15  }
0xb3: {  	v17 =	vadd.f32 $-1.000000000e+00, v51;
	v19 =	vtrunc.f32 v52;
	v11 =	vsub.f32 $1.000000000e+00, v11  }
0xb4: {  	v12 =	vcvt.f32.s32 v19;
	v19 =	vsub.f32 $1.000000000e+00, v10;
	v10 =	vmul.f32 v14, v16  }
0xb5: {  	v15 =	vsub.f32 $1.000000000e+00, v15;
	v14 =	vmul.f32 v17, v18;
	v16 =	vmul.f32 $1.280000000e+02, v25  }
0xb6: {  	v18 =	vmul.f32 $1.280000000e+02, v20;
	v54 =	vmul.f32 $1.280000000e+02, v11;
	vm0 =	vgt.s32 v12, $0x0  }
0xb7: {  	v10 =	vsub.f32 $1.000000000e+00, v10;
	v53 =	vmul.f32 $1.280000000e+02, v15;
	v16 =	vtrunc.f32 v16  }
0xb8: {  	v18 =	vtrunc.f32 v18;
	vm2 =	vgt.f32 v19, $0.0e+00;
	vm3 =	vgt.f32 v15, $0.0e+00  }
0xb9: {  	v17 =	vnsel vm0, $0x0, v12;
	v12 =	vsub.f32 $1.000000000e+00, v14;
	v57 =	vtrunc.f32 v54  }
0xba: {  	vm0 =	vgt.f32 v24, $0.0e+00;
	v13 =	vcvt.f32.s32 v16;
	v18 =	vcvt.f32.s32 v18  }
0xbb: {  	v14 =	vmin.u32 v17, $0x7FF;
	v17 =	vmul.f32 $1.280000000e+02, v19;
	v55 =	vmul.f32 $1.280000000e+02, v10  }
0xbc: {  	v20 =	vtrunc.f32 v53;
	v19 =	vcvt.f32.s32 v57;
	v14 =	vadd.s32 v0, v14  }
0xbd: {  	v56 =	vmul.f32 $1.280000000e+02, v12;
	vm4 =	vgt.s32 v13, $0x0;
	v15 =	vcvt.f32.s32 v20  }
0xbe: {  	vm5 =	vgt.s32 v18, $0x0;
	v14 =	vsel vm0, v14, v2;
	vm0 =	vgt.f32 v25, $0.0e+00  }
0xbf: {  	v17 =	vtrunc.f32 v17;
	v58 =	vtrunc.f32 v55;
	v61 =	vnsel vm4, $0x0, v13  }
0xc0: {  	vm4 =	vgt.s32 v19, $0x0;
	v62 =	vnsel vm5, $0x0, v18;
	v16 =	vtrunc.f32 v56  }
0xc1: {  	v17 =	vcvt.f32.s32 v17;
	v20 =	vcvt.f32.s32 v58;
	vm7 =	vgt.s32 v15, $0x0  }
0xc2: {  	v18 =	vmin.u32 v61, $0x7FF;
	v60 =	vcvt.f32.s32 v16;
	v15 =	vnsel vm7, $0x0, v15  }
0xc3: {  	v16 =	vnsel vm4, $0x0, v19;
	v19 =	vmin.u32 v62, $0x7FF;
	vm6 =	vgt.s32 v17, $0x0  }
0xc4: {  	vm5 =	vgt.s32 v20, $0x0;
	v63 =	vnsel vm6, $0x0, v17;
	vm15 =	vgt.s32 v60, $0x0  }
0xc5: {  	s30 =	simm.s32 $0x0;
	v17 =	vnsel vm5, $0x0, v20;
	v13 =	vnsel vm15, $0x0, v60;
	[tilespmem:v14+s26+$0x0] =	vst.idx.add.s32.msk $0xffff, v59;
	v14 =	vmin.u32 v63, $0x7FF  }
.LBB2_6:
0xc6: {  	s30 =	sadd.s32 $0x8, s30;
	v15 =	vmin.u32 v15, $0x7FF;
	v16 =	vmin.u32 v16, $0x7FF;
	v17 =	vmin.u32 v17, $0x7FF  }
0xc7: {  	v18 =	vadd.s32 v0, v18;
	v19 =	vadd.s32 v0, v19;
	v13 =	vmin.u32 v13, $0x7FF;
	s1 =	sadd.s32 $0x400, s1;
	s2 =	sshll.u32 s30, $0x4;
	p0 =	slt.u32 s30, $0x3F8  }
0xc8: {  	v14 =	vadd.s32 v0, v14;
	s3 =	sand.u32 $0xC00, s1;
	s4 =	sshll.u32 s30, $0x2;
	v15 =	vadd.s32 v0, v15;
	v16 =	vadd.s32 v0, v16;
	s2 =	sand.u32 $0x3000, s2  }
0xc9: {  	vm4 =	vgt.f32 v11, $0.0e+00;
	v11 =	vadd.s32 v0, v17;
	v17 =	vadd.s32 v0, v13;
	s2 =	sor.u32 s3, s2;
	s3 =	sand.u32 $0x380, s4  }
0xca: {  	v20 =	vshll.u32 v4, $0x10;
	vm5 =	vgt.f32 v10, $0.0e+00;
	vm6 =	vgt.f32 v12, $0.0e+00;
	s2 =	sor.u32 s3, s2  }
0xcb: {  	v3 =	vshll.u32 v3, $0x10;
	v8 =	vshll.u32 v8, $0x10;
	v9 =	vshll.u32 v9, $0x10;
	v13 =	vld [tilespmem:s2+$0xC070]  }
0xcc: {  	v12 =	vsel vm0, v18, v2;
	v18 =	vsel vm1, v19, v2;
	v14 =	vsel vm2, v14, v2;
	v10 =	vld [tilespmem:s2+$0xC000]  }
0xcd: {  	v15 =	vsel vm3, v15, v2;
	v16 =	vsel vm4, v16, v2;
	v21 =	vsel vm5, v11, v2;
	v19 =	vld [tilespmem:s2+$0xC010]  }
0xce: {  	v22 =	vor.u32 $0x1, v5;
	v23 =	vor.u32 $0x1, v6;
	v17 =	vsel vm6, v17, v2;
	v11 =	vld [tilespmem:s2+$0xC020]  }
0xcf: {  	v24 =	vor.u32 $0x1, v7;
	v20 =	vor.u32 $0x1, v20;
	v25 =	vor.u32 $0x1, v3;
	v4 =	vld [tilespmem:s2+$0xC030]  }
0xd0: {  	v26 =	vor.u32 $0x1, v8;
	v27 =	vor.u32 $0x1, v9;
	v3 =	vld [tilespmem:s2+$0xC040];
	v7 =	vcvt.s32.f32 v13  }
0xd1: {  	v9 =	vcvt.s32.f32 v10;
	v5 =	vshll.u32 v10, $0x10;
	v10 =	vld [tilespmem:s2+$0x4070]  }
0xd2: {  	v28 =	vcvt.s32.f32 v19;
	v6 =	vshll.u32 v19, $0x10;
	v8 =	vld [tilespmem:s2+$0xC050];
	v19 =	vadd.f32 v7, v7  }
0xd3: {  	v29 =	vadd.f32 v9, v9;
	v30 =	vcvt.s32.f32 v11;
	v7 =	vshll.u32 v11, $0x10;
	v9 =	vld [tilespmem:s2+$0xC060]  }
0xd4: {  	v11 =	vld [tilespmem:s2+$0x4000];
	v28 =	vadd.f32 v28, v28;
	v31 =	vcvt.s32.f32 v4;
	v19 =	vadd.f32 $-1.000000000e+00, v19  }
0xd5: {  	v29 =	vadd.f32 $-1.000000000e+00, v29;
	v32 =	vld [tilespmem:s2+$0x4010];
	v30 =	vadd.f32 v30, v30;
	v33 =	vcvt.s32.f32 v3  }
0xd6: {  	v28 =	vadd.f32 $-1.000000000e+00, v28;
	v34 =	vld [tilespmem:s2+$0x4020];
	v31 =	vadd.f32 v31, v31;
	v10 =	vmul.f32 v19, v10  }
0xd7: {  	v19 =	vadd.f32 $-1.000000000e+00, v30;
	v30 =	vld [tilespmem:s2+$0x4030];
	v33 =	vadd.f32 v33, v33;
	v35 =	vcvt.s32.f32 v8  }
0xd8: {  	v31 =	vadd.f32 $-1.000000000e+00, v31;
	v36 =	vld [tilespmem:s2+$0x4040];
	v37 =	vcvt.s32.f32 v9;
	v38 =	vsub.f32 $1.000000000e+00, v10  }
0xd9: {  	v10 =	vmul.f32 v29, v11;
	v11 =	vadd.f32 $-1.000000000e+00, v33;
	v29 =	vld [tilespmem:s2+$0x4050];
	v33 =	vadd.f32 v35, v35  }
0xda: {  	v28 =	vmul.f32 v28, v32;
	v32 =	vld [tilespmem:s2+$0x4060];
	v35 =	vadd.f32 v37, v37;
	v37 =	vmul.f32 $1.280000000e+02, v38  }
0xdb: {  	v39 =	vsub.f32 $1.000000000e+00, v10;
	v10 =	vmul.f32 v19, v34;
	v19 =	vadd.f32 $-1.000000000e+00, v33;
	[tilespmem:v12+s26+$0x0] =	vst.idx.add.s32.msk $0xffff, v22  }
0xdc: {  	v12 =	vmul.f32 v31, v30;
	v22 =	vadd.f32 $-1.000000000e+00, v35;
	v30 =	vtrunc.f32 v37;
	[tilespmem:v18+s26+$0x0] =	vst.idx.add.s32.msk $0xffff, v23  }
0xdd: {  	v18 =	vsub.f32 $1.000000000e+00, v28;
	v11 =	vmul.f32 v11, v36;
	v23 =	vcvt.f32.s32 v30;
	[tilespmem:v14+s26+$0x0] =	vst.idx.add.s32.msk $0xffff, v24  }
0xde: {  	v14 =	vsub.f32 $1.000000000e+00, v10;
	v24 =	vsub.f32 $1.000000000e+00, v12;
	v10 =	vmul.f32 v19, v29;
	[tilespmem:v15+s26+$0x0] =	vst.idx.add.s32.msk $0xffff, v20  }
0xdf: {  	v11 =	vsub.f32 $1.000000000e+00, v11;
	v12 =	vmul.f32 v22, v32;
	vm0 =	vgt.s32 v23, $0x0;
	[tilespmem:v16+s26+$0x0] =	vst.idx.add.s32.msk $0xffff, v25  }
0xe0: {  	v15 =	vmul.f32 $1.280000000e+02, v39;
	v10 =	vsub.f32 $1.000000000e+00, v10;
	v16 =	vnsel vm0, $0x0, v23;
	[tilespmem:v21+s26+$0x0] =	vst.idx.add.s32.msk $0xffff, v26  }
0xe1: {  	v19 =	vmul.f32 $1.280000000e+02, v18;
	v12 =	vsub.f32 $1.000000000e+00, v12;
	v16 =	vmin.u32 v16, $0x7FF;
	[tilespmem:v17+s26+$0x0] =	vst.idx.add.s32.msk $0xffff, v27  }
0xe2: {  	vm0 =	vgt.f32 v38, $0.0e+00;
	v17 =	vmul.f32 $1.280000000e+02, v14;
	v16 =	vadd.s32 v0, v16  }
0xe3: {  	v20 =	vmul.f32 $1.280000000e+02, v24;
	v21 =	vmul.f32 $1.280000000e+02, v11;
	v16 =	vsel vm0, v16, v2  }
0xe4: {  	v22 =	vmul.f32 $1.280000000e+02, v10;
	vm0 =	vgt.f32 v39, $0.0e+00;
	v23 =	vmul.f32 $1.280000000e+02, v12  }
0xe5: {  	vm1 =	vgt.f32 v18, $0.0e+00;
	v15 =	vtrunc.f32 v15;
	v19 =	vtrunc.f32 v19  }
0xe6: {  	v13 =	vshll.u32 v13, $0x10;
	v18 =	vtrunc.f32 v20;
	v17 =	vtrunc.f32 v17  }
0xe7: {  	v13 =	vor.u32 $0x1, v13;
	v20 =	vtrunc.f32 v21;
	v21 =	vtrunc.f32 v22  }
0xe8: {  	vm2 =	vgt.f32 v14, $0.0e+00;
	v15 =	vcvt.f32.s32 v15;
	v14 =	vtrunc.f32 v23;
	[tilespmem:v16+s26+$0x0] =	vst.idx.add.s32.msk $0xffff, v13  }
0xe9: {  	vm3 =	vgt.f32 v24, $0.0e+00;
	v13 =	vcvt.f32.s32 v19;
	v16 =	vcvt.f32.s32 v17  }
0xea: {  	vm4 =	vgt.s32 v15, $0x0;
	v17 =	vcvt.f32.s32 v18;
	v18 =	vcvt.f32.s32 v20  }
0xeb: {  	v14 =	vcvt.f32.s32 v14;
	v19 =	vcvt.f32.s32 v21;
	vm5 =	vgt.s32 v13, $0x0  }
.Ltmp2:
0xec: {  	vm6 =	vgt.s32 v16, $0x0;
	vm7 =	vgt.s32 v17, $0x0;
	vm8 =	vgt.s32 v18, $0x0;
	(pc) =	sbr.rel @p0 .LBB2_6-.Ltmp2, $4  }
0xed: {  	v20 =	vnsel vm4, $0x0, v15;
	vm9 =	vgt.s32 v14, $0x0;
	vm4 =	vgt.s32 v19, $0x0  }
0xee: {  	v21 =	vnsel vm5, $0x0, v13;
	v22 =	vnsel vm6, $0x0, v16;
	v15 =	vnsel vm7, $0x0, v17  }
0xef: {  	v16 =	vnsel vm8, $0x0, v18;
	v17 =	vnsel vm4, $0x0, v19;
	v13 =	vnsel vm9, $0x0, v14  }
0xf0: {  	v18 =	vmin.u32 v20, $0x7FF;
	v19 =	vmin.u32 v21, $0x7FF;
	v14 =	vmin.u32 v22, $0x7FF  }
0xf1: {  	v15 =	vmin.u32 v15, $0x7FF  }
0xf2: {  	v16 =	vmin.u32 v16, $0x7FF;
	v17 =	vmin.u32 v17, $0x7FF;
	v18 =	vadd.s32 v0, v18  }
0xf3: {  	v19 =	vadd.s32 v0, v19;
	v13 =	vmin.u32 v13, $0x7FF;
	v18 =	vsel vm0, v18, v2  }
0xf4: {  	v14 =	vadd.s32 v0, v14;
	v5 =	vor.u32 $0x1, v5;
	v19 =	vsel vm1, v19, v2  }
0xf5: {  	v15 =	vadd.s32 v0, v15;
	vm0 =	vgt.f32 v11, $0.0e+00;
	v11 =	vsel vm2, v14, v2  }
0xf6: {  	v6 =	vor.u32 $0x1, v6;
	v16 =	vadd.s32 v0, v16;
	v15 =	vsel vm3, v15, v2  }
0xf7: {  	v14 =	vadd.s32 v0, v17;
	vm1 =	vgt.f32 v10, $0.0e+00;
	v10 =	vsel vm0, v16, v2  }
0xf8: {  	v13 =	vadd.s32 v0, v13;
	vm0 =	vgt.f32 v12, $0.0e+00;
	v12 =	vsel vm1, v14, v2;
	[tilespmem:v18+s26+$0x0] =	vst.idx.add.s32.msk $0xffff, v5  }
0xf9: {  	v4 =	vshll.u32 v4, $0x10;
	v7 =	vor.u32 $0x1, v7;
	v5 =	vsel vm0, v13, v2;
	[tilespmem:v19+s26+$0x0] =	vst.idx.add.s32.msk $0xffff, v6  }
0xfa: {  	v3 =	vshll.u32 v3, $0x10;
	v4 =	vor.u32 $0x1, v4;
	[tilespmem:v11+s26+$0x0] =	vst.idx.add.s32.msk $0xffff, v7  }
0xfb: {  	v3 =	vor.u32 $0x1, v3;
	v6 =	vshll.u32 v8, $0x10;
	[tilespmem:v15+s26+$0x0] =	vst.idx.add.s32.msk $0xffff, v4  }
0xfc: {  	v4 =	vshll.u32 v9, $0x10;
	v6 =	vor.u32 $0x1, v6;
	[tilespmem:v10+s26+$0x0] =	vst.idx.add.s32.msk $0xffff, v3  }
0xfd: {  	v3 =	vor.u32 $0x1, v4;
	[tilespmem:v12+s26+$0x0] =	vst.idx.add.s32.msk $0xffff, v6  }
0xfe: {  	[tilespmem:v5+s26+$0x0] =	vst.idx.add.s32.msk $0xffff, v3  }
0xff: {  	_ =	swait.ge [sflag:s22], $0x4000  }
0x100: {  	[sflag:s22] =	ssyncset.done $0x0  }
0x101: {  	s1 =	simm.s32 $0x0;
	[sflag:s22] =	ssyncadd.s32 $0xFFFFC000  }
0x102: {  	s2 =	simm.s32 $0x0;
	s4 =	simm.s32 $0x0;
	_ =	swait.ge [sflag:s23], $0x4000  }
0x103: {  	s2 =	sand.u32 $0x3000, s2;
	s3 =	sand.u32 $0xC00, s1;
	[sflag:s23] =	ssyncset.done $0x0  }
0x104: {  	s5 =	sand.u32 $0x380, s4;
	s2 =	sor.u32 s3, s2;
	[sflag:s23] =	ssyncadd.s32 $0xFFFFC000  }
0x105: {  	[tilespmem:s24], [sflag:$0x2] =	stream.linear.gather [hbm4b:s9+s1], $0x4000, $0x38;
	[tilespmem:$0x18980] =	vst v63  }
0x106: {  	s2 =	sor.u32 s5, s2  }
0x107: {  	[tilespmem:s25], [sflag:$0x4] =	stream.linear.gather [hbm4b:s10+s1], $0x4000, $0x38;
	[tilespmem:$0x18980] =	vst v63  }
0x108: {  	v13 =	vld [tilespmem:s2+$0x8070]  }
0x109: {  	v5 =	vld [tilespmem:s2+$0x8000]  }
0x10a: {  	v6 =	vld [tilespmem:s2+$0x8010]  }
0x10b: {  	v7 =	vld [tilespmem:s2+$0x8020]  }
0x10c: {  	v4 =	vld [tilespmem:s2+$0x8030]  }
0x10d: {  	v3 =	vld [tilespmem:s2+$0x8040]  }
0x10e: {  	v8 =	vld [tilespmem:s2+$0x8050]  }
0x10f: {  	v9 =	vcvt.s32.f32 v13;
	v10 =	vcvt.s32.f32 v5;
	v5 =	vshll.u32 v5, $0x10  }
0x110: {  	v11 =	vld [tilespmem:s2+$0x70];
	v12 =	vcvt.s32.f32 v6;
	v6 =	vshll.u32 v6, $0x10;
	v15 =	vcvt.s32.f32 v7  }
0x111: {  	v16 =	vld [tilespmem:s2+$0x0];
	v7 =	vshll.u32 v7, $0x10;
	v17 =	vcvt.s32.f32 v4;
	v14 =	vadd.f32 v9, v9  }
0x112: {  	v18 =	vld [tilespmem:s2+$0x10];
	v19 =	vcvt.s32.f32 v3;
	v10 =	vadd.f32 v10, v10;
	v12 =	vadd.f32 v12, v12  }
0x113: {  	v21 =	vcvt.s32.f32 v8;
	v9 =	vld [tilespmem:s2+$0x8060];
	v15 =	vadd.f32 v15, v15;
	v14 =	vadd.f32 $-1.000000000e+00, v14  }
0x114: {  	v20 =	vld [tilespmem:s2+$0x20];
	v13 =	vshll.u32 v13, $0x10;
	v17 =	vadd.f32 v17, v17;
	v19 =	vadd.f32 v19, v19  }
0x115: {  	v22 =	vld [tilespmem:s2+$0x40];
	v10 =	vadd.f32 $-1.000000000e+00, v10;
	v12 =	vadd.f32 $-1.000000000e+00, v12;
	v11 =	vmul.f32 v14, v11  }
0x116: {  	v59 =	vor.u32 $0x1, v13;
	v17 =	vadd.f32 $-1.000000000e+00, v17;
	v14 =	vadd.f32 $-1.000000000e+00, v15;
	v15 =	vld [tilespmem:s2+$0x30]  }
0x117: {  	v10 =	vmul.f32 v10, v16;
	v12 =	vmul.f32 v12, v18;
	v24 =	vsub.f32 $1.000000000e+00, v11  }
0x118: {  	v16 =	vld [tilespmem:s2+$0x50];
	v23 =	vcvt.s32.f32 v9;
	v11 =	vadd.f32 $-1.000000000e+00, v19;
	v19 =	vadd.f32 v21, v21  }
0x119: {  	v18 =	vld [tilespmem:s2+$0x60];
	v25 =	vsub.f32 $1.000000000e+00, v10;
	v10 =	vmul.f32 v14, v20;
	v20 =	vsub.f32 $1.000000000e+00, v12  }
0x11a: {  	v51 =	vadd.f32 v23, v23;
	v52 =	vmul.f32 $1.280000000e+02, v24;
	v11 =	vmul.f32 v11, v22  }
0x11b: {  	v14 =	vadd.f32 $-1.000000000e+00, v19;
	vm1 =	vgt.f32 v20, $0.0e+00;
	v15 =	vmul.f32 v17, v15  }
0x11c: {  	v17 =	vadd.f32 $-1.000000000e+00, v51;
	v19 =	vtrunc.f32 v52;
	v11 =	vsub.f32 $1.000000000e+00, v11  }
0x11d: {  	v12 =	vcvt.f32.s32 v19;
	v19 =	vsub.f32 $1.000000000e+00, v10;
	v10 =	vmul.f32 v14, v16  }
0x11e: {  	v15 =	vsub.f32 $1.000000000e+00, v15;
	v14 =	vmul.f32 v17, v18;
	v16 =	vmul.f32 $1.280000000e+02, v25  }
0x11f: {  	v18 =	vmul.f32 $1.280000000e+02, v20;
	v54 =	vmul.f32 $1.280000000e+02, v11;
	vm0 =	vgt.s32 v12, $0x0  }
0x120: {  	v10 =	vsub.f32 $1.000000000e+00, v10;
	v53 =	vmul.f32 $1.280000000e+02, v15;
	v16 =	vtrunc.f32 v16  }
0x121: {  	v18 =	vtrunc.f32 v18;
	vm2 =	vgt.f32 v19, $0.0e+00;
	vm3 =	vgt.f32 v15, $0.0e+00  }
0x122: {  	v17 =	vnsel vm0, $0x0, v12;
	v12 =	vsub.f32 $1.000000000e+00, v14;
	v57 =	vtrunc.f32 v54  }
0x123: {  	vm0 =	vgt.f32 v24, $0.0e+00;
	v13 =	vcvt.f32.s32 v16;
	v18 =	vcvt.f32.s32 v18  }
0x124: {  	v14 =	vmin.u32 v17, $0x7FF;
	v17 =	vmul.f32 $1.280000000e+02, v19;
	v55 =	vmul.f32 $1.280000000e+02, v10  }
0x125: {  	v20 =	vtrunc.f32 v53;
	v19 =	vcvt.f32.s32 v57;
	v14 =	vadd.s32 v0, v14  }
0x126: {  	v56 =	vmul.f32 $1.280000000e+02, v12;
	vm4 =	vgt.s32 v13, $0x0;
	v15 =	vcvt.f32.s32 v20  }
0x127: {  	vm5 =	vgt.s32 v18, $0x0;
	v14 =	vsel vm0, v14, v2;
	vm0 =	vgt.f32 v25, $0.0e+00  }
0x128: {  	v17 =	vtrunc.f32 v17;
	v58 =	vtrunc.f32 v55;
	v61 =	vnsel vm4, $0x0, v13  }
0x129: {  	vm4 =	vgt.s32 v19, $0x0;
	v62 =	vnsel vm5, $0x0, v18;
	v16 =	vtrunc.f32 v56  }
0x12a: {  	v17 =	vcvt.f32.s32 v17;
	v20 =	vcvt.f32.s32 v58;
	vm7 =	vgt.s32 v15, $0x0  }
0x12b: {  	v18 =	vmin.u32 v61, $0x7FF;
	v60 =	vcvt.f32.s32 v16;
	v15 =	vnsel vm7, $0x0, v15  }
0x12c: {  	v16 =	vnsel vm4, $0x0, v19;
	v19 =	vmin.u32 v62, $0x7FF;
	vm6 =	vgt.s32 v17, $0x0  }
0x12d: {  	vm5 =	vgt.s32 v20, $0x0;
	v63 =	vnsel vm6, $0x0, v17;
	vm15 =	vgt.s32 v60, $0x0  }
0x12e: {  	s30 =	simm.s32 $0x0;
	v17 =	vnsel vm5, $0x0, v20;
	v13 =	vnsel vm15, $0x0, v60;
	[tilespmem:v14+s26+$0x0] =	vst.idx.add.s32.msk $0xffff, v59;
	v14 =	vmin.u32 v63, $0x7FF  }
.LBB2_8:
0x12f: {  	s30 =	sadd.s32 $0x8, s30;
	v15 =	vmin.u32 v15, $0x7FF;
	v16 =	vmin.u32 v16, $0x7FF;
	v17 =	vmin.u32 v17, $0x7FF  }
0x130: {  	v18 =	vadd.s32 v0, v18;
	v19 =	vadd.s32 v0, v19;
	v13 =	vmin.u32 v13, $0x7FF;
	s1 =	sadd.s32 $0x400, s1;
	s2 =	sshll.u32 s30, $0x4;
	p0 =	slt.u32 s30, $0x3F8  }
0x131: {  	v14 =	vadd.s32 v0, v14;
	s3 =	sand.u32 $0xC00, s1;
	s4 =	sshll.u32 s30, $0x2;
	v15 =	vadd.s32 v0, v15;
	v16 =	vadd.s32 v0, v16;
	s2 =	sand.u32 $0x3000, s2  }
0x132: {  	vm4 =	vgt.f32 v11, $0.0e+00;
	v11 =	vadd.s32 v0, v17;
	v17 =	vadd.s32 v0, v13;
	s2 =	sor.u32 s3, s2;
	s3 =	sand.u32 $0x380, s4  }
0x133: {  	v20 =	vshll.u32 v4, $0x10;
	vm5 =	vgt.f32 v10, $0.0e+00;
	vm6 =	vgt.f32 v12, $0.0e+00;
	s2 =	sor.u32 s3, s2  }
0x134: {  	v3 =	vshll.u32 v3, $0x10;
	v8 =	vshll.u32 v8, $0x10;
	v9 =	vshll.u32 v9, $0x10;
	v13 =	vld [tilespmem:s2+$0x8070]  }
0x135: {  	v12 =	vsel vm0, v18, v2;
	v18 =	vsel vm1, v19, v2;
	v14 =	vsel vm2, v14, v2;
	v10 =	vld [tilespmem:s2+$0x8000]  }
0x136: {  	v15 =	vsel vm3, v15, v2;
	v16 =	vsel vm4, v16, v2;
	v21 =	vsel vm5, v11, v2;
	v19 =	vld [tilespmem:s2+$0x8010]  }
0x137: {  	v22 =	vor.u32 $0x1, v5;
	v23 =	vor.u32 $0x1, v6;
	v17 =	vsel vm6, v17, v2;
	v11 =	vld [tilespmem:s2+$0x8020]  }
0x138: {  	v24 =	vor.u32 $0x1, v7;
	v20 =	vor.u32 $0x1, v20;
	v25 =	vor.u32 $0x1, v3;
	v4 =	vld [tilespmem:s2+$0x8030]  }
0x139: {  	v26 =	vor.u32 $0x1, v8;
	v27 =	vor.u32 $0x1, v9;
	v3 =	vld [tilespmem:s2+$0x8040];
	v7 =	vcvt.s32.f32 v13  }
0x13a: {  	v9 =	vcvt.s32.f32 v10;
	v5 =	vshll.u32 v10, $0x10;
	v10 =	vld [tilespmem:s2+$0x70]  }
0x13b: {  	v28 =	vcvt.s32.f32 v19;
	v6 =	vshll.u32 v19, $0x10;
	v8 =	vld [tilespmem:s2+$0x8050];
	v19 =	vadd.f32 v7, v7  }
0x13c: {  	v29 =	vadd.f32 v9, v9;
	v30 =	vcvt.s32.f32 v11;
	v7 =	vshll.u32 v11, $0x10;
	v9 =	vld [tilespmem:s2+$0x8060]  }
0x13d: {  	v11 =	vld [tilespmem:s2+$0x0];
	v28 =	vadd.f32 v28, v28;
	v31 =	vcvt.s32.f32 v4;
	v19 =	vadd.f32 $-1.000000000e+00, v19  }
0x13e: {  	v29 =	vadd.f32 $-1.000000000e+00, v29;
	v32 =	vld [tilespmem:s2+$0x10];
	v30 =	vadd.f32 v30, v30;
	v33 =	vcvt.s32.f32 v3  }
0x13f: {  	v28 =	vadd.f32 $-1.000000000e+00, v28;
	v34 =	vld [tilespmem:s2+$0x20];
	v31 =	vadd.f32 v31, v31;
	v10 =	vmul.f32 v19, v10  }
0x140: {  	v19 =	vadd.f32 $-1.000000000e+00, v30;
	v30 =	vld [tilespmem:s2+$0x30];
	v33 =	vadd.f32 v33, v33;
	v35 =	vcvt.s32.f32 v8  }
0x141: {  	v31 =	vadd.f32 $-1.000000000e+00, v31;
	v36 =	vld [tilespmem:s2+$0x40];
	v37 =	vcvt.s32.f32 v9;
	v38 =	vsub.f32 $1.000000000e+00, v10  }
0x142: {  	v10 =	vmul.f32 v29, v11;
	v11 =	vadd.f32 $-1.000000000e+00, v33;
	v29 =	vld [tilespmem:s2+$0x50];
	v33 =	vadd.f32 v35, v35  }
0x143: {  	v28 =	vmul.f32 v28, v32;
	v32 =	vld [tilespmem:s2+$0x60];
	v35 =	vadd.f32 v37, v37;
	v37 =	vmul.f32 $1.280000000e+02, v38  }
0x144: {  	v39 =	vsub.f32 $1.000000000e+00, v10;
	v10 =	vmul.f32 v19, v34;
	v19 =	vadd.f32 $-1.000000000e+00, v33;
	[tilespmem:v12+s26+$0x0] =	vst.idx.add.s32.msk $0xffff, v22  }
0x145: {  	v12 =	vmul.f32 v31, v30;
	v22 =	vadd.f32 $-1.000000000e+00, v35;
	v30 =	vtrunc.f32 v37;
	[tilespmem:v18+s26+$0x0] =	vst.idx.add.s32.msk $0xffff, v23  }
0x146: {  	v18 =	vsub.f32 $1.000000000e+00, v28;
	v11 =	vmul.f32 v11, v36;
	v23 =	vcvt.f32.s32 v30;
	[tilespmem:v14+s26+$0x0] =	vst.idx.add.s32.msk $0xffff, v24  }
0x147: {  	v14 =	vsub.f32 $1.000000000e+00, v10;
	v24 =	vsub.f32 $1.000000000e+00, v12;
	v10 =	vmul.f32 v19, v29;
	[tilespmem:v15+s26+$0x0] =	vst.idx.add.s32.msk $0xffff, v20  }
0x148: {  	v11 =	vsub.f32 $1.000000000e+00, v11;
	v12 =	vmul.f32 v22, v32;
	vm0 =	vgt.s32 v23, $0x0;
	[tilespmem:v16+s26+$0x0] =	vst.idx.add.s32.msk $0xffff, v25  }
0x149: {  	v15 =	vmul.f32 $1.280000000e+02, v39;
	v10 =	vsub.f32 $1.000000000e+00, v10;
	v16 =	vnsel vm0, $0x0, v23;
	[tilespmem:v21+s26+$0x0] =	vst.idx.add.s32.msk $0xffff, v26  }
0x14a: {  	v19 =	vmul.f32 $1.280000000e+02, v18;
	v12 =	vsub.f32 $1.000000000e+00, v12;
	v16 =	vmin.u32 v16, $0x7FF;
	[tilespmem:v17+s26+$0x0] =	vst.idx.add.s32.msk $0xffff, v27  }
0x14b: {  	vm0 =	vgt.f32 v38, $0.0e+00;
	v17 =	vmul.f32 $1.280000000e+02, v14;
	v16 =	vadd.s32 v0, v16  }
0x14c: {  	v20 =	vmul.f32 $1.280000000e+02, v24;
	v21 =	vmul.f32 $1.280000000e+02, v11;
	v16 =	vsel vm0, v16, v2  }
0x14d: {  	v22 =	vmul.f32 $1.280000000e+02, v10;
	vm0 =	vgt.f32 v39, $0.0e+00;
	v23 =	vmul.f32 $1.280000000e+02, v12  }
0x14e: {  	vm1 =	vgt.f32 v18, $0.0e+00;
	v15 =	vtrunc.f32 v15;
	v19 =	vtrunc.f32 v19  }
0x14f: {  	v13 =	vshll.u32 v13, $0x10;
	v18 =	vtrunc.f32 v20;
	v17 =	vtrunc.f32 v17  }
0x150: {  	v13 =	vor.u32 $0x1, v13;
	v20 =	vtrunc.f32 v21;
	v21 =	vtrunc.f32 v22  }
0x151: {  	vm2 =	vgt.f32 v14, $0.0e+00;
	v15 =	vcvt.f32.s32 v15;
	v14 =	vtrunc.f32 v23;
	[tilespmem:v16+s26+$0x0] =	vst.idx.add.s32.msk $0xffff, v13  }
0x152: {  	vm3 =	vgt.f32 v24, $0.0e+00;
	v13 =	vcvt.f32.s32 v19;
	v16 =	vcvt.f32.s32 v17  }
0x153: {  	vm4 =	vgt.s32 v15, $0x0;
	v17 =	vcvt.f32.s32 v18;
	v18 =	vcvt.f32.s32 v20  }
0x154: {  	v14 =	vcvt.f32.s32 v14;
	v19 =	vcvt.f32.s32 v21;
	vm5 =	vgt.s32 v13, $0x0  }
.Ltmp3:
0x155: {  	vm6 =	vgt.s32 v16, $0x0;
	vm7 =	vgt.s32 v17, $0x0;
	vm8 =	vgt.s32 v18, $0x0;
	(pc) =	sbr.rel @p0 .LBB2_8-.Ltmp3, $4  }
0x156: {  	v20 =	vnsel vm4, $0x0, v15;
	vm9 =	vgt.s32 v14, $0x0;
	vm4 =	vgt.s32 v19, $0x0  }
0x157: {  	v21 =	vnsel vm5, $0x0, v13;
	v22 =	vnsel vm6, $0x0, v16;
	v15 =	vnsel vm7, $0x0, v17  }
0x158: {  	v16 =	vnsel vm8, $0x0, v18;
	v17 =	vnsel vm4, $0x0, v19;
	v13 =	vnsel vm9, $0x0, v14  }
0x159: {  	v18 =	vmin.u32 v20, $0x7FF;
	v19 =	vmin.u32 v21, $0x7FF;
	v14 =	vmin.u32 v22, $0x7FF  }
0x15a: {  	v15 =	vmin.u32 v15, $0x7FF  }
0x15b: {  	v16 =	vmin.u32 v16, $0x7FF;
	v17 =	vmin.u32 v17, $0x7FF;
	v18 =	vadd.s32 v0, v18  }
0x15c: {  	v19 =	vadd.s32 v0, v19;
	v13 =	vmin.u32 v13, $0x7FF;
	v18 =	vsel vm0, v18, v2  }
0x15d: {  	v14 =	vadd.s32 v0, v14;
	v5 =	vor.u32 $0x1, v5;
	v19 =	vsel vm1, v19, v2  }
0x15e: {  	v15 =	vadd.s32 v0, v15;
	vm0 =	vgt.f32 v11, $0.0e+00;
	v11 =	vsel vm2, v14, v2  }
0x15f: {  	v6 =	vor.u32 $0x1, v6;
	v16 =	vadd.s32 v0, v16;
	v15 =	vsel vm3, v15, v2  }
0x160: {  	v14 =	vadd.s32 v0, v17;
	vm1 =	vgt.f32 v10, $0.0e+00;
	v10 =	vsel vm0, v16, v2  }
0x161: {  	v13 =	vadd.s32 v0, v13;
	vm0 =	vgt.f32 v12, $0.0e+00;
	v12 =	vsel vm1, v14, v2;
	[tilespmem:v18+s26+$0x0] =	vst.idx.add.s32.msk $0xffff, v5  }
0x162: {  	v4 =	vshll.u32 v4, $0x10;
	v7 =	vor.u32 $0x1, v7;
	v5 =	vsel vm0, v13, v2;
	[tilespmem:v19+s26+$0x0] =	vst.idx.add.s32.msk $0xffff, v6  }
0x163: {  	v3 =	vshll.u32 v3, $0x10;
	v4 =	vor.u32 $0x1, v4;
	[tilespmem:v11+s26+$0x0] =	vst.idx.add.s32.msk $0xffff, v7  }
0x164: {  	v3 =	vor.u32 $0x1, v3;
	v6 =	vshll.u32 v8, $0x10;
	[tilespmem:v15+s26+$0x0] =	vst.idx.add.s32.msk $0xffff, v4  }
0x165: {  	v4 =	vshll.u32 v9, $0x10;
	v6 =	vor.u32 $0x1, v6;
	[tilespmem:v10+s26+$0x0] =	vst.idx.add.s32.msk $0xffff, v3  }
0x166: {  	v3 =	vor.u32 $0x1, v4;
	[tilespmem:v12+s26+$0x0] =	vst.idx.add.s32.msk $0xffff, v6  }
0x167: {  	[tilespmem:v5+s26+$0x0] =	vst.idx.add.s32.msk $0xffff, v3  }
0x168: {  	_ =	swait.ge [sflag:s28], $0x4000  }
0x169: {  	[sflag:s28] =	ssyncset.done $0x0  }
0x16a: {  	s1 =	simm.s32 $0x0;
	[sflag:s28] =	ssyncadd.s32 $0xFFFFC000  }
0x16b: {  	s2 =	simm.s32 $0x0;
	s4 =	simm.s32 $0x0;
	_ =	swait.ge [sflag:s29], $0x4000  }
0x16c: {  	s2 =	sand.u32 $0x3000, s2;
	s3 =	sand.u32 $0xC00, s1;
	[sflag:s29] =	ssyncset.done $0x0  }
0x16d: {  	s5 =	sand.u32 $0x380, s4;
	s2 =	sor.u32 s3, s2;
	[sflag:s29] =	ssyncadd.s32 $0xFFFFC000  }
0x16e: {  	[tilespmem:s1], [sflag:$0x1] =	stream.linear.gather [hbm4b:s11+s1], $0x4000, $0x38;
	[tilespmem:$0x18980] =	vst v63  }
0x16f: {  	s2 =	sor.u32 s5, s2  }
0x170: {  	[tilespmem:s21], [sflag:$0x3] =	stream.linear.gather [hbm4b:s12+s1], $0x4000, $0x38;
	[tilespmem:$0x18980] =	vst v63  }
0x171: {  	v13 =	vld [tilespmem:s2+$0xC070]  }
0x172: {  	v5 =	vld [tilespmem:s2+$0xC000]  }
0x173: {  	v6 =	vld [tilespmem:s2+$0xC010]  }
0x174: {  	v7 =	vld [tilespmem:s2+$0xC020]  }
0x175: {  	v4 =	vld [tilespmem:s2+$0xC030]  }
0x176: {  	v3 =	vld [tilespmem:s2+$0xC040]  }
0x177: {  	v8 =	vld [tilespmem:s2+$0xC050]  }
0x178: {  	v9 =	vcvt.s32.f32 v13;
	v10 =	vcvt.s32.f32 v5;
	v5 =	vshll.u32 v5, $0x10  }
0x179: {  	v11 =	vld [tilespmem:s2+$0x4070];
	v12 =	vcvt.s32.f32 v6;
	v6 =	vshll.u32 v6, $0x10;
	v15 =	vcvt.s32.f32 v7  }
0x17a: {  	v16 =	vld [tilespmem:s2+$0x4000];
	v7 =	vshll.u32 v7, $0x10;
	v17 =	vcvt.s32.f32 v4;
	v14 =	vadd.f32 v9, v9  }
0x17b: {  	v18 =	vld [tilespmem:s2+$0x4010];
	v19 =	vcvt.s32.f32 v3;
	v10 =	vadd.f32 v10, v10;
	v12 =	vadd.f32 v12, v12  }
0x17c: {  	v21 =	vcvt.s32.f32 v8;
	v9 =	vld [tilespmem:s2+$0xC060];
	v15 =	vadd.f32 v15, v15;
	v14 =	vadd.f32 $-1.000000000e+00, v14  }
0x17d: {  	v20 =	vld [tilespmem:s2+$0x4020];
	v13 =	vshll.u32 v13, $0x10;
	v17 =	vadd.f32 v17, v17;
	v19 =	vadd.f32 v19, v19  }
0x17e: {  	v22 =	vld [tilespmem:s2+$0x4040];
	v10 =	vadd.f32 $-1.000000000e+00, v10;
	v12 =	vadd.f32 $-1.000000000e+00, v12;
	v11 =	vmul.f32 v14, v11  }
0x17f: {  	v59 =	vor.u32 $0x1, v13;
	v17 =	vadd.f32 $-1.000000000e+00, v17;
	v14 =	vadd.f32 $-1.000000000e+00, v15;
	v15 =	vld [tilespmem:s2+$0x4030]  }
0x180: {  	v10 =	vmul.f32 v10, v16;
	v12 =	vmul.f32 v12, v18;
	v24 =	vsub.f32 $1.000000000e+00, v11  }
0x181: {  	v16 =	vld [tilespmem:s2+$0x4050];
	v23 =	vcvt.s32.f32 v9;
	v11 =	vadd.f32 $-1.000000000e+00, v19;
	v19 =	vadd.f32 v21, v21  }
0x182: {  	v18 =	vld [tilespmem:s2+$0x4060];
	v25 =	vsub.f32 $1.000000000e+00, v10;
	v10 =	vmul.f32 v14, v20;
	v20 =	vsub.f32 $1.000000000e+00, v12  }
0x183: {  	v51 =	vadd.f32 v23, v23;
	v52 =	vmul.f32 $1.280000000e+02, v24;
	v11 =	vmul.f32 v11, v22  }
0x184: {  	v14 =	vadd.f32 $-1.000000000e+00, v19;
	vm1 =	vgt.f32 v20, $0.0e+00;
	v15 =	vmul.f32 v17, v15  }
0x185: {  	v17 =	vadd.f32 $-1.000000000e+00, v51;
	v19 =	vtrunc.f32 v52;
	v11 =	vsub.f32 $1.000000000e+00, v11  }
0x186: {  	v12 =	vcvt.f32.s32 v19;
	v19 =	vsub.f32 $1.000000000e+00, v10;
	v10 =	vmul.f32 v14, v16  }
0x187: {  	v15 =	vsub.f32 $1.000000000e+00, v15;
	v14 =	vmul.f32 v17, v18;
	v16 =	vmul.f32 $1.280000000e+02, v25  }
0x188: {  	v18 =	vmul.f32 $1.280000000e+02, v20;
	v54 =	vmul.f32 $1.280000000e+02, v11;
	vm0 =	vgt.s32 v12, $0x0  }
0x189: {  	v10 =	vsub.f32 $1.000000000e+00, v10;
	v53 =	vmul.f32 $1.280000000e+02, v15;
	v16 =	vtrunc.f32 v16  }
0x18a: {  	v18 =	vtrunc.f32 v18;
	vm2 =	vgt.f32 v19, $0.0e+00;
	vm3 =	vgt.f32 v15, $0.0e+00  }
0x18b: {  	v17 =	vnsel vm0, $0x0, v12;
	v12 =	vsub.f32 $1.000000000e+00, v14;
	v57 =	vtrunc.f32 v54  }
0x18c: {  	vm0 =	vgt.f32 v24, $0.0e+00;
	v13 =	vcvt.f32.s32 v16;
	v18 =	vcvt.f32.s32 v18  }
0x18d: {  	v14 =	vmin.u32 v17, $0x7FF;
	v17 =	vmul.f32 $1.280000000e+02, v19;
	v55 =	vmul.f32 $1.280000000e+02, v10  }
0x18e: {  	v20 =	vtrunc.f32 v53;
	v19 =	vcvt.f32.s32 v57;
	v14 =	vadd.s32 v0, v14  }
0x18f: {  	v56 =	vmul.f32 $1.280000000e+02, v12;
	vm4 =	vgt.s32 v13, $0x0;
	v15 =	vcvt.f32.s32 v20  }
0x190: {  	vm5 =	vgt.s32 v18, $0x0;
	v14 =	vsel vm0, v14, v2;
	vm0 =	vgt.f32 v25, $0.0e+00  }
0x191: {  	v17 =	vtrunc.f32 v17;
	v58 =	vtrunc.f32 v55;
	v61 =	vnsel vm4, $0x0, v13  }
0x192: {  	vm4 =	vgt.s32 v19, $0x0;
	v62 =	vnsel vm5, $0x0, v18;
	v16 =	vtrunc.f32 v56  }
0x193: {  	v17 =	vcvt.f32.s32 v17;
	v20 =	vcvt.f32.s32 v58;
	vm7 =	vgt.s32 v15, $0x0  }
0x194: {  	v18 =	vmin.u32 v61, $0x7FF;
	v60 =	vcvt.f32.s32 v16;
	v15 =	vnsel vm7, $0x0, v15  }
0x195: {  	v16 =	vnsel vm4, $0x0, v19;
	v19 =	vmin.u32 v62, $0x7FF;
	vm6 =	vgt.s32 v17, $0x0  }
0x196: {  	vm5 =	vgt.s32 v20, $0x0;
	v63 =	vnsel vm6, $0x0, v17;
	vm15 =	vgt.s32 v60, $0x0  }
0x197: {  	s30 =	simm.s32 $0x0;
	v17 =	vnsel vm5, $0x0, v20;
	v13 =	vnsel vm15, $0x0, v60;
	[tilespmem:v14+s26+$0x0] =	vst.idx.add.s32.msk $0xffff, v59;
	v14 =	vmin.u32 v63, $0x7FF  }
.LBB2_10:
0x198: {  	s30 =	sadd.s32 $0x8, s30;
	v15 =	vmin.u32 v15, $0x7FF;
	v16 =	vmin.u32 v16, $0x7FF;
	v17 =	vmin.u32 v17, $0x7FF  }
0x199: {  	v18 =	vadd.s32 v0, v18;
	v19 =	vadd.s32 v0, v19;
	v13 =	vmin.u32 v13, $0x7FF;
	s1 =	sadd.s32 $0x400, s1;
	s2 =	sshll.u32 s30, $0x4;
	p0 =	slt.u32 s30, $0x3F8  }
0x19a: {  	v14 =	vadd.s32 v0, v14;
	s3 =	sand.u32 $0xC00, s1;
	s4 =	sshll.u32 s30, $0x2;
	v15 =	vadd.s32 v0, v15;
	v16 =	vadd.s32 v0, v16;
	s2 =	sand.u32 $0x3000, s2  }
0x19b: {  	vm4 =	vgt.f32 v11, $0.0e+00;
	v11 =	vadd.s32 v0, v17;
	v17 =	vadd.s32 v0, v13;
	s2 =	sor.u32 s3, s2;
	s3 =	sand.u32 $0x380, s4  }
0x19c: {  	v20 =	vshll.u32 v4, $0x10;
	vm5 =	vgt.f32 v10, $0.0e+00;
	vm6 =	vgt.f32 v12, $0.0e+00;
	s2 =	sor.u32 s3, s2  }
0x19d: {  	v3 =	vshll.u32 v3, $0x10;
	v8 =	vshll.u32 v8, $0x10;
	v9 =	vshll.u32 v9, $0x10;
	v13 =	vld [tilespmem:s2+$0xC070]  }
0x19e: {  	v12 =	vsel vm0, v18, v2;
	v18 =	vsel vm1, v19, v2;
	v14 =	vsel vm2, v14, v2;
	v10 =	vld [tilespmem:s2+$0xC000]  }
0x19f: {  	v15 =	vsel vm3, v15, v2;
	v16 =	vsel vm4, v16, v2;
	v21 =	vsel vm5, v11, v2;
	v19 =	vld [tilespmem:s2+$0xC010]  }
0x1a0: {  	v22 =	vor.u32 $0x1, v5;
	v23 =	vor.u32 $0x1, v6;
	v17 =	vsel vm6, v17, v2;
	v11 =	vld [tilespmem:s2+$0xC020]  }
0x1a1: {  	v24 =	vor.u32 $0x1, v7;
	v20 =	vor.u32 $0x1, v20;
	v25 =	vor.u32 $0x1, v3;
	v4 =	vld [tilespmem:s2+$0xC030]  }
0x1a2: {  	v26 =	vor.u32 $0x1, v8;
	v27 =	vor.u32 $0x1, v9;
	v3 =	vld [tilespmem:s2+$0xC040];
	v7 =	vcvt.s32.f32 v13  }
0x1a3: {  	v9 =	vcvt.s32.f32 v10;
	v5 =	vshll.u32 v10, $0x10;
	v10 =	vld [tilespmem:s2+$0x4070]  }
0x1a4: {  	v28 =	vcvt.s32.f32 v19;
	v6 =	vshll.u32 v19, $0x10;
	v8 =	vld [tilespmem:s2+$0xC050];
	v19 =	vadd.f32 v7, v7  }
0x1a5: {  	v29 =	vadd.f32 v9, v9;
	v30 =	vcvt.s32.f32 v11;
	v7 =	vshll.u32 v11, $0x10;
	v9 =	vld [tilespmem:s2+$0xC060]  }
0x1a6: {  	v11 =	vld [tilespmem:s2+$0x4000];
	v28 =	vadd.f32 v28, v28;
	v31 =	vcvt.s32.f32 v4;
	v19 =	vadd.f32 $-1.000000000e+00, v19  }
0x1a7: {  	v29 =	vadd.f32 $-1.000000000e+00, v29;
	v32 =	vld [tilespmem:s2+$0x4010];
	v30 =	vadd.f32 v30, v30;
	v33 =	vcvt.s32.f32 v3  }
0x1a8: {  	v28 =	vadd.f32 $-1.000000000e+00, v28;
	v34 =	vld [tilespmem:s2+$0x4020];
	v31 =	vadd.f32 v31, v31;
	v10 =	vmul.f32 v19, v10  }
0x1a9: {  	v19 =	vadd.f32 $-1.000000000e+00, v30;
	v30 =	vld [tilespmem:s2+$0x4030];
	v33 =	vadd.f32 v33, v33;
	v35 =	vcvt.s32.f32 v8  }
0x1aa: {  	v31 =	vadd.f32 $-1.000000000e+00, v31;
	v36 =	vld [tilespmem:s2+$0x4040];
	v37 =	vcvt.s32.f32 v9;
	v38 =	vsub.f32 $1.000000000e+00, v10  }
0x1ab: {  	v10 =	vmul.f32 v29, v11;
	v11 =	vadd.f32 $-1.000000000e+00, v33;
	v29 =	vld [tilespmem:s2+$0x4050];
	v33 =	vadd.f32 v35, v35  }
0x1ac: {  	v28 =	vmul.f32 v28, v32;
	v32 =	vld [tilespmem:s2+$0x4060];
	v35 =	vadd.f32 v37, v37;
	v37 =	vmul.f32 $1.280000000e+02, v38  }
0x1ad: {  	v39 =	vsub.f32 $1.000000000e+00, v10;
	v10 =	vmul.f32 v19, v34;
	v19 =	vadd.f32 $-1.000000000e+00, v33;
	[tilespmem:v12+s26+$0x0] =	vst.idx.add.s32.msk $0xffff, v22  }
0x1ae: {  	v12 =	vmul.f32 v31, v30;
	v22 =	vadd.f32 $-1.000000000e+00, v35;
	v30 =	vtrunc.f32 v37;
	[tilespmem:v18+s26+$0x0] =	vst.idx.add.s32.msk $0xffff, v23  }
0x1af: {  	v18 =	vsub.f32 $1.000000000e+00, v28;
	v11 =	vmul.f32 v11, v36;
	v23 =	vcvt.f32.s32 v30;
	[tilespmem:v14+s26+$0x0] =	vst.idx.add.s32.msk $0xffff, v24  }
0x1b0: {  	v14 =	vsub.f32 $1.000000000e+00, v10;
	v24 =	vsub.f32 $1.000000000e+00, v12;
	v10 =	vmul.f32 v19, v29;
	[tilespmem:v15+s26+$0x0] =	vst.idx.add.s32.msk $0xffff, v20  }
0x1b1: {  	v11 =	vsub.f32 $1.000000000e+00, v11;
	v12 =	vmul.f32 v22, v32;
	vm0 =	vgt.s32 v23, $0x0;
	[tilespmem:v16+s26+$0x0] =	vst.idx.add.s32.msk $0xffff, v25  }
0x1b2: {  	v15 =	vmul.f32 $1.280000000e+02, v39;
	v10 =	vsub.f32 $1.000000000e+00, v10;
	v16 =	vnsel vm0, $0x0, v23;
	[tilespmem:v21+s26+$0x0] =	vst.idx.add.s32.msk $0xffff, v26  }
0x1b3: {  	v19 =	vmul.f32 $1.280000000e+02, v18;
	v12 =	vsub.f32 $1.000000000e+00, v12;
	v16 =	vmin.u32 v16, $0x7FF;
	[tilespmem:v17+s26+$0x0] =	vst.idx.add.s32.msk $0xffff, v27  }
0x1b4: {  	vm0 =	vgt.f32 v38, $0.0e+00;
	v17 =	vmul.f32 $1.280000000e+02, v14;
	v16 =	vadd.s32 v0, v16  }
0x1b5: {  	v20 =	vmul.f32 $1.280000000e+02, v24;
	v21 =	vmul.f32 $1.280000000e+02, v11;
	v16 =	vsel vm0, v16, v2  }
0x1b6: {  	v22 =	vmul.f32 $1.280000000e+02, v10;
	vm0 =	vgt.f32 v39, $0.0e+00;
	v23 =	vmul.f32 $1.280000000e+02, v12  }
0x1b7: {  	vm1 =	vgt.f32 v18, $0.0e+00;
	v15 =	vtrunc.f32 v15;
	v19 =	vtrunc.f32 v19  }
0x1b8: {  	v13 =	vshll.u32 v13, $0x10;
	v18 =	vtrunc.f32 v20;
	v17 =	vtrunc.f32 v17  }
0x1b9: {  	v13 =	vor.u32 $0x1, v13;
	v20 =	vtrunc.f32 v21;
	v21 =	vtrunc.f32 v22  }
0x1ba: {  	vm2 =	vgt.f32 v14, $0.0e+00;
	v15 =	vcvt.f32.s32 v15;
	v14 =	vtrunc.f32 v23;
	[tilespmem:v16+s26+$0x0] =	vst.idx.add.s32.msk $0xffff, v13  }
0x1bb: {  	vm3 =	vgt.f32 v24, $0.0e+00;
	v13 =	vcvt.f32.s32 v19;
	v16 =	vcvt.f32.s32 v17  }
0x1bc: {  	vm4 =	vgt.s32 v15, $0x0;
	v17 =	vcvt.f32.s32 v18;
	v18 =	vcvt.f32.s32 v20  }
0x1bd: {  	v14 =	vcvt.f32.s32 v14;
	v19 =	vcvt.f32.s32 v21;
	vm5 =	vgt.s32 v13, $0x0  }
.Ltmp4:
0x1be: {  	vm6 =	vgt.s32 v16, $0x0;
	vm7 =	vgt.s32 v17, $0x0;
	vm8 =	vgt.s32 v18, $0x0;
	(pc) =	sbr.rel @p0 .LBB2_10-.Ltmp4, $4  }
0x1bf: {  	v20 =	vnsel vm4, $0x0, v15;
	vm9 =	vgt.s32 v14, $0x0;
	vm4 =	vgt.s32 v19, $0x0  }
0x1c0: {  	v21 =	vnsel vm5, $0x0, v13;
	v22 =	vnsel vm6, $0x0, v16;
	v15 =	vnsel vm7, $0x0, v17  }
0x1c1: {  	v16 =	vnsel vm8, $0x0, v18;
	v17 =	vnsel vm4, $0x0, v19;
	v13 =	vnsel vm9, $0x0, v14  }
0x1c2: {  	v18 =	vmin.u32 v20, $0x7FF;
	v19 =	vmin.u32 v21, $0x7FF;
	v14 =	vmin.u32 v22, $0x7FF  }
0x1c3: {  	v15 =	vmin.u32 v15, $0x7FF  }
0x1c4: {  	v16 =	vmin.u32 v16, $0x7FF;
	v17 =	vmin.u32 v17, $0x7FF;
	v18 =	vadd.s32 v0, v18  }
0x1c5: {  	v19 =	vadd.s32 v0, v19;
	v13 =	vmin.u32 v13, $0x7FF;
	v18 =	vsel vm0, v18, v2  }
0x1c6: {  	v14 =	vadd.s32 v0, v14;
	v5 =	vor.u32 $0x1, v5;
	v19 =	vsel vm1, v19, v2  }
0x1c7: {  	v15 =	vadd.s32 v0, v15;
	vm0 =	vgt.f32 v11, $0.0e+00;
	v11 =	vsel vm2, v14, v2  }
0x1c8: {  	v6 =	vor.u32 $0x1, v6;
	v16 =	vadd.s32 v0, v16;
	v15 =	vsel vm3, v15, v2  }
0x1c9: {  	v14 =	vadd.s32 v0, v17;
	vm1 =	vgt.f32 v10, $0.0e+00;
	v10 =	vsel vm0, v16, v2  }
0x1ca: {  	v13 =	vadd.s32 v0, v13;
	vm0 =	vgt.f32 v12, $0.0e+00;
	v12 =	vsel vm1, v14, v2;
	[tilespmem:v18+s26+$0x0] =	vst.idx.add.s32.msk $0xffff, v5  }
0x1cb: {  	v4 =	vshll.u32 v4, $0x10;
	v7 =	vor.u32 $0x1, v7;
	v5 =	vsel vm0, v13, v2;
	[tilespmem:v19+s26+$0x0] =	vst.idx.add.s32.msk $0xffff, v6  }
0x1cc: {  	v3 =	vshll.u32 v3, $0x10;
	v4 =	vor.u32 $0x1, v4;
	[tilespmem:v11+s26+$0x0] =	vst.idx.add.s32.msk $0xffff, v7  }
0x1cd: {  	v3 =	vor.u32 $0x1, v3;
	v6 =	vshll.u32 v8, $0x10;
	[tilespmem:v15+s26+$0x0] =	vst.idx.add.s32.msk $0xffff, v4  }
0x1ce: {  	v4 =	vshll.u32 v9, $0x10;
	v6 =	vor.u32 $0x1, v6;
	[tilespmem:v10+s26+$0x0] =	vst.idx.add.s32.msk $0xffff, v3  }
0x1cf: {  	v3 =	vor.u32 $0x1, v4;
	[tilespmem:v12+s26+$0x0] =	vst.idx.add.s32.msk $0xffff, v6  }
0x1d0: {  	[tilespmem:v5+s26+$0x0] =	vst.idx.add.s32.msk $0xffff, v3  }
0x1d1: {  	_ =	swait.ge [sflag:s22], $0x4000  }
0x1d2: {  	[sflag:s22] =	ssyncset.done $0x0  }
0x1d3: {  	s1 =	simm.s32 $0x0;
	[sflag:s22] =	ssyncadd.s32 $0xFFFFC000  }
0x1d4: {  	s2 =	simm.s32 $0x0;
	s4 =	simm.s32 $0x0;
	_ =	swait.ge [sflag:s23], $0x4000  }
0x1d5: {  	s2 =	sand.u32 $0x3000, s2;
	s3 =	sand.u32 $0xC00, s1;
	[sflag:s23] =	ssyncset.done $0x0  }
0x1d6: {  	s5 =	sand.u32 $0x380, s4;
	s2 =	sor.u32 s3, s2;
	[sflag:s23] =	ssyncadd.s32 $0xFFFFC000  }
0x1d7: {  	[tilespmem:s24], [sflag:$0x2] =	stream.linear.gather [hbm4b:s13+s1], $0x4000, $0x38;
	[tilespmem:$0x18980] =	vst v63  }
0x1d8: {  	s2 =	sor.u32 s5, s2  }
0x1d9: {  	[tilespmem:s25], [sflag:$0x4] =	stream.linear.gather [hbm4b:s14+s1], $0x4000, $0x38;
	[tilespmem:$0x18980] =	vst v63  }
0x1da: {  	v13 =	vld [tilespmem:s2+$0x8070]  }
0x1db: {  	v5 =	vld [tilespmem:s2+$0x8000]  }
0x1dc: {  	v6 =	vld [tilespmem:s2+$0x8010]  }
0x1dd: {  	v7 =	vld [tilespmem:s2+$0x8020]  }
0x1de: {  	v4 =	vld [tilespmem:s2+$0x8030]  }
0x1df: {  	v3 =	vld [tilespmem:s2+$0x8040]  }
0x1e0: {  	v8 =	vld [tilespmem:s2+$0x8050]  }
0x1e1: {  	v9 =	vcvt.s32.f32 v13;
	v10 =	vcvt.s32.f32 v5;
	v5 =	vshll.u32 v5, $0x10  }
0x1e2: {  	v11 =	vld [tilespmem:s2+$0x70];
	v12 =	vcvt.s32.f32 v6;
	v6 =	vshll.u32 v6, $0x10;
	v15 =	vcvt.s32.f32 v7  }
0x1e3: {  	v16 =	vld [tilespmem:s2+$0x0];
	v7 =	vshll.u32 v7, $0x10;
	v17 =	vcvt.s32.f32 v4;
	v14 =	vadd.f32 v9, v9  }
0x1e4: {  	v18 =	vld [tilespmem:s2+$0x10];
	v19 =	vcvt.s32.f32 v3;
	v10 =	vadd.f32 v10, v10;
	v12 =	vadd.f32 v12, v12  }
0x1e5: {  	v21 =	vcvt.s32.f32 v8;
	v9 =	vld [tilespmem:s2+$0x8060];
	v15 =	vadd.f32 v15, v15;
	v14 =	vadd.f32 $-1.000000000e+00, v14  }
0x1e6: {  	v20 =	vld [tilespmem:s2+$0x20];
	v13 =	vshll.u32 v13, $0x10;
	v17 =	vadd.f32 v17, v17;
	v19 =	vadd.f32 v19, v19  }
0x1e7: {  	v22 =	vld [tilespmem:s2+$0x40];
	v10 =	vadd.f32 $-1.000000000e+00, v10;
	v12 =	vadd.f32 $-1.000000000e+00, v12;
	v11 =	vmul.f32 v14, v11  }
0x1e8: {  	v59 =	vor.u32 $0x1, v13;
	v17 =	vadd.f32 $-1.000000000e+00, v17;
	v14 =	vadd.f32 $-1.000000000e+00, v15;
	v15 =	vld [tilespmem:s2+$0x30]  }
0x1e9: {  	v10 =	vmul.f32 v10, v16;
	v12 =	vmul.f32 v12, v18;
	v24 =	vsub.f32 $1.000000000e+00, v11  }
0x1ea: {  	v16 =	vld [tilespmem:s2+$0x50];
	v23 =	vcvt.s32.f32 v9;
	v11 =	vadd.f32 $-1.000000000e+00, v19;
	v19 =	vadd.f32 v21, v21  }
0x1eb: {  	v18 =	vld [tilespmem:s2+$0x60];
	v25 =	vsub.f32 $1.000000000e+00, v10;
	v10 =	vmul.f32 v14, v20;
	v20 =	vsub.f32 $1.000000000e+00, v12  }
0x1ec: {  	v51 =	vadd.f32 v23, v23;
	v52 =	vmul.f32 $1.280000000e+02, v24;
	v11 =	vmul.f32 v11, v22  }
0x1ed: {  	v14 =	vadd.f32 $-1.000000000e+00, v19;
	vm1 =	vgt.f32 v20, $0.0e+00;
	v15 =	vmul.f32 v17, v15  }
0x1ee: {  	v17 =	vadd.f32 $-1.000000000e+00, v51;
	v19 =	vtrunc.f32 v52;
	v11 =	vsub.f32 $1.000000000e+00, v11  }
0x1ef: {  	v12 =	vcvt.f32.s32 v19;
	v19 =	vsub.f32 $1.000000000e+00, v10;
	v10 =	vmul.f32 v14, v16  }
0x1f0: {  	v15 =	vsub.f32 $1.000000000e+00, v15;
	v14 =	vmul.f32 v17, v18;
	v16 =	vmul.f32 $1.280000000e+02, v25  }
0x1f1: {  	v18 =	vmul.f32 $1.280000000e+02, v20;
	v54 =	vmul.f32 $1.280000000e+02, v11;
	vm0 =	vgt.s32 v12, $0x0  }
0x1f2: {  	v10 =	vsub.f32 $1.000000000e+00, v10;
	v53 =	vmul.f32 $1.280000000e+02, v15;
	v16 =	vtrunc.f32 v16  }
0x1f3: {  	v18 =	vtrunc.f32 v18;
	vm2 =	vgt.f32 v19, $0.0e+00;
	vm3 =	vgt.f32 v15, $0.0e+00  }
0x1f4: {  	v17 =	vnsel vm0, $0x0, v12;
	v12 =	vsub.f32 $1.000000000e+00, v14;
	v57 =	vtrunc.f32 v54  }
0x1f5: {  	vm0 =	vgt.f32 v24, $0.0e+00;
	v13 =	vcvt.f32.s32 v16;
	v18 =	vcvt.f32.s32 v18  }
0x1f6: {  	v14 =	vmin.u32 v17, $0x7FF;
	v17 =	vmul.f32 $1.280000000e+02, v19;
	v55 =	vmul.f32 $1.280000000e+02, v10  }
0x1f7: {  	v20 =	vtrunc.f32 v53;
	v19 =	vcvt.f32.s32 v57;
	v14 =	vadd.s32 v0, v14  }
0x1f8: {  	v56 =	vmul.f32 $1.280000000e+02, v12;
	vm4 =	vgt.s32 v13, $0x0;
	v15 =	vcvt.f32.s32 v20  }
0x1f9: {  	vm5 =	vgt.s32 v18, $0x0;
	v14 =	vsel vm0, v14, v2;
	vm0 =	vgt.f32 v25, $0.0e+00  }
0x1fa: {  	v17 =	vtrunc.f32 v17;
	v58 =	vtrunc.f32 v55;
	v61 =	vnsel vm4, $0x0, v13  }
0x1fb: {  	vm4 =	vgt.s32 v19, $0x0;
	v62 =	vnsel vm5, $0x0, v18;
	v16 =	vtrunc.f32 v56  }
0x1fc: {  	v17 =	vcvt.f32.s32 v17;
	v20 =	vcvt.f32.s32 v58;
	vm7 =	vgt.s32 v15, $0x0  }
0x1fd: {  	v18 =	vmin.u32 v61, $0x7FF;
	v60 =	vcvt.f32.s32 v16;
	v15 =	vnsel vm7, $0x0, v15  }
0x1fe: {  	v16 =	vnsel vm4, $0x0, v19;
	v19 =	vmin.u32 v62, $0x7FF;
	vm6 =	vgt.s32 v17, $0x0  }
0x1ff: {  	vm5 =	vgt.s32 v20, $0x0;
	v63 =	vnsel vm6, $0x0, v17;
	vm15 =	vgt.s32 v60, $0x0  }
0x200: {  	s30 =	simm.s32 $0x0;
	v17 =	vnsel vm5, $0x0, v20;
	v13 =	vnsel vm15, $0x0, v60;
	[tilespmem:v14+s26+$0x0] =	vst.idx.add.s32.msk $0xffff, v59;
	v14 =	vmin.u32 v63, $0x7FF  }
.LBB2_12:
0x201: {  	s30 =	sadd.s32 $0x8, s30;
	v15 =	vmin.u32 v15, $0x7FF;
	v16 =	vmin.u32 v16, $0x7FF;
	v17 =	vmin.u32 v17, $0x7FF  }
0x202: {  	v18 =	vadd.s32 v0, v18;
	v19 =	vadd.s32 v0, v19;
	v13 =	vmin.u32 v13, $0x7FF;
	s1 =	sadd.s32 $0x400, s1;
	s2 =	sshll.u32 s30, $0x4;
	p0 =	slt.u32 s30, $0x3F8  }
0x203: {  	v14 =	vadd.s32 v0, v14;
	s3 =	sand.u32 $0xC00, s1;
	s4 =	sshll.u32 s30, $0x2;
	v15 =	vadd.s32 v0, v15;
	v16 =	vadd.s32 v0, v16;
	s2 =	sand.u32 $0x3000, s2  }
0x204: {  	vm4 =	vgt.f32 v11, $0.0e+00;
	v11 =	vadd.s32 v0, v17;
	v17 =	vadd.s32 v0, v13;
	s2 =	sor.u32 s3, s2;
	s3 =	sand.u32 $0x380, s4  }
0x205: {  	v20 =	vshll.u32 v4, $0x10;
	vm5 =	vgt.f32 v10, $0.0e+00;
	vm6 =	vgt.f32 v12, $0.0e+00;
	s2 =	sor.u32 s3, s2  }
0x206: {  	v3 =	vshll.u32 v3, $0x10;
	v8 =	vshll.u32 v8, $0x10;
	v9 =	vshll.u32 v9, $0x10;
	v13 =	vld [tilespmem:s2+$0x8070]  }
0x207: {  	v12 =	vsel vm0, v18, v2;
	v18 =	vsel vm1, v19, v2;
	v14 =	vsel vm2, v14, v2;
	v10 =	vld [tilespmem:s2+$0x8000]  }
0x208: {  	v15 =	vsel vm3, v15, v2;
	v16 =	vsel vm4, v16, v2;
	v21 =	vsel vm5, v11, v2;
	v19 =	vld [tilespmem:s2+$0x8010]  }
0x209: {  	v22 =	vor.u32 $0x1, v5;
	v23 =	vor.u32 $0x1, v6;
	v17 =	vsel vm6, v17, v2;
	v11 =	vld [tilespmem:s2+$0x8020]  }
0x20a: {  	v24 =	vor.u32 $0x1, v7;
	v20 =	vor.u32 $0x1, v20;
	v25 =	vor.u32 $0x1, v3;
	v4 =	vld [tilespmem:s2+$0x8030]  }
0x20b: {  	v26 =	vor.u32 $0x1, v8;
	v27 =	vor.u32 $0x1, v9;
	v3 =	vld [tilespmem:s2+$0x8040];
	v7 =	vcvt.s32.f32 v13  }
0x20c: {  	v9 =	vcvt.s32.f32 v10;
	v5 =	vshll.u32 v10, $0x10;
	v10 =	vld [tilespmem:s2+$0x70]  }
0x20d: {  	v28 =	vcvt.s32.f32 v19;
	v6 =	vshll.u32 v19, $0x10;
	v8 =	vld [tilespmem:s2+$0x8050];
	v19 =	vadd.f32 v7, v7  }
0x20e: {  	v29 =	vadd.f32 v9, v9;
	v30 =	vcvt.s32.f32 v11;
	v7 =	vshll.u32 v11, $0x10;
	v9 =	vld [tilespmem:s2+$0x8060]  }
0x20f: {  	v11 =	vld [tilespmem:s2+$0x0];
	v28 =	vadd.f32 v28, v28;
	v31 =	vcvt.s32.f32 v4;
	v19 =	vadd.f32 $-1.000000000e+00, v19  }
0x210: {  	v29 =	vadd.f32 $-1.000000000e+00, v29;
	v32 =	vld [tilespmem:s2+$0x10];
	v30 =	vadd.f32 v30, v30;
	v33 =	vcvt.s32.f32 v3  }
0x211: {  	v28 =	vadd.f32 $-1.000000000e+00, v28;
	v34 =	vld [tilespmem:s2+$0x20];
	v31 =	vadd.f32 v31, v31;
	v10 =	vmul.f32 v19, v10  }
0x212: {  	v19 =	vadd.f32 $-1.000000000e+00, v30;
	v30 =	vld [tilespmem:s2+$0x30];
	v33 =	vadd.f32 v33, v33;
	v35 =	vcvt.s32.f32 v8  }
0x213: {  	v31 =	vadd.f32 $-1.000000000e+00, v31;
	v36 =	vld [tilespmem:s2+$0x40];
	v37 =	vcvt.s32.f32 v9;
	v38 =	vsub.f32 $1.000000000e+00, v10  }
0x214: {  	v10 =	vmul.f32 v29, v11;
	v11 =	vadd.f32 $-1.000000000e+00, v33;
	v29 =	vld [tilespmem:s2+$0x50];
	v33 =	vadd.f32 v35, v35  }
0x215: {  	v28 =	vmul.f32 v28, v32;
	v32 =	vld [tilespmem:s2+$0x60];
	v35 =	vadd.f32 v37, v37;
	v37 =	vmul.f32 $1.280000000e+02, v38  }
0x216: {  	v39 =	vsub.f32 $1.000000000e+00, v10;
	v10 =	vmul.f32 v19, v34;
	v19 =	vadd.f32 $-1.000000000e+00, v33;
	[tilespmem:v12+s26+$0x0] =	vst.idx.add.s32.msk $0xffff, v22  }
0x217: {  	v12 =	vmul.f32 v31, v30;
	v22 =	vadd.f32 $-1.000000000e+00, v35;
	v30 =	vtrunc.f32 v37;
	[tilespmem:v18+s26+$0x0] =	vst.idx.add.s32.msk $0xffff, v23  }
0x218: {  	v18 =	vsub.f32 $1.000000000e+00, v28;
	v11 =	vmul.f32 v11, v36;
	v23 =	vcvt.f32.s32 v30;
	[tilespmem:v14+s26+$0x0] =	vst.idx.add.s32.msk $0xffff, v24  }
0x219: {  	v14 =	vsub.f32 $1.000000000e+00, v10;
	v24 =	vsub.f32 $1.000000000e+00, v12;
	v10 =	vmul.f32 v19, v29;
	[tilespmem:v15+s26+$0x0] =	vst.idx.add.s32.msk $0xffff, v20  }
0x21a: {  	v11 =	vsub.f32 $1.000000000e+00, v11;
	v12 =	vmul.f32 v22, v32;
	vm0 =	vgt.s32 v23, $0x0;
	[tilespmem:v16+s26+$0x0] =	vst.idx.add.s32.msk $0xffff, v25  }
0x21b: {  	v15 =	vmul.f32 $1.280000000e+02, v39;
	v10 =	vsub.f32 $1.000000000e+00, v10;
	v16 =	vnsel vm0, $0x0, v23;
	[tilespmem:v21+s26+$0x0] =	vst.idx.add.s32.msk $0xffff, v26  }
0x21c: {  	v19 =	vmul.f32 $1.280000000e+02, v18;
	v12 =	vsub.f32 $1.000000000e+00, v12;
	v16 =	vmin.u32 v16, $0x7FF;
	[tilespmem:v17+s26+$0x0] =	vst.idx.add.s32.msk $0xffff, v27  }
0x21d: {  	vm0 =	vgt.f32 v38, $0.0e+00;
	v17 =	vmul.f32 $1.280000000e+02, v14;
	v16 =	vadd.s32 v0, v16  }
0x21e: {  	v20 =	vmul.f32 $1.280000000e+02, v24;
	v21 =	vmul.f32 $1.280000000e+02, v11;
	v16 =	vsel vm0, v16, v2  }
0x21f: {  	v22 =	vmul.f32 $1.280000000e+02, v10;
	vm0 =	vgt.f32 v39, $0.0e+00;
	v23 =	vmul.f32 $1.280000000e+02, v12  }
0x220: {  	vm1 =	vgt.f32 v18, $0.0e+00;
	v15 =	vtrunc.f32 v15;
	v19 =	vtrunc.f32 v19  }
0x221: {  	v13 =	vshll.u32 v13, $0x10;
	v18 =	vtrunc.f32 v20;
	v17 =	vtrunc.f32 v17  }
0x222: {  	v13 =	vor.u32 $0x1, v13;
	v20 =	vtrunc.f32 v21;
	v21 =	vtrunc.f32 v22  }
0x223: {  	vm2 =	vgt.f32 v14, $0.0e+00;
	v15 =	vcvt.f32.s32 v15;
	v14 =	vtrunc.f32 v23;
	[tilespmem:v16+s26+$0x0] =	vst.idx.add.s32.msk $0xffff, v13  }
0x224: {  	vm3 =	vgt.f32 v24, $0.0e+00;
	v13 =	vcvt.f32.s32 v19;
	v16 =	vcvt.f32.s32 v17  }
0x225: {  	vm4 =	vgt.s32 v15, $0x0;
	v17 =	vcvt.f32.s32 v18;
	v18 =	vcvt.f32.s32 v20  }
0x226: {  	v14 =	vcvt.f32.s32 v14;
	v19 =	vcvt.f32.s32 v21;
	vm5 =	vgt.s32 v13, $0x0  }
.Ltmp5:
0x227: {  	vm6 =	vgt.s32 v16, $0x0;
	vm7 =	vgt.s32 v17, $0x0;
	vm8 =	vgt.s32 v18, $0x0;
	(pc) =	sbr.rel @p0 .LBB2_12-.Ltmp5, $4  }
0x228: {  	v20 =	vnsel vm4, $0x0, v15;
	vm9 =	vgt.s32 v14, $0x0;
	vm4 =	vgt.s32 v19, $0x0  }
0x229: {  	v21 =	vnsel vm5, $0x0, v13;
	v22 =	vnsel vm6, $0x0, v16;
	v15 =	vnsel vm7, $0x0, v17  }
0x22a: {  	v16 =	vnsel vm8, $0x0, v18;
	v17 =	vnsel vm4, $0x0, v19;
	v13 =	vnsel vm9, $0x0, v14  }
0x22b: {  	v18 =	vmin.u32 v20, $0x7FF;
	v19 =	vmin.u32 v21, $0x7FF;
	v14 =	vmin.u32 v22, $0x7FF  }
0x22c: {  	v15 =	vmin.u32 v15, $0x7FF  }
0x22d: {  	v16 =	vmin.u32 v16, $0x7FF;
	v17 =	vmin.u32 v17, $0x7FF;
	v18 =	vadd.s32 v0, v18  }
0x22e: {  	v19 =	vadd.s32 v0, v19;
	v13 =	vmin.u32 v13, $0x7FF;
	v18 =	vsel vm0, v18, v2  }
0x22f: {  	v14 =	vadd.s32 v0, v14;
	v5 =	vor.u32 $0x1, v5;
	v19 =	vsel vm1, v19, v2  }
0x230: {  	v15 =	vadd.s32 v0, v15;
	vm0 =	vgt.f32 v11, $0.0e+00;
	v11 =	vsel vm2, v14, v2  }
0x231: {  	v6 =	vor.u32 $0x1, v6;
	v16 =	vadd.s32 v0, v16;
	v15 =	vsel vm3, v15, v2  }
0x232: {  	v14 =	vadd.s32 v0, v17;
	vm1 =	vgt.f32 v10, $0.0e+00;
	v10 =	vsel vm0, v16, v2  }
0x233: {  	v13 =	vadd.s32 v0, v13;
	vm0 =	vgt.f32 v12, $0.0e+00;
	v12 =	vsel vm1, v14, v2;
	[tilespmem:v18+s26+$0x0] =	vst.idx.add.s32.msk $0xffff, v5  }
0x234: {  	v4 =	vshll.u32 v4, $0x10;
	v7 =	vor.u32 $0x1, v7;
	v5 =	vsel vm0, v13, v2;
	[tilespmem:v19+s26+$0x0] =	vst.idx.add.s32.msk $0xffff, v6  }
0x235: {  	v3 =	vshll.u32 v3, $0x10;
	v4 =	vor.u32 $0x1, v4;
	[tilespmem:v11+s26+$0x0] =	vst.idx.add.s32.msk $0xffff, v7  }
0x236: {  	v3 =	vor.u32 $0x1, v3;
	v6 =	vshll.u32 v8, $0x10;
	[tilespmem:v15+s26+$0x0] =	vst.idx.add.s32.msk $0xffff, v4  }
0x237: {  	v4 =	vshll.u32 v9, $0x10;
	v6 =	vor.u32 $0x1, v6;
	[tilespmem:v10+s26+$0x0] =	vst.idx.add.s32.msk $0xffff, v3  }
0x238: {  	v3 =	vor.u32 $0x1, v4;
	[tilespmem:v12+s26+$0x0] =	vst.idx.add.s32.msk $0xffff, v6  }
0x239: {  	[tilespmem:v5+s26+$0x0] =	vst.idx.add.s32.msk $0xffff, v3  }
0x23a: {  	_ =	swait.ge [sflag:s28], $0x4000  }
0x23b: {  	[sflag:s28] =	ssyncset.done $0x0  }
0x23c: {  	s1 =	simm.s32 $0x0;
	[sflag:s28] =	ssyncadd.s32 $0xFFFFC000  }
0x23d: {  	s2 =	simm.s32 $0x0;
	s4 =	simm.s32 $0x0;
	_ =	swait.ge [sflag:s29], $0x4000  }
0x23e: {  	s2 =	sand.u32 $0x3000, s2;
	s3 =	sand.u32 $0xC00, s1;
	[sflag:s29] =	ssyncset.done $0x0  }
0x23f: {  	s5 =	sand.u32 $0x380, s4;
	s2 =	sor.u32 s3, s2;
	[sflag:s29] =	ssyncadd.s32 $0xFFFFC000  }
0x240: {  	[tilespmem:s1], [sflag:$0x1] =	stream.linear.gather [hbm4b:s15+s1], $0x4000, $0x38;
	[tilespmem:$0x18980] =	vst v63  }
0x241: {  	s2 =	sor.u32 s5, s2  }
0x242: {  	[tilespmem:s21], [sflag:$0x3] =	stream.linear.gather [hbm4b:s16+s1], $0x4000, $0x38;
	[tilespmem:$0x18980] =	vst v63  }
0x243: {  	v13 =	vld [tilespmem:s2+$0xC070]  }
0x244: {  	v5 =	vld [tilespmem:s2+$0xC000]  }
0x245: {  	v6 =	vld [tilespmem:s2+$0xC010]  }
0x246: {  	v7 =	vld [tilespmem:s2+$0xC020]  }
0x247: {  	v4 =	vld [tilespmem:s2+$0xC030]  }
0x248: {  	v3 =	vld [tilespmem:s2+$0xC040]  }
0x249: {  	v8 =	vld [tilespmem:s2+$0xC050]  }
0x24a: {  	v9 =	vcvt.s32.f32 v13;
	v10 =	vcvt.s32.f32 v5;
	v5 =	vshll.u32 v5, $0x10  }
0x24b: {  	v11 =	vld [tilespmem:s2+$0x4070];
	v12 =	vcvt.s32.f32 v6;
	v6 =	vshll.u32 v6, $0x10;
	v15 =	vcvt.s32.f32 v7  }
0x24c: {  	v16 =	vld [tilespmem:s2+$0x4000];
	v7 =	vshll.u32 v7, $0x10;
	v17 =	vcvt.s32.f32 v4;
	v14 =	vadd.f32 v9, v9  }
0x24d: {  	v18 =	vld [tilespmem:s2+$0x4010];
	v19 =	vcvt.s32.f32 v3;
	v10 =	vadd.f32 v10, v10;
	v12 =	vadd.f32 v12, v12  }
0x24e: {  	v21 =	vcvt.s32.f32 v8;
	v9 =	vld [tilespmem:s2+$0xC060];
	v15 =	vadd.f32 v15, v15;
	v14 =	vadd.f32 $-1.000000000e+00, v14  }
0x24f: {  	v20 =	vld [tilespmem:s2+$0x4020];
	v13 =	vshll.u32 v13, $0x10;
	v17 =	vadd.f32 v17, v17;
	v19 =	vadd.f32 v19, v19  }
0x250: {  	v22 =	vld [tilespmem:s2+$0x4040];
	v10 =	vadd.f32 $-1.000000000e+00, v10;
	v12 =	vadd.f32 $-1.000000000e+00, v12;
	v11 =	vmul.f32 v14, v11  }
0x251: {  	v59 =	vor.u32 $0x1, v13;
	v17 =	vadd.f32 $-1.000000000e+00, v17;
	v14 =	vadd.f32 $-1.000000000e+00, v15;
	v15 =	vld [tilespmem:s2+$0x4030]  }
0x252: {  	v10 =	vmul.f32 v10, v16;
	v12 =	vmul.f32 v12, v18;
	v24 =	vsub.f32 $1.000000000e+00, v11  }
0x253: {  	v16 =	vld [tilespmem:s2+$0x4050];
	v23 =	vcvt.s32.f32 v9;
	v11 =	vadd.f32 $-1.000000000e+00, v19;
	v19 =	vadd.f32 v21, v21  }
0x254: {  	v18 =	vld [tilespmem:s2+$0x4060];
	v25 =	vsub.f32 $1.000000000e+00, v10;
	v10 =	vmul.f32 v14, v20;
	v20 =	vsub.f32 $1.000000000e+00, v12  }
0x255: {  	v51 =	vadd.f32 v23, v23;
	v52 =	vmul.f32 $1.280000000e+02, v24;
	v11 =	vmul.f32 v11, v22  }
0x256: {  	v14 =	vadd.f32 $-1.000000000e+00, v19;
	vm1 =	vgt.f32 v20, $0.0e+00;
	v15 =	vmul.f32 v17, v15  }
0x257: {  	v17 =	vadd.f32 $-1.000000000e+00, v51;
	v19 =	vtrunc.f32 v52;
	v11 =	vsub.f32 $1.000000000e+00, v11  }
0x258: {  	v12 =	vcvt.f32.s32 v19;
	v19 =	vsub.f32 $1.000000000e+00, v10;
	v10 =	vmul.f32 v14, v16  }
0x259: {  	v15 =	vsub.f32 $1.000000000e+00, v15;
	v14 =	vmul.f32 v17, v18;
	v16 =	vmul.f32 $1.280000000e+02, v25  }
0x25a: {  	v18 =	vmul.f32 $1.280000000e+02, v20;
	v54 =	vmul.f32 $1.280000000e+02, v11;
	vm0 =	vgt.s32 v12, $0x0  }
0x25b: {  	v10 =	vsub.f32 $1.000000000e+00, v10;
	v53 =	vmul.f32 $1.280000000e+02, v15;
	v16 =	vtrunc.f32 v16  }
0x25c: {  	v18 =	vtrunc.f32 v18;
	vm2 =	vgt.f32 v19, $0.0e+00;
	vm3 =	vgt.f32 v15, $0.0e+00  }
0x25d: {  	v17 =	vnsel vm0, $0x0, v12;
	v12 =	vsub.f32 $1.000000000e+00, v14;
	v57 =	vtrunc.f32 v54  }
0x25e: {  	vm0 =	vgt.f32 v24, $0.0e+00;
	v13 =	vcvt.f32.s32 v16;
	v18 =	vcvt.f32.s32 v18  }
0x25f: {  	v14 =	vmin.u32 v17, $0x7FF;
	v17 =	vmul.f32 $1.280000000e+02, v19;
	v55 =	vmul.f32 $1.280000000e+02, v10  }
0x260: {  	v20 =	vtrunc.f32 v53;
	v19 =	vcvt.f32.s32 v57;
	v14 =	vadd.s32 v0, v14  }
0x261: {  	v56 =	vmul.f32 $1.280000000e+02, v12;
	vm4 =	vgt.s32 v13, $0x0;
	v15 =	vcvt.f32.s32 v20  }
0x262: {  	vm5 =	vgt.s32 v18, $0x0;
	v14 =	vsel vm0, v14, v2;
	vm0 =	vgt.f32 v25, $0.0e+00  }
0x263: {  	v17 =	vtrunc.f32 v17;
	v58 =	vtrunc.f32 v55;
	v61 =	vnsel vm4, $0x0, v13  }
0x264: {  	vm4 =	vgt.s32 v19, $0x0;
	v62 =	vnsel vm5, $0x0, v18;
	v16 =	vtrunc.f32 v56  }
0x265: {  	v17 =	vcvt.f32.s32 v17;
	v20 =	vcvt.f32.s32 v58;
	vm7 =	vgt.s32 v15, $0x0  }
0x266: {  	v18 =	vmin.u32 v61, $0x7FF;
	v60 =	vcvt.f32.s32 v16;
	v15 =	vnsel vm7, $0x0, v15  }
0x267: {  	v16 =	vnsel vm4, $0x0, v19;
	v19 =	vmin.u32 v62, $0x7FF;
	vm6 =	vgt.s32 v17, $0x0  }
0x268: {  	vm5 =	vgt.s32 v20, $0x0;
	v63 =	vnsel vm6, $0x0, v17;
	vm15 =	vgt.s32 v60, $0x0  }
0x269: {  	s30 =	simm.s32 $0x0;
	v17 =	vnsel vm5, $0x0, v20;
	v13 =	vnsel vm15, $0x0, v60;
	[tilespmem:v14+s26+$0x0] =	vst.idx.add.s32.msk $0xffff, v59;
	v14 =	vmin.u32 v63, $0x7FF  }
.LBB2_14:
0x26a: {  	s30 =	sadd.s32 $0x8, s30;
	v15 =	vmin.u32 v15, $0x7FF;
	v16 =	vmin.u32 v16, $0x7FF;
	v17 =	vmin.u32 v17, $0x7FF  }
0x26b: {  	v18 =	vadd.s32 v0, v18;
	v19 =	vadd.s32 v0, v19;
	v13 =	vmin.u32 v13, $0x7FF;
	s1 =	sadd.s32 $0x400, s1;
	s2 =	sshll.u32 s30, $0x4;
	p0 =	slt.u32 s30, $0x3F8  }
0x26c: {  	v14 =	vadd.s32 v0, v14;
	s3 =	sand.u32 $0xC00, s1;
	s4 =	sshll.u32 s30, $0x2;
	v15 =	vadd.s32 v0, v15;
	v16 =	vadd.s32 v0, v16;
	s2 =	sand.u32 $0x3000, s2  }
0x26d: {  	vm4 =	vgt.f32 v11, $0.0e+00;
	v11 =	vadd.s32 v0, v17;
	v17 =	vadd.s32 v0, v13;
	s2 =	sor.u32 s3, s2;
	s3 =	sand.u32 $0x380, s4  }
0x26e: {  	v20 =	vshll.u32 v4, $0x10;
	vm5 =	vgt.f32 v10, $0.0e+00;
	vm6 =	vgt.f32 v12, $0.0e+00;
	s2 =	sor.u32 s3, s2  }
0x26f: {  	v3 =	vshll.u32 v3, $0x10;
	v8 =	vshll.u32 v8, $0x10;
	v9 =	vshll.u32 v9, $0x10;
	v13 =	vld [tilespmem:s2+$0xC070]  }
0x270: {  	v12 =	vsel vm0, v18, v2;
	v18 =	vsel vm1, v19, v2;
	v14 =	vsel vm2, v14, v2;
	v10 =	vld [tilespmem:s2+$0xC000]  }
0x271: {  	v15 =	vsel vm3, v15, v2;
	v16 =	vsel vm4, v16, v2;
	v21 =	vsel vm5, v11, v2;
	v19 =	vld [tilespmem:s2+$0xC010]  }
0x272: {  	v22 =	vor.u32 $0x1, v5;
	v23 =	vor.u32 $0x1, v6;
	v17 =	vsel vm6, v17, v2;
	v11 =	vld [tilespmem:s2+$0xC020]  }
0x273: {  	v24 =	vor.u32 $0x1, v7;
	v20 =	vor.u32 $0x1, v20;
	v25 =	vor.u32 $0x1, v3;
	v4 =	vld [tilespmem:s2+$0xC030]  }
0x274: {  	v26 =	vor.u32 $0x1, v8;
	v27 =	vor.u32 $0x1, v9;
	v3 =	vld [tilespmem:s2+$0xC040];
	v7 =	vcvt.s32.f32 v13  }
0x275: {  	v9 =	vcvt.s32.f32 v10;
	v5 =	vshll.u32 v10, $0x10;
	v10 =	vld [tilespmem:s2+$0x4070]  }
0x276: {  	v28 =	vcvt.s32.f32 v19;
	v6 =	vshll.u32 v19, $0x10;
	v8 =	vld [tilespmem:s2+$0xC050];
	v19 =	vadd.f32 v7, v7  }
0x277: {  	v29 =	vadd.f32 v9, v9;
	v30 =	vcvt.s32.f32 v11;
	v7 =	vshll.u32 v11, $0x10;
	v9 =	vld [tilespmem:s2+$0xC060]  }
0x278: {  	v11 =	vld [tilespmem:s2+$0x4000];
	v28 =	vadd.f32 v28, v28;
	v31 =	vcvt.s32.f32 v4;
	v19 =	vadd.f32 $-1.000000000e+00, v19  }
0x279: {  	v29 =	vadd.f32 $-1.000000000e+00, v29;
	v32 =	vld [tilespmem:s2+$0x4010];
	v30 =	vadd.f32 v30, v30;
	v33 =	vcvt.s32.f32 v3  }
0x27a: {  	v28 =	vadd.f32 $-1.000000000e+00, v28;
	v34 =	vld [tilespmem:s2+$0x4020];
	v31 =	vadd.f32 v31, v31;
	v10 =	vmul.f32 v19, v10  }
0x27b: {  	v19 =	vadd.f32 $-1.000000000e+00, v30;
	v30 =	vld [tilespmem:s2+$0x4030];
	v33 =	vadd.f32 v33, v33;
	v35 =	vcvt.s32.f32 v8  }
0x27c: {  	v31 =	vadd.f32 $-1.000000000e+00, v31;
	v36 =	vld [tilespmem:s2+$0x4040];
	v37 =	vcvt.s32.f32 v9;
	v38 =	vsub.f32 $1.000000000e+00, v10  }
0x27d: {  	v10 =	vmul.f32 v29, v11;
	v11 =	vadd.f32 $-1.000000000e+00, v33;
	v29 =	vld [tilespmem:s2+$0x4050];
	v33 =	vadd.f32 v35, v35  }
0x27e: {  	v28 =	vmul.f32 v28, v32;
	v32 =	vld [tilespmem:s2+$0x4060];
	v35 =	vadd.f32 v37, v37;
	v37 =	vmul.f32 $1.280000000e+02, v38  }
0x27f: {  	v39 =	vsub.f32 $1.000000000e+00, v10;
	v10 =	vmul.f32 v19, v34;
	v19 =	vadd.f32 $-1.000000000e+00, v33;
	[tilespmem:v12+s26+$0x0] =	vst.idx.add.s32.msk $0xffff, v22  }
0x280: {  	v12 =	vmul.f32 v31, v30;
	v22 =	vadd.f32 $-1.000000000e+00, v35;
	v30 =	vtrunc.f32 v37;
	[tilespmem:v18+s26+$0x0] =	vst.idx.add.s32.msk $0xffff, v23  }
0x281: {  	v18 =	vsub.f32 $1.000000000e+00, v28;
	v11 =	vmul.f32 v11, v36;
	v23 =	vcvt.f32.s32 v30;
	[tilespmem:v14+s26+$0x0] =	vst.idx.add.s32.msk $0xffff, v24  }
0x282: {  	v14 =	vsub.f32 $1.000000000e+00, v10;
	v24 =	vsub.f32 $1.000000000e+00, v12;
	v10 =	vmul.f32 v19, v29;
	[tilespmem:v15+s26+$0x0] =	vst.idx.add.s32.msk $0xffff, v20  }
0x283: {  	v11 =	vsub.f32 $1.000000000e+00, v11;
	v12 =	vmul.f32 v22, v32;
	vm0 =	vgt.s32 v23, $0x0;
	[tilespmem:v16+s26+$0x0] =	vst.idx.add.s32.msk $0xffff, v25  }
0x284: {  	v15 =	vmul.f32 $1.280000000e+02, v39;
	v10 =	vsub.f32 $1.000000000e+00, v10;
	v16 =	vnsel vm0, $0x0, v23;
	[tilespmem:v21+s26+$0x0] =	vst.idx.add.s32.msk $0xffff, v26  }
0x285: {  	v19 =	vmul.f32 $1.280000000e+02, v18;
	v12 =	vsub.f32 $1.000000000e+00, v12;
	v16 =	vmin.u32 v16, $0x7FF;
	[tilespmem:v17+s26+$0x0] =	vst.idx.add.s32.msk $0xffff, v27  }
0x286: {  	vm0 =	vgt.f32 v38, $0.0e+00;
	v17 =	vmul.f32 $1.280000000e+02, v14;
	v16 =	vadd.s32 v0, v16  }
0x287: {  	v20 =	vmul.f32 $1.280000000e+02, v24;
	v21 =	vmul.f32 $1.280000000e+02, v11;
	v16 =	vsel vm0, v16, v2  }
0x288: {  	v22 =	vmul.f32 $1.280000000e+02, v10;
	vm0 =	vgt.f32 v39, $0.0e+00;
	v23 =	vmul.f32 $1.280000000e+02, v12  }
0x289: {  	vm1 =	vgt.f32 v18, $0.0e+00;
	v15 =	vtrunc.f32 v15;
	v19 =	vtrunc.f32 v19  }
0x28a: {  	v13 =	vshll.u32 v13, $0x10;
	v18 =	vtrunc.f32 v20;
	v17 =	vtrunc.f32 v17  }
0x28b: {  	v13 =	vor.u32 $0x1, v13;
	v20 =	vtrunc.f32 v21;
	v21 =	vtrunc.f32 v22  }
0x28c: {  	vm2 =	vgt.f32 v14, $0.0e+00;
	v15 =	vcvt.f32.s32 v15;
	v14 =	vtrunc.f32 v23;
	[tilespmem:v16+s26+$0x0] =	vst.idx.add.s32.msk $0xffff, v13  }
0x28d: {  	vm3 =	vgt.f32 v24, $0.0e+00;
	v13 =	vcvt.f32.s32 v19;
	v16 =	vcvt.f32.s32 v17  }
0x28e: {  	vm4 =	vgt.s32 v15, $0x0;
	v17 =	vcvt.f32.s32 v18;
	v18 =	vcvt.f32.s32 v20  }
0x28f: {  	v14 =	vcvt.f32.s32 v14;
	v19 =	vcvt.f32.s32 v21;
	vm5 =	vgt.s32 v13, $0x0  }
.Ltmp6:
0x290: {  	vm6 =	vgt.s32 v16, $0x0;
	vm7 =	vgt.s32 v17, $0x0;
	vm8 =	vgt.s32 v18, $0x0;
	(pc) =	sbr.rel @p0 .LBB2_14-.Ltmp6, $4  }
0x291: {  	v20 =	vnsel vm4, $0x0, v15;
	vm9 =	vgt.s32 v14, $0x0;
	vm4 =	vgt.s32 v19, $0x0  }
0x292: {  	v21 =	vnsel vm5, $0x0, v13;
	v22 =	vnsel vm6, $0x0, v16;
	v15 =	vnsel vm7, $0x0, v17  }
0x293: {  	v16 =	vnsel vm8, $0x0, v18;
	v17 =	vnsel vm4, $0x0, v19;
	v13 =	vnsel vm9, $0x0, v14  }
0x294: {  	v18 =	vmin.u32 v20, $0x7FF;
	v19 =	vmin.u32 v21, $0x7FF;
	v14 =	vmin.u32 v22, $0x7FF  }
0x295: {  	v15 =	vmin.u32 v15, $0x7FF  }
0x296: {  	v16 =	vmin.u32 v16, $0x7FF;
	v17 =	vmin.u32 v17, $0x7FF;
	v18 =	vadd.s32 v0, v18  }
0x297: {  	v19 =	vadd.s32 v0, v19;
	v13 =	vmin.u32 v13, $0x7FF;
	v18 =	vsel vm0, v18, v2  }
0x298: {  	v14 =	vadd.s32 v0, v14;
	v5 =	vor.u32 $0x1, v5;
	v19 =	vsel vm1, v19, v2  }
0x299: {  	v15 =	vadd.s32 v0, v15;
	vm0 =	vgt.f32 v11, $0.0e+00;
	v11 =	vsel vm2, v14, v2  }
0x29a: {  	v6 =	vor.u32 $0x1, v6;
	v16 =	vadd.s32 v0, v16;
	v15 =	vsel vm3, v15, v2  }
0x29b: {  	v14 =	vadd.s32 v0, v17;
	vm1 =	vgt.f32 v10, $0.0e+00;
	v10 =	vsel vm0, v16, v2  }
0x29c: {  	v13 =	vadd.s32 v0, v13;
	vm0 =	vgt.f32 v12, $0.0e+00;
	v12 =	vsel vm1, v14, v2;
	[tilespmem:v18+s26+$0x0] =	vst.idx.add.s32.msk $0xffff, v5  }
0x29d: {  	v4 =	vshll.u32 v4, $0x10;
	v7 =	vor.u32 $0x1, v7;
	v5 =	vsel vm0, v13, v2;
	[tilespmem:v19+s26+$0x0] =	vst.idx.add.s32.msk $0xffff, v6  }
0x29e: {  	v3 =	vshll.u32 v3, $0x10;
	v4 =	vor.u32 $0x1, v4;
	[tilespmem:v11+s26+$0x0] =	vst.idx.add.s32.msk $0xffff, v7  }
0x29f: {  	v3 =	vor.u32 $0x1, v3;
	v6 =	vshll.u32 v8, $0x10;
	[tilespmem:v15+s26+$0x0] =	vst.idx.add.s32.msk $0xffff, v4  }
0x2a0: {  	v4 =	vshll.u32 v9, $0x10;
	v6 =	vor.u32 $0x1, v6;
	[tilespmem:v10+s26+$0x0] =	vst.idx.add.s32.msk $0xffff, v3  }
0x2a1: {  	v3 =	vor.u32 $0x1, v4;
	[tilespmem:v12+s26+$0x0] =	vst.idx.add.s32.msk $0xffff, v6  }
0x2a2: {  	[tilespmem:v5+s26+$0x0] =	vst.idx.add.s32.msk $0xffff, v3  }
0x2a3: {  	_ =	swait.ge [sflag:s22], $0x4000  }
0x2a4: {  	[sflag:s22] =	ssyncset.done $0x0  }
0x2a5: {  	s1 =	simm.s32 $0x0;
	[sflag:s22] =	ssyncadd.s32 $0xFFFFC000  }
0x2a6: {  	s2 =	simm.s32 $0x0;
	s4 =	simm.s32 $0x0;
	_ =	swait.ge [sflag:s23], $0x4000  }
0x2a7: {  	s2 =	sand.u32 $0x3000, s2;
	s3 =	sand.u32 $0xC00, s1;
	[sflag:s23] =	ssyncset.done $0x0  }
0x2a8: {  	s5 =	sand.u32 $0x380, s4;
	s2 =	sor.u32 s3, s2;
	[sflag:s23] =	ssyncadd.s32 $0xFFFFC000  }
0x2a9: {  	[tilespmem:s24], [sflag:$0x2] =	stream.linear.gather [hbm4b:s17+s1], $0x4000, $0x38;
	[tilespmem:$0x18980] =	vst v63  }
0x2aa: {  	s2 =	sor.u32 s5, s2  }
0x2ab: {  	[tilespmem:s25], [sflag:$0x4] =	stream.linear.gather [hbm4b:s18+s1], $0x4000, $0x38;
	[tilespmem:$0x18980] =	vst v63  }
0x2ac: {  	v13 =	vld [tilespmem:s2+$0x8070]  }
0x2ad: {  	v5 =	vld [tilespmem:s2+$0x8000]  }
0x2ae: {  	v6 =	vld [tilespmem:s2+$0x8010]  }
0x2af: {  	v7 =	vld [tilespmem:s2+$0x8020]  }
0x2b0: {  	v4 =	vld [tilespmem:s2+$0x8030]  }
0x2b1: {  	v3 =	vld [tilespmem:s2+$0x8040]  }
0x2b2: {  	v8 =	vld [tilespmem:s2+$0x8050]  }
0x2b3: {  	v9 =	vcvt.s32.f32 v13;
	v10 =	vcvt.s32.f32 v5;
	v5 =	vshll.u32 v5, $0x10  }
0x2b4: {  	v11 =	vld [tilespmem:s2+$0x70];
	v12 =	vcvt.s32.f32 v6;
	v6 =	vshll.u32 v6, $0x10;
	v15 =	vcvt.s32.f32 v7  }
0x2b5: {  	v16 =	vld [tilespmem:s2+$0x0];
	v7 =	vshll.u32 v7, $0x10;
	v17 =	vcvt.s32.f32 v4;
	v14 =	vadd.f32 v9, v9  }
0x2b6: {  	v18 =	vld [tilespmem:s2+$0x10];
	v19 =	vcvt.s32.f32 v3;
	v10 =	vadd.f32 v10, v10;
	v12 =	vadd.f32 v12, v12  }
0x2b7: {  	v21 =	vcvt.s32.f32 v8;
	v9 =	vld [tilespmem:s2+$0x8060];
	v15 =	vadd.f32 v15, v15;
	v14 =	vadd.f32 $-1.000000000e+00, v14  }
0x2b8: {  	v20 =	vld [tilespmem:s2+$0x20];
	v13 =	vshll.u32 v13, $0x10;
	v17 =	vadd.f32 v17, v17;
	v19 =	vadd.f32 v19, v19  }
0x2b9: {  	v22 =	vld [tilespmem:s2+$0x40];
	v10 =	vadd.f32 $-1.000000000e+00, v10;
	v12 =	vadd.f32 $-1.000000000e+00, v12;
	v11 =	vmul.f32 v14, v11  }
0x2ba: {  	v59 =	vor.u32 $0x1, v13;
	v17 =	vadd.f32 $-1.000000000e+00, v17;
	v14 =	vadd.f32 $-1.000000000e+00, v15;
	v15 =	vld [tilespmem:s2+$0x30]  }
0x2bb: {  	v10 =	vmul.f32 v10, v16;
	v12 =	vmul.f32 v12, v18;
	v24 =	vsub.f32 $1.000000000e+00, v11  }
0x2bc: {  	v16 =	vld [tilespmem:s2+$0x50];
	v23 =	vcvt.s32.f32 v9;
	v11 =	vadd.f32 $-1.000000000e+00, v19;
	v19 =	vadd.f32 v21, v21  }
0x2bd: {  	v18 =	vld [tilespmem:s2+$0x60];
	v25 =	vsub.f32 $1.000000000e+00, v10;
	v10 =	vmul.f32 v14, v20;
	v20 =	vsub.f32 $1.000000000e+00, v12  }
0x2be: {  	v51 =	vadd.f32 v23, v23;
	v52 =	vmul.f32 $1.280000000e+02, v24;
	v11 =	vmul.f32 v11, v22  }
0x2bf: {  	v14 =	vadd.f32 $-1.000000000e+00, v19;
	vm1 =	vgt.f32 v20, $0.0e+00;
	v15 =	vmul.f32 v17, v15  }
0x2c0: {  	v17 =	vadd.f32 $-1.000000000e+00, v51;
	v19 =	vtrunc.f32 v52;
	v11 =	vsub.f32 $1.000000000e+00, v11  }
0x2c1: {  	v12 =	vcvt.f32.s32 v19;
	v19 =	vsub.f32 $1.000000000e+00, v10;
	v10 =	vmul.f32 v14, v16  }
0x2c2: {  	v15 =	vsub.f32 $1.000000000e+00, v15;
	v14 =	vmul.f32 v17, v18;
	v16 =	vmul.f32 $1.280000000e+02, v25  }
0x2c3: {  	v18 =	vmul.f32 $1.280000000e+02, v20;
	v54 =	vmul.f32 $1.280000000e+02, v11;
	vm0 =	vgt.s32 v12, $0x0  }
0x2c4: {  	v10 =	vsub.f32 $1.000000000e+00, v10;
	v53 =	vmul.f32 $1.280000000e+02, v15;
	v16 =	vtrunc.f32 v16  }
0x2c5: {  	v18 =	vtrunc.f32 v18;
	vm2 =	vgt.f32 v19, $0.0e+00;
	vm3 =	vgt.f32 v15, $0.0e+00  }
0x2c6: {  	v17 =	vnsel vm0, $0x0, v12;
	v12 =	vsub.f32 $1.000000000e+00, v14;
	v57 =	vtrunc.f32 v54  }
0x2c7: {  	vm0 =	vgt.f32 v24, $0.0e+00;
	v13 =	vcvt.f32.s32 v16;
	v18 =	vcvt.f32.s32 v18  }
0x2c8: {  	v14 =	vmin.u32 v17, $0x7FF;
	v17 =	vmul.f32 $1.280000000e+02, v19;
	v55 =	vmul.f32 $1.280000000e+02, v10  }
0x2c9: {  	v20 =	vtrunc.f32 v53;
	v19 =	vcvt.f32.s32 v57;
	v14 =	vadd.s32 v0, v14  }
0x2ca: {  	v56 =	vmul.f32 $1.280000000e+02, v12;
	vm4 =	vgt.s32 v13, $0x0;
	v15 =	vcvt.f32.s32 v20  }
0x2cb: {  	vm5 =	vgt.s32 v18, $0x0;
	v14 =	vsel vm0, v14, v2;
	vm0 =	vgt.f32 v25, $0.0e+00  }
0x2cc: {  	v17 =	vtrunc.f32 v17;
	v58 =	vtrunc.f32 v55;
	v61 =	vnsel vm4, $0x0, v13  }
0x2cd: {  	vm4 =	vgt.s32 v19, $0x0;
	v62 =	vnsel vm5, $0x0, v18;
	v16 =	vtrunc.f32 v56  }
0x2ce: {  	v17 =	vcvt.f32.s32 v17;
	v20 =	vcvt.f32.s32 v58;
	vm7 =	vgt.s32 v15, $0x0  }
0x2cf: {  	v18 =	vmin.u32 v61, $0x7FF;
	v60 =	vcvt.f32.s32 v16;
	v15 =	vnsel vm7, $0x0, v15  }
0x2d0: {  	v16 =	vnsel vm4, $0x0, v19;
	v19 =	vmin.u32 v62, $0x7FF;
	vm6 =	vgt.s32 v17, $0x0  }
0x2d1: {  	vm5 =	vgt.s32 v20, $0x0;
	v63 =	vnsel vm6, $0x0, v17;
	vm15 =	vgt.s32 v60, $0x0  }
0x2d2: {  	s30 =	simm.s32 $0x0;
	v17 =	vnsel vm5, $0x0, v20;
	v13 =	vnsel vm15, $0x0, v60;
	[tilespmem:v14+s26+$0x0] =	vst.idx.add.s32.msk $0xffff, v59;
	v14 =	vmin.u32 v63, $0x7FF  }
.LBB2_16:
0x2d3: {  	s30 =	sadd.s32 $0x8, s30;
	v15 =	vmin.u32 v15, $0x7FF;
	v16 =	vmin.u32 v16, $0x7FF;
	v17 =	vmin.u32 v17, $0x7FF  }
0x2d4: {  	v18 =	vadd.s32 v0, v18;
	v19 =	vadd.s32 v0, v19;
	v13 =	vmin.u32 v13, $0x7FF;
	s1 =	sadd.s32 $0x400, s1;
	s2 =	sshll.u32 s30, $0x4;
	p0 =	slt.u32 s30, $0x3F8  }
0x2d5: {  	v14 =	vadd.s32 v0, v14;
	s3 =	sand.u32 $0xC00, s1;
	s4 =	sshll.u32 s30, $0x2;
	v15 =	vadd.s32 v0, v15;
	v16 =	vadd.s32 v0, v16;
	s2 =	sand.u32 $0x3000, s2  }
0x2d6: {  	vm4 =	vgt.f32 v11, $0.0e+00;
	v11 =	vadd.s32 v0, v17;
	v17 =	vadd.s32 v0, v13;
	s2 =	sor.u32 s3, s2;
	s3 =	sand.u32 $0x380, s4  }
0x2d7: {  	v20 =	vshll.u32 v4, $0x10;
	vm5 =	vgt.f32 v10, $0.0e+00;
	vm6 =	vgt.f32 v12, $0.0e+00;
	s2 =	sor.u32 s3, s2  }
0x2d8: {  	v3 =	vshll.u32 v3, $0x10;
	v8 =	vshll.u32 v8, $0x10;
	v9 =	vshll.u32 v9, $0x10;
	v13 =	vld [tilespmem:s2+$0x8070]  }
0x2d9: {  	v12 =	vsel vm0, v18, v2;
	v18 =	vsel vm1, v19, v2;
	v14 =	vsel vm2, v14, v2;
	v10 =	vld [tilespmem:s2+$0x8000]  }
0x2da: {  	v15 =	vsel vm3, v15, v2;
	v16 =	vsel vm4, v16, v2;
	v21 =	vsel vm5, v11, v2;
	v19 =	vld [tilespmem:s2+$0x8010]  }
0x2db: {  	v22 =	vor.u32 $0x1, v5;
	v23 =	vor.u32 $0x1, v6;
	v17 =	vsel vm6, v17, v2;
	v11 =	vld [tilespmem:s2+$0x8020]  }
0x2dc: {  	v24 =	vor.u32 $0x1, v7;
	v20 =	vor.u32 $0x1, v20;
	v25 =	vor.u32 $0x1, v3;
	v4 =	vld [tilespmem:s2+$0x8030]  }
0x2dd: {  	v26 =	vor.u32 $0x1, v8;
	v27 =	vor.u32 $0x1, v9;
	v3 =	vld [tilespmem:s2+$0x8040];
	v7 =	vcvt.s32.f32 v13  }
0x2de: {  	v9 =	vcvt.s32.f32 v10;
	v5 =	vshll.u32 v10, $0x10;
	v10 =	vld [tilespmem:s2+$0x70]  }
0x2df: {  	v28 =	vcvt.s32.f32 v19;
	v6 =	vshll.u32 v19, $0x10;
	v8 =	vld [tilespmem:s2+$0x8050];
	v19 =	vadd.f32 v7, v7  }
0x2e0: {  	v29 =	vadd.f32 v9, v9;
	v30 =	vcvt.s32.f32 v11;
	v7 =	vshll.u32 v11, $0x10;
	v9 =	vld [tilespmem:s2+$0x8060]  }
0x2e1: {  	v11 =	vld [tilespmem:s2+$0x0];
	v28 =	vadd.f32 v28, v28;
	v31 =	vcvt.s32.f32 v4;
	v19 =	vadd.f32 $-1.000000000e+00, v19  }
0x2e2: {  	v29 =	vadd.f32 $-1.000000000e+00, v29;
	v32 =	vld [tilespmem:s2+$0x10];
	v30 =	vadd.f32 v30, v30;
	v33 =	vcvt.s32.f32 v3  }
0x2e3: {  	v28 =	vadd.f32 $-1.000000000e+00, v28;
	v34 =	vld [tilespmem:s2+$0x20];
	v31 =	vadd.f32 v31, v31;
	v10 =	vmul.f32 v19, v10  }
0x2e4: {  	v19 =	vadd.f32 $-1.000000000e+00, v30;
	v30 =	vld [tilespmem:s2+$0x30];
	v33 =	vadd.f32 v33, v33;
	v35 =	vcvt.s32.f32 v8  }
0x2e5: {  	v31 =	vadd.f32 $-1.000000000e+00, v31;
	v36 =	vld [tilespmem:s2+$0x40];
	v37 =	vcvt.s32.f32 v9;
	v38 =	vsub.f32 $1.000000000e+00, v10  }
0x2e6: {  	v10 =	vmul.f32 v29, v11;
	v11 =	vadd.f32 $-1.000000000e+00, v33;
	v29 =	vld [tilespmem:s2+$0x50];
	v33 =	vadd.f32 v35, v35  }
0x2e7: {  	v28 =	vmul.f32 v28, v32;
	v32 =	vld [tilespmem:s2+$0x60];
	v35 =	vadd.f32 v37, v37;
	v37 =	vmul.f32 $1.280000000e+02, v38  }
0x2e8: {  	v39 =	vsub.f32 $1.000000000e+00, v10;
	v10 =	vmul.f32 v19, v34;
	v19 =	vadd.f32 $-1.000000000e+00, v33;
	[tilespmem:v12+s26+$0x0] =	vst.idx.add.s32.msk $0xffff, v22  }
0x2e9: {  	v12 =	vmul.f32 v31, v30;
	v22 =	vadd.f32 $-1.000000000e+00, v35;
	v30 =	vtrunc.f32 v37;
	[tilespmem:v18+s26+$0x0] =	vst.idx.add.s32.msk $0xffff, v23  }
0x2ea: {  	v18 =	vsub.f32 $1.000000000e+00, v28;
	v11 =	vmul.f32 v11, v36;
	v23 =	vcvt.f32.s32 v30;
	[tilespmem:v14+s26+$0x0] =	vst.idx.add.s32.msk $0xffff, v24  }
0x2eb: {  	v14 =	vsub.f32 $1.000000000e+00, v10;
	v24 =	vsub.f32 $1.000000000e+00, v12;
	v10 =	vmul.f32 v19, v29;
	[tilespmem:v15+s26+$0x0] =	vst.idx.add.s32.msk $0xffff, v20  }
0x2ec: {  	v11 =	vsub.f32 $1.000000000e+00, v11;
	v12 =	vmul.f32 v22, v32;
	vm0 =	vgt.s32 v23, $0x0;
	[tilespmem:v16+s26+$0x0] =	vst.idx.add.s32.msk $0xffff, v25  }
0x2ed: {  	v15 =	vmul.f32 $1.280000000e+02, v39;
	v10 =	vsub.f32 $1.000000000e+00, v10;
	v16 =	vnsel vm0, $0x0, v23;
	[tilespmem:v21+s26+$0x0] =	vst.idx.add.s32.msk $0xffff, v26  }
0x2ee: {  	v19 =	vmul.f32 $1.280000000e+02, v18;
	v12 =	vsub.f32 $1.000000000e+00, v12;
	v16 =	vmin.u32 v16, $0x7FF;
	[tilespmem:v17+s26+$0x0] =	vst.idx.add.s32.msk $0xffff, v27  }
0x2ef: {  	vm0 =	vgt.f32 v38, $0.0e+00;
	v17 =	vmul.f32 $1.280000000e+02, v14;
	v16 =	vadd.s32 v0, v16  }
0x2f0: {  	v20 =	vmul.f32 $1.280000000e+02, v24;
	v21 =	vmul.f32 $1.280000000e+02, v11;
	v16 =	vsel vm0, v16, v2  }
0x2f1: {  	v22 =	vmul.f32 $1.280000000e+02, v10;
	vm0 =	vgt.f32 v39, $0.0e+00;
	v23 =	vmul.f32 $1.280000000e+02, v12  }
0x2f2: {  	vm1 =	vgt.f32 v18, $0.0e+00;
	v15 =	vtrunc.f32 v15;
	v19 =	vtrunc.f32 v19  }
0x2f3: {  	v13 =	vshll.u32 v13, $0x10;
	v18 =	vtrunc.f32 v20;
	v17 =	vtrunc.f32 v17  }
0x2f4: {  	v13 =	vor.u32 $0x1, v13;
	v20 =	vtrunc.f32 v21;
	v21 =	vtrunc.f32 v22  }
0x2f5: {  	vm2 =	vgt.f32 v14, $0.0e+00;
	v15 =	vcvt.f32.s32 v15;
	v14 =	vtrunc.f32 v23;
	[tilespmem:v16+s26+$0x0] =	vst.idx.add.s32.msk $0xffff, v13  }
0x2f6: {  	vm3 =	vgt.f32 v24, $0.0e+00;
	v13 =	vcvt.f32.s32 v19;
	v16 =	vcvt.f32.s32 v17  }
0x2f7: {  	vm4 =	vgt.s32 v15, $0x0;
	v17 =	vcvt.f32.s32 v18;
	v18 =	vcvt.f32.s32 v20  }
0x2f8: {  	v14 =	vcvt.f32.s32 v14;
	v19 =	vcvt.f32.s32 v21;
	vm5 =	vgt.s32 v13, $0x0  }
.Ltmp7:
0x2f9: {  	vm6 =	vgt.s32 v16, $0x0;
	vm7 =	vgt.s32 v17, $0x0;
	vm8 =	vgt.s32 v18, $0x0;
	(pc) =	sbr.rel @p0 .LBB2_16-.Ltmp7, $4  }
0x2fa: {  	v20 =	vnsel vm4, $0x0, v15;
	vm9 =	vgt.s32 v14, $0x0;
	vm4 =	vgt.s32 v19, $0x0  }
0x2fb: {  	v21 =	vnsel vm5, $0x0, v13;
	v22 =	vnsel vm6, $0x0, v16;
	v15 =	vnsel vm7, $0x0, v17  }
0x2fc: {  	v16 =	vnsel vm8, $0x0, v18;
	v17 =	vnsel vm4, $0x0, v19;
	v13 =	vnsel vm9, $0x0, v14  }
0x2fd: {  	v18 =	vmin.u32 v20, $0x7FF;
	v19 =	vmin.u32 v21, $0x7FF;
	v14 =	vmin.u32 v22, $0x7FF  }
0x2fe: {  	v15 =	vmin.u32 v15, $0x7FF  }
0x2ff: {  	v16 =	vmin.u32 v16, $0x7FF;
	v17 =	vmin.u32 v17, $0x7FF;
	v18 =	vadd.s32 v0, v18  }
0x300: {  	v19 =	vadd.s32 v0, v19;
	v13 =	vmin.u32 v13, $0x7FF;
	v18 =	vsel vm0, v18, v2  }
0x301: {  	v14 =	vadd.s32 v0, v14;
	v5 =	vor.u32 $0x1, v5;
	v19 =	vsel vm1, v19, v2  }
0x302: {  	v15 =	vadd.s32 v0, v15;
	vm0 =	vgt.f32 v11, $0.0e+00;
	v11 =	vsel vm2, v14, v2  }
0x303: {  	v6 =	vor.u32 $0x1, v6;
	v16 =	vadd.s32 v0, v16;
	v15 =	vsel vm3, v15, v2  }
0x304: {  	v14 =	vadd.s32 v0, v17;
	vm1 =	vgt.f32 v10, $0.0e+00;
	v10 =	vsel vm0, v16, v2  }
0x305: {  	v13 =	vadd.s32 v0, v13;
	vm0 =	vgt.f32 v12, $0.0e+00;
	v12 =	vsel vm1, v14, v2;
	[tilespmem:v18+s26+$0x0] =	vst.idx.add.s32.msk $0xffff, v5  }
0x306: {  	v4 =	vshll.u32 v4, $0x10;
	v7 =	vor.u32 $0x1, v7;
	v5 =	vsel vm0, v13, v2;
	[tilespmem:v19+s26+$0x0] =	vst.idx.add.s32.msk $0xffff, v6  }
0x307: {  	v3 =	vshll.u32 v3, $0x10;
	v4 =	vor.u32 $0x1, v4;
	[tilespmem:v11+s26+$0x0] =	vst.idx.add.s32.msk $0xffff, v7  }
0x308: {  	v3 =	vor.u32 $0x1, v3;
	v6 =	vshll.u32 v8, $0x10;
	[tilespmem:v15+s26+$0x0] =	vst.idx.add.s32.msk $0xffff, v4  }
0x309: {  	v4 =	vshll.u32 v9, $0x10;
	v6 =	vor.u32 $0x1, v6;
	[tilespmem:v10+s26+$0x0] =	vst.idx.add.s32.msk $0xffff, v3  }
0x30a: {  	v3 =	vor.u32 $0x1, v4;
	[tilespmem:v12+s26+$0x0] =	vst.idx.add.s32.msk $0xffff, v6  }
0x30b: {  	[tilespmem:v5+s26+$0x0] =	vst.idx.add.s32.msk $0xffff, v3  }
0x30c: {  	_ =	swait.ge [sflag:s28], $0x4000  }
0x30d: {  	s1 =	simm.s32 $0x0;
	[sflag:s28] =	ssyncset.done $0x0  }
0x30e: {  	s2 =	simm.s32 $0x0;
	s4 =	simm.s32 $0x0;
	[sflag:s28] =	ssyncadd.s32 $0xFFFFC000  }
0x30f: {  	s2 =	sand.u32 $0x3000, s2;
	s3 =	sand.u32 $0xC00, s1;
	_ =	swait.ge [sflag:s29], $0x4000  }
0x310: {  	s5 =	sand.u32 $0x380, s4;
	s2 =	sor.u32 s3, s2;
	[sflag:s29] =	ssyncset.done $0x0  }
0x311: {  	s2 =	sor.u32 s5, s2;
	[sflag:s29] =	ssyncadd.s32 $0xFFFFC000  }
0x312: {  	v13 =	vld [tilespmem:s2+$0xC070]  }
0x313: {  	v5 =	vld [tilespmem:s2+$0xC000]  }
0x314: {  	v6 =	vld [tilespmem:s2+$0xC010]  }
0x315: {  	v7 =	vld [tilespmem:s2+$0xC020]  }
0x316: {  	v4 =	vld [tilespmem:s2+$0xC030]  }
0x317: {  	v3 =	vld [tilespmem:s2+$0xC040]  }
0x318: {  	v8 =	vld [tilespmem:s2+$0xC050]  }
0x319: {  	v9 =	vcvt.s32.f32 v13;
	v10 =	vcvt.s32.f32 v5;
	v5 =	vshll.u32 v5, $0x10  }
0x31a: {  	v11 =	vld [tilespmem:s2+$0x4070];
	v12 =	vcvt.s32.f32 v6;
	v6 =	vshll.u32 v6, $0x10;
	v15 =	vcvt.s32.f32 v7  }
0x31b: {  	v16 =	vld [tilespmem:s2+$0x4000];
	v7 =	vshll.u32 v7, $0x10;
	v17 =	vcvt.s32.f32 v4;
	v14 =	vadd.f32 v9, v9  }
0x31c: {  	v18 =	vld [tilespmem:s2+$0x4010];
	v19 =	vcvt.s32.f32 v3;
	v10 =	vadd.f32 v10, v10;
	v12 =	vadd.f32 v12, v12  }
0x31d: {  	v21 =	vcvt.s32.f32 v8;
	v9 =	vld [tilespmem:s2+$0xC060];
	v15 =	vadd.f32 v15, v15;
	v14 =	vadd.f32 $-1.000000000e+00, v14  }
0x31e: {  	v20 =	vld [tilespmem:s2+$0x4020];
	v13 =	vshll.u32 v13, $0x10;
	v17 =	vadd.f32 v17, v17;
	v19 =	vadd.f32 v19, v19  }
0x31f: {  	v22 =	vld [tilespmem:s2+$0x4040];
	v10 =	vadd.f32 $-1.000000000e+00, v10;
	v12 =	vadd.f32 $-1.000000000e+00, v12;
	v11 =	vmul.f32 v14, v11  }
0x320: {  	v59 =	vor.u32 $0x1, v13;
	v17 =	vadd.f32 $-1.000000000e+00, v17;
	v14 =	vadd.f32 $-1.000000000e+00, v15;
	v15 =	vld [tilespmem:s2+$0x4030]  }
0x321: {  	v10 =	vmul.f32 v10, v16;
	v12 =	vmul.f32 v12, v18;
	v24 =	vsub.f32 $1.000000000e+00, v11  }
0x322: {  	v16 =	vld [tilespmem:s2+$0x4050];
	v23 =	vcvt.s32.f32 v9;
	v11 =	vadd.f32 $-1.000000000e+00, v19;
	v19 =	vadd.f32 v21, v21  }
0x323: {  	v18 =	vld [tilespmem:s2+$0x4060];
	v25 =	vsub.f32 $1.000000000e+00, v10;
	v10 =	vmul.f32 v14, v20;
	v20 =	vsub.f32 $1.000000000e+00, v12  }
0x324: {  	v51 =	vadd.f32 v23, v23;
	v52 =	vmul.f32 $1.280000000e+02, v24;
	v11 =	vmul.f32 v11, v22  }
0x325: {  	v14 =	vadd.f32 $-1.000000000e+00, v19;
	vm1 =	vgt.f32 v20, $0.0e+00;
	v15 =	vmul.f32 v17, v15  }
0x326: {  	v17 =	vadd.f32 $-1.000000000e+00, v51;
	v19 =	vtrunc.f32 v52;
	v11 =	vsub.f32 $1.000000000e+00, v11  }
0x327: {  	v12 =	vcvt.f32.s32 v19;
	v19 =	vsub.f32 $1.000000000e+00, v10;
	v10 =	vmul.f32 v14, v16  }
0x328: {  	v15 =	vsub.f32 $1.000000000e+00, v15;
	v14 =	vmul.f32 v17, v18;
	v16 =	vmul.f32 $1.280000000e+02, v25  }
0x329: {  	v18 =	vmul.f32 $1.280000000e+02, v20;
	v54 =	vmul.f32 $1.280000000e+02, v11;
	vm0 =	vgt.s32 v12, $0x0  }
0x32a: {  	v10 =	vsub.f32 $1.000000000e+00, v10;
	v53 =	vmul.f32 $1.280000000e+02, v15;
	v16 =	vtrunc.f32 v16  }
0x32b: {  	v18 =	vtrunc.f32 v18;
	vm2 =	vgt.f32 v19, $0.0e+00;
	vm3 =	vgt.f32 v15, $0.0e+00  }
0x32c: {  	v17 =	vnsel vm0, $0x0, v12;
	v12 =	vsub.f32 $1.000000000e+00, v14;
	v57 =	vtrunc.f32 v54  }
0x32d: {  	vm0 =	vgt.f32 v24, $0.0e+00;
	v13 =	vcvt.f32.s32 v16;
	v18 =	vcvt.f32.s32 v18  }
0x32e: {  	v14 =	vmin.u32 v17, $0x7FF;
	v17 =	vmul.f32 $1.280000000e+02, v19;
	v55 =	vmul.f32 $1.280000000e+02, v10  }
0x32f: {  	v20 =	vtrunc.f32 v53;
	v19 =	vcvt.f32.s32 v57;
	v14 =	vadd.s32 v0, v14  }
0x330: {  	v56 =	vmul.f32 $1.280000000e+02, v12;
	vm4 =	vgt.s32 v13, $0x0;
	v15 =	vcvt.f32.s32 v20  }
0x331: {  	vm5 =	vgt.s32 v18, $0x0;
	v14 =	vsel vm0, v14, v2;
	vm0 =	vgt.f32 v25, $0.0e+00  }
0x332: {  	v17 =	vtrunc.f32 v17;
	v58 =	vtrunc.f32 v55;
	v61 =	vnsel vm4, $0x0, v13  }
0x333: {  	vm4 =	vgt.s32 v19, $0x0;
	v62 =	vnsel vm5, $0x0, v18;
	v16 =	vtrunc.f32 v56  }
0x334: {  	v17 =	vcvt.f32.s32 v17;
	v20 =	vcvt.f32.s32 v58;
	vm7 =	vgt.s32 v15, $0x0  }
0x335: {  	v18 =	vmin.u32 v61, $0x7FF;
	v60 =	vcvt.f32.s32 v16;
	v15 =	vnsel vm7, $0x0, v15  }
0x336: {  	v16 =	vnsel vm4, $0x0, v19;
	v19 =	vmin.u32 v62, $0x7FF;
	vm6 =	vgt.s32 v17, $0x0  }
0x337: {  	vm5 =	vgt.s32 v20, $0x0;
	v63 =	vnsel vm6, $0x0, v17;
	vm15 =	vgt.s32 v60, $0x0  }
0x338: {  	s30 =	simm.s32 $0x0;
	s2 =	simm.s32 $0x0;
	v17 =	vnsel vm5, $0x0, v20;
	v13 =	vnsel vm15, $0x0, v60;
	[tilespmem:v14+s26+$0x0] =	vst.idx.add.s32.msk $0xffff, v59;
	v14 =	vmin.u32 v63, $0x7FF  }
.LBB2_18:
0x339: {  	s30 =	sadd.s32 $0x8, s30;
	v15 =	vmin.u32 v15, $0x7FF;
	v16 =	vmin.u32 v16, $0x7FF;
	v17 =	vmin.u32 v17, $0x7FF  }
0x33a: {  	v18 =	vadd.s32 v0, v18;
	v19 =	vadd.s32 v0, v19;
	v13 =	vmin.u32 v13, $0x7FF;
	s2 =	sadd.s32 $0x400, s2;
	s3 =	sshll.u32 s30, $0x4;
	p0 =	slt.u32 s30, $0x3F8  }
0x33b: {  	v14 =	vadd.s32 v0, v14;
	s4 =	sand.u32 $0xC00, s2;
	s5 =	sshll.u32 s30, $0x2;
	v15 =	vadd.s32 v0, v15;
	v16 =	vadd.s32 v0, v16;
	s3 =	sand.u32 $0x3000, s3  }
0x33c: {  	vm4 =	vgt.f32 v11, $0.0e+00;
	v11 =	vadd.s32 v0, v17;
	v17 =	vadd.s32 v0, v13;
	s3 =	sor.u32 s4, s3;
	s4 =	sand.u32 $0x380, s5  }
0x33d: {  	v20 =	vshll.u32 v4, $0x10;
	vm5 =	vgt.f32 v10, $0.0e+00;
	vm6 =	vgt.f32 v12, $0.0e+00;
	s3 =	sor.u32 s4, s3  }
0x33e: {  	v3 =	vshll.u32 v3, $0x10;
	v8 =	vshll.u32 v8, $0x10;
	v9 =	vshll.u32 v9, $0x10;
	v13 =	vld [tilespmem:s3+$0xC070]  }
0x33f: {  	v12 =	vsel vm0, v18, v2;
	v18 =	vsel vm1, v19, v2;
	v14 =	vsel vm2, v14, v2;
	v10 =	vld [tilespmem:s3+$0xC000]  }
0x340: {  	v15 =	vsel vm3, v15, v2;
	v16 =	vsel vm4, v16, v2;
	v21 =	vsel vm5, v11, v2;
	v19 =	vld [tilespmem:s3+$0xC010]  }
0x341: {  	v22 =	vor.u32 $0x1, v5;
	v23 =	vor.u32 $0x1, v6;
	v17 =	vsel vm6, v17, v2;
	v11 =	vld [tilespmem:s3+$0xC020]  }
0x342: {  	v24 =	vor.u32 $0x1, v7;
	v20 =	vor.u32 $0x1, v20;
	v25 =	vor.u32 $0x1, v3;
	v4 =	vld [tilespmem:s3+$0xC030]  }
0x343: {  	v26 =	vor.u32 $0x1, v8;
	v27 =	vor.u32 $0x1, v9;
	v3 =	vld [tilespmem:s3+$0xC040];
	v7 =	vcvt.s32.f32 v13  }
0x344: {  	v9 =	vcvt.s32.f32 v10;
	v5 =	vshll.u32 v10, $0x10;
	v10 =	vld [tilespmem:s3+$0x4070]  }
0x345: {  	v28 =	vcvt.s32.f32 v19;
	v6 =	vshll.u32 v19, $0x10;
	v8 =	vld [tilespmem:s3+$0xC050];
	v19 =	vadd.f32 v7, v7  }
0x346: {  	v29 =	vadd.f32 v9, v9;
	v30 =	vcvt.s32.f32 v11;
	v7 =	vshll.u32 v11, $0x10;
	v9 =	vld [tilespmem:s3+$0xC060]  }
0x347: {  	v11 =	vld [tilespmem:s3+$0x4000];
	v28 =	vadd.f32 v28, v28;
	v31 =	vcvt.s32.f32 v4;
	v19 =	vadd.f32 $-1.000000000e+00, v19  }
0x348: {  	v29 =	vadd.f32 $-1.000000000e+00, v29;
	v32 =	vld [tilespmem:s3+$0x4010];
	v30 =	vadd.f32 v30, v30;
	v33 =	vcvt.s32.f32 v3  }
0x349: {  	v28 =	vadd.f32 $-1.000000000e+00, v28;
	v34 =	vld [tilespmem:s3+$0x4020];
	v31 =	vadd.f32 v31, v31;
	v10 =	vmul.f32 v19, v10  }
0x34a: {  	v19 =	vadd.f32 $-1.000000000e+00, v30;
	v30 =	vld [tilespmem:s3+$0x4030];
	v33 =	vadd.f32 v33, v33;
	v35 =	vcvt.s32.f32 v8  }
0x34b: {  	v31 =	vadd.f32 $-1.000000000e+00, v31;
	v36 =	vld [tilespmem:s3+$0x4040];
	v37 =	vcvt.s32.f32 v9;
	v38 =	vsub.f32 $1.000000000e+00, v10  }
0x34c: {  	v10 =	vmul.f32 v29, v11;
	v11 =	vadd.f32 $-1.000000000e+00, v33;
	v29 =	vld [tilespmem:s3+$0x4050];
	v33 =	vadd.f32 v35, v35  }
0x34d: {  	v28 =	vmul.f32 v28, v32;
	v32 =	vld [tilespmem:s3+$0x4060];
	v35 =	vadd.f32 v37, v37;
	v37 =	vmul.f32 $1.280000000e+02, v38  }
0x34e: {  	v39 =	vsub.f32 $1.000000000e+00, v10;
	v10 =	vmul.f32 v19, v34;
	v19 =	vadd.f32 $-1.000000000e+00, v33;
	[tilespmem:v12+s26+$0x0] =	vst.idx.add.s32.msk $0xffff, v22  }
0x34f: {  	v12 =	vmul.f32 v31, v30;
	v22 =	vadd.f32 $-1.000000000e+00, v35;
	v30 =	vtrunc.f32 v37;
	[tilespmem:v18+s26+$0x0] =	vst.idx.add.s32.msk $0xffff, v23  }
0x350: {  	v18 =	vsub.f32 $1.000000000e+00, v28;
	v11 =	vmul.f32 v11, v36;
	v23 =	vcvt.f32.s32 v30;
	[tilespmem:v14+s26+$0x0] =	vst.idx.add.s32.msk $0xffff, v24  }
0x351: {  	v14 =	vsub.f32 $1.000000000e+00, v10;
	v24 =	vsub.f32 $1.000000000e+00, v12;
	v10 =	vmul.f32 v19, v29;
	[tilespmem:v15+s26+$0x0] =	vst.idx.add.s32.msk $0xffff, v20  }
0x352: {  	v11 =	vsub.f32 $1.000000000e+00, v11;
	v12 =	vmul.f32 v22, v32;
	vm0 =	vgt.s32 v23, $0x0;
	[tilespmem:v16+s26+$0x0] =	vst.idx.add.s32.msk $0xffff, v25  }
0x353: {  	v15 =	vmul.f32 $1.280000000e+02, v39;
	v10 =	vsub.f32 $1.000000000e+00, v10;
	v16 =	vnsel vm0, $0x0, v23;
	[tilespmem:v21+s26+$0x0] =	vst.idx.add.s32.msk $0xffff, v26  }
0x354: {  	v19 =	vmul.f32 $1.280000000e+02, v18;
	v12 =	vsub.f32 $1.000000000e+00, v12;
	v16 =	vmin.u32 v16, $0x7FF;
	[tilespmem:v17+s26+$0x0] =	vst.idx.add.s32.msk $0xffff, v27  }
0x355: {  	vm0 =	vgt.f32 v38, $0.0e+00;
	v17 =	vmul.f32 $1.280000000e+02, v14;
	v16 =	vadd.s32 v0, v16  }
0x356: {  	v20 =	vmul.f32 $1.280000000e+02, v24;
	v21 =	vmul.f32 $1.280000000e+02, v11;
	v16 =	vsel vm0, v16, v2  }
0x357: {  	v22 =	vmul.f32 $1.280000000e+02, v10;
	vm0 =	vgt.f32 v39, $0.0e+00;
	v23 =	vmul.f32 $1.280000000e+02, v12  }
0x358: {  	vm1 =	vgt.f32 v18, $0.0e+00;
	v15 =	vtrunc.f32 v15;
	v19 =	vtrunc.f32 v19  }
0x359: {  	v13 =	vshll.u32 v13, $0x10;
	v18 =	vtrunc.f32 v20;
	v17 =	vtrunc.f32 v17  }
0x35a: {  	v13 =	vor.u32 $0x1, v13;
	v20 =	vtrunc.f32 v21;
	v21 =	vtrunc.f32 v22  }
0x35b: {  	vm2 =	vgt.f32 v14, $0.0e+00;
	v15 =	vcvt.f32.s32 v15;
	v14 =	vtrunc.f32 v23;
	[tilespmem:v16+s26+$0x0] =	vst.idx.add.s32.msk $0xffff, v13  }
0x35c: {  	vm3 =	vgt.f32 v24, $0.0e+00;
	v13 =	vcvt.f32.s32 v19;
	v16 =	vcvt.f32.s32 v17  }
0x35d: {  	vm4 =	vgt.s32 v15, $0x0;
	v17 =	vcvt.f32.s32 v18;
	v18 =	vcvt.f32.s32 v20  }
0x35e: {  	v14 =	vcvt.f32.s32 v14;
	v19 =	vcvt.f32.s32 v21;
	vm5 =	vgt.s32 v13, $0x0  }
.Ltmp8:
0x35f: {  	vm6 =	vgt.s32 v16, $0x0;
	vm7 =	vgt.s32 v17, $0x0;
	vm8 =	vgt.s32 v18, $0x0;
	(pc) =	sbr.rel @p0 .LBB2_18-.Ltmp8, $4  }
0x360: {  	v20 =	vnsel vm4, $0x0, v15;
	vm9 =	vgt.s32 v14, $0x0;
	vm4 =	vgt.s32 v19, $0x0  }
0x361: {  	v21 =	vnsel vm5, $0x0, v13;
	v22 =	vnsel vm6, $0x0, v16;
	v15 =	vnsel vm7, $0x0, v17  }
0x362: {  	v16 =	vnsel vm8, $0x0, v18;
	v17 =	vnsel vm4, $0x0, v19;
	v13 =	vnsel vm9, $0x0, v14  }
0x363: {  	v18 =	vmin.u32 v20, $0x7FF;
	v19 =	vmin.u32 v21, $0x7FF;
	v14 =	vmin.u32 v22, $0x7FF  }
0x364: {  	v15 =	vmin.u32 v15, $0x7FF  }
0x365: {  	v16 =	vmin.u32 v16, $0x7FF;
	v17 =	vmin.u32 v17, $0x7FF;
	v18 =	vadd.s32 v0, v18  }
0x366: {  	v19 =	vadd.s32 v0, v19;
	v13 =	vmin.u32 v13, $0x7FF;
	v18 =	vsel vm0, v18, v2  }
0x367: {  	v14 =	vadd.s32 v0, v14;
	vm13 =	vgt.f32 v11, $0.0e+00;
	v19 =	vsel vm1, v19, v2  }
0x368: {  	vm14 =	vgt.f32 v10, $0.0e+00;
	v15 =	vadd.s32 v0, v15;
	v11 =	vsel vm2, v14, v2  }
0x369: {  	v5 =	vor.u32 $0x1, v5;
	v16 =	vadd.s32 v0, v16;
	v15 =	vsel vm3, v15, v2  }
0x36a: {  	vm15 =	vgt.f32 v12, $0.0e+00;
	v58 =	vadd.s32 v0, v17;
	v10 =	vsel vm13, v16, v2  }
0x36b: {  	v6 =	vor.u32 $0x1, v6;
	v13 =	vadd.s32 v0, v13;
	v59 =	vsel vm14, v58, v2;
	[tilespmem:v18+s26+$0x0] =	vst.idx.add.s32.msk $0xffff, v5  }
0x36c: {  	v4 =	vshll.u32 v4, $0x10;
	v7 =	vor.u32 $0x1, v7;
	v5 =	vsel vm15, v13, v2;
	[tilespmem:v19+s26+$0x0] =	vst.idx.add.s32.msk $0xffff, v6  }
0x36d: {  	v3 =	vshll.u32 v3, $0x10;
	v4 =	vor.u32 $0x1, v4;
	[tilespmem:v11+s26+$0x0] =	vst.idx.add.s32.msk $0xffff, v7  }
0x36e: {  	v3 =	vor.u32 $0x1, v3;
	v6 =	vshll.u32 v8, $0x10;
	[tilespmem:v15+s26+$0x0] =	vst.idx.add.s32.msk $0xffff, v4  }
0x36f: {  	v4 =	vshll.u32 v9, $0x10;
	v6 =	vor.u32 $0x1, v6;
	[tilespmem:v10+s26+$0x0] =	vst.idx.add.s32.msk $0xffff, v3  }
0x370: {  	v3 =	vor.u32 $0x1, v4;
	[tilespmem:v59+s26+$0x0] =	vst.idx.add.s32.msk $0xffff, v6  }
0x371: {  	s2 =	simm.s32 $0x0;
	[tilespmem:v5+s26+$0x0] =	vst.idx.add.s32.msk $0xffff, v3  }
0x372: {  	v3 =	vld [tilespmem:s2+$0x10010]  }
0x373: {  	v4 =	vld [tilespmem:s2+$0x10820]  }
0x374: {  	v5 =	vld [tilespmem:s2+$0x11030]  }
0x375: {  	v6 =	vld [tilespmem:s2+$0x11840]  }
0x376: {  	v7 =	vld [tilespmem:s2+$0x12050]  }
0x377: {  	v8 =	vld [tilespmem:s2+$0x12860]  }
0x378: {  	s3 =	sand.u32 $0x7E0, s1;
	v9 =	vld [tilespmem:s2+$0x13070]  }
0x379: {  	v10 =	vld [tilespmem:s3+$0x13880]  }
0x37a: {  	v11 =	vld [tilespmem:s2+$0x14090]  }
0x37b: {  	v12 =	vld [tilespmem:s2+$0x148A0]  }
0x37c: {  	v60 =	vld [tilespmem:s2+$0x150B0]  }
0x37d: {  	v61 =	vld [tilespmem:s2+$0x158C0]  }
0x37e: {  	v15 =	vld [tilespmem:s2+$0x160D0]  }
0x37f: {  	v62 =	vld [tilespmem:s2+$0x168E0]  }
0x380: {  	v63 =	vld [tilespmem:s2+$0x170F0]  }
0x381: {  	v18 =	vld [tilespmem:s3+$0x17900];
	v3 =	vadd.s32 v3, v4  }
0x382: {  	v4 =	vld [tilespmem:s2+$0x10000];
	v3 =	vadd.s32 v5, v3  }
0x383: {  	v5 =	vld [tilespmem:s2+$0x10810];
	v3 =	vadd.s32 v6, v3  }
0x384: {  	v6 =	vld [tilespmem:s2+$0x11020];
	v3 =	vadd.s32 v7, v3  }
0x385: {  	v7 =	vld [tilespmem:s2+$0x11830];
	v3 =	vadd.s32 v8, v3  }
0x386: {  	v8 =	vld [tilespmem:s2+$0x12040];
	v3 =	vadd.s32 v9, v3  }
0x387: {  	v9 =	vld [tilespmem:s2+$0x12850];
	v3 =	vadd.s32 v10, v3  }
0x388: {  	v4 =	vadd.s32 v4, v5;
	v5 =	vld [tilespmem:s2+$0x13060];
	v3 =	vadd.s32 v11, v3  }
0x389: {  	v4 =	vadd.s32 v6, v4;
	v6 =	vld [tilespmem:s2+$0x13870];
	v3 =	vadd.s32 v12, v3  }
0x38a: {  	v4 =	vadd.s32 v7, v4;
	v7 =	vld [tilespmem:s3+$0x14080];
	v3 =	vadd.s32 v60, v3  }
0x38b: {  	v4 =	vadd.s32 v8, v4;
	v8 =	vld [tilespmem:s2+$0x14890];
	v3 =	vadd.s32 v61, v3  }
0x38c: {  	v9 =	vadd.s32 v9, v4;
	v4 =	vld [tilespmem:s2+$0x150A0];
	v3 =	vadd.s32 v15, v3  }
0x38d: {  	v5 =	vadd.s32 v5, v9;
	v10 =	vadd.s32 v62, v3;
	v3 =	vld [tilespmem:s2+$0x158B0]  }
0x38e: {  	v6 =	vadd.s32 v6, v5;
	v5 =	vld [tilespmem:s2+$0x160C0];
	v9 =	vadd.s32 v63, v10  }
0x38f: {  	v7 =	vadd.s32 v7, v6;
	v6 =	vld [tilespmem:s2+$0x168D0];
	v9 =	vadd.s32 v18, v9  }
0x390: {  	s30 =	simm.s32 $0x0;
	s3 =	simm.s32 $0x80;
	v8 =	vadd.s32 v8, v7;
	v7 =	vld [tilespmem:s2+$0x170E0];
	[tilespmem:s2+$0x18110] =	vst v9  }
.LBB2_20:
0x391: {  	s4 =	sshra.s32 s3, $0x2;
	v4 =	vadd.s32 v4, v8;
	v8 =	vld [tilespmem:s2+$0x178F0]  }
0x392: {  	s30 =	sadd.s32 $0x2, s30;
	v9 =	vld [tilespmem:s4+$0x10010];
	v3 =	vadd.s32 v3, v4  }
0x393: {  	p0 =	slt.u32 s30, $0x7E;
	v4 =	vld [tilespmem:s4+$0x10820];
	v3 =	vadd.s32 v5, v3  }
0x394: {  	v5 =	vld [tilespmem:s4+$0x11030];
	v3 =	vadd.s32 v6, v3  }
0x395: {  	v6 =	vld [tilespmem:s4+$0x11840];
	v3 =	vadd.s32 v7, v3  }
0x396: {  	v7 =	vld [tilespmem:s4+$0x12050];
	v3 =	vadd.s32 v8, v3  }
0x397: {  	s1 =	sadd.s32 $0x20, s1;
	v8 =	vld [tilespmem:s4+$0x12860];
	[tilespmem:s2+$0x18100] =	vst v3;
	s2 =	smov.u32 s4  }
0x398: {  	s4 =	sand.u32 $0x7E0, s1;
	v3 =	vadd.s32 v9, v4;
	v4 =	vld [tilespmem:s2+$0x13070]  }
0x399: {  	v3 =	vadd.s32 v5, v3;
	v5 =	vld [tilespmem:s4+$0x13880]  }
0x39a: {  	v3 =	vadd.s32 v6, v3;
	v6 =	vld [tilespmem:s2+$0x14090]  }
0x39b: {  	v3 =	vadd.s32 v7, v3;
	v7 =	vld [tilespmem:s2+$0x148A0]  }
0x39c: {  	v3 =	vadd.s32 v8, v3;
	v8 =	vld [tilespmem:s2+$0x150B0]  }
0x39d: {  	v3 =	vadd.s32 v4, v3;
	v4 =	vld [tilespmem:s2+$0x158C0]  }
0x39e: {  	v3 =	vadd.s32 v5, v3;
	v5 =	vld [tilespmem:s2+$0x160D0]  }
0x39f: {  	v3 =	vadd.s32 v6, v3;
	v6 =	vld [tilespmem:s2+$0x168E0]  }
0x3a0: {  	v3 =	vadd.s32 v7, v3;
	v7 =	vld [tilespmem:s2+$0x170F0]  }
0x3a1: {  	v3 =	vadd.s32 v8, v3;
	v8 =	vld [tilespmem:s4+$0x17900]  }
0x3a2: {  	v9 =	vld [tilespmem:s2+$0x10000];
	v3 =	vadd.s32 v4, v3  }
0x3a3: {  	v4 =	vld [tilespmem:s2+$0x10810];
	v3 =	vadd.s32 v5, v3  }
0x3a4: {  	v5 =	vld [tilespmem:s2+$0x11020];
	v3 =	vadd.s32 v6, v3  }
0x3a5: {  	v6 =	vld [tilespmem:s2+$0x11830];
	v3 =	vadd.s32 v7, v3  }
0x3a6: {  	v7 =	vld [tilespmem:s2+$0x12040];
	v3 =	vadd.s32 v8, v3  }
0x3a7: {  	v8 =	vld [tilespmem:s2+$0x12850];
	[tilespmem:s2+$0x18110] =	vst v3  }
0x3a8: {  	v3 =	vadd.s32 v9, v4;
	v9 =	vld [tilespmem:s2+$0x13060]  }
0x3a9: {  	v3 =	vadd.s32 v5, v3;
	v5 =	vld [tilespmem:s2+$0x13870]  }
0x3aa: {  	v3 =	vadd.s32 v6, v3;
	v6 =	vld [tilespmem:s4+$0x14080]  }
0x3ab: {  	v3 =	vadd.s32 v7, v3;
	v7 =	vld [tilespmem:s2+$0x14890]  }
.Ltmp9:
0x3ac: {  	v3 =	vadd.s32 v8, v3;
	v4 =	vld [tilespmem:s2+$0x150A0];
	(pc) =	sbr.rel @p0 .LBB2_20-.Ltmp9, $4  }
0x3ad: {  	v8 =	vadd.s32 v9, v3;
	v3 =	vld [tilespmem:s2+$0x158B0]  }
0x3ae: {  	v8 =	vadd.s32 v5, v8;
	v5 =	vld [tilespmem:s2+$0x160C0]  }
0x3af: {  	v8 =	vadd.s32 v6, v8;
	v6 =	vld [tilespmem:s2+$0x168D0]  }
0x3b0: {  	s3 =	sadd.s32 $0x80, s3;
	v8 =	vadd.s32 v7, v8;
	v7 =	vld [tilespmem:s2+$0x170E0]  }
0x3b1: {  	v4 =	vadd.s32 v4, v8;
	v48 =	vld [tilespmem:s2+$0x178F0]  }
0x3b2: {  	v3 =	vadd.s32 v3, v4  }
0x3b3: {  	v3 =	vadd.s32 v5, v3  }
0x3b4: {  	v3 =	vadd.s32 v6, v3  }
0x3b5: {  	v3 =	vadd.s32 v7, v3  }
0x3b6: {  	v3 =	vadd.s32 v48, v3  }
0x3b7: {  	[tilespmem:s2+$0x18100] =	vst v3  }
0x3b8: {  	v3 =	vld [tilespmem:$0x10800]  }
0x3b9: {  	v49 =	vld [tilespmem:$0x11010]  }
0x3ba: {  	v50 =	vld [tilespmem:$0x11820]  }
0x3bb: {  	v51 =	vld [tilespmem:$0x12030]  }
0x3bc: {  	v52 =	vld [tilespmem:$0x12840]  }
0x3bd: {  	v53 =	vld [tilespmem:$0x13050]  }
0x3be: {  	v54 =	vld [tilespmem:$0x13860];
	v3 =	vadd.s32 v3, v49  }
0x3bf: {  	v55 =	vld [tilespmem:$0x14070];
	v3 =	vadd.s32 v50, v3  }
0x3c0: {  	v56 =	vld [tilespmem:$0x14880];
	v3 =	vadd.s32 v51, v3  }
0x3c1: {  	v57 =	vld [tilespmem:$0x15090];
	v3 =	vadd.s32 v52, v3  }
0x3c2: {  	v58 =	vld [tilespmem:$0x158A0];
	v3 =	vadd.s32 v53, v3  }
0x3c3: {  	v59 =	vld [tilespmem:$0x160B0];
	v3 =	vadd.s32 v54, v3  }
0x3c4: {  	v60 =	vld [tilespmem:$0x168C0];
	v3 =	vadd.s32 v55, v3  }
0x3c5: {  	v61 =	vld [tilespmem:$0x170D0];
	v3 =	vadd.s32 v56, v3  }
0x3c6: {  	v62 =	vld [tilespmem:$0x178E0];
	v3 =	vadd.s32 v57, v3  }
0x3c7: {  	v63 =	vld [tilespmem:$0x180F0];
	v3 =	vadd.s32 v58, v3  }
0x3c8: {  	v3 =	vadd.s32 v59, v3  }
0x3c9: {  	v3 =	vadd.s32 v60, v3  }
0x3ca: {  	v3 =	vadd.s32 v61, v3  }
0x3cb: {  	s0 =	sadd.s32 $0x1, s0;
	v3 =	vadd.s32 v62, v3  }
0x3cc: {  	p0 =	sne.s32 s0, s20;
	v3 =	vadd.s32 v63, v3  }
.Ltmp10:
0x3cd: {  	s1 =	simm.s32 $0x0;
	s30 =	simm.s32 $0x18100;
	[tilespmem:$0x18900] =	vst v3;
	(pc) =	sbr.rel @p0 .LBB2_1-.Ltmp10, $4  }
0x3ce: {  	[hbm4b:s19+s1] =	stream.linear.scatter [tilespmem:s30], [sflag:$0x5], $0x810, $0x38;
	[tilespmem:$0x18980] =	vst v63  }
0x3cf: {  	_ =	swait.ge [sflag:s31], $0x810  }
0x3d0: {  	[sflag:s31] =	ssyncset.done $0x0  }
0x3d1: {  	[sflag:s31] =	ssyncadd.s32 $0xFFFFF7F0  }
0x3d2: {  	_ =	sfence.sel $0x180000  }
0x3d3: {  	[bflag:$0x0] =	sbarrier.arrive $0xFFFF  }
0x3d4: {  	_ =	strace $0x90000047  }
0x3d5: {  	s0 =	stileid.u32;
	[bflag:$0x2] =	sbarrier.arrive $0xFFFF  }
0x3d6: {  	p0 =	sne.s32 s0, $0x0;
	s0 =	rddreg [dreg:$0x3]  }
0x3d7: {  	s0 =	sadd.s32 @!p0 $0x100000, s0  }
0x3d8: {  	[sflag:s0] =	ssyncadd.tile.s32 @!p0 $0x1;
	_ =	shalt  }
.Lfunc_end2:
_tile_overlayer_lowered:
.L_overlay_start_2:
0x3d9: {  	(tag) =	ssettag $0x2  }
0x3da: {  	s0 =	rddreg [dreg:$0x0];
	s2 =	stileid.u32  }
0x3db: {  	s1 =	rddreg [dreg:$0x1];
	p0 =	sne.s32 s2, $0x0  }
0x3dc: {  	s3 =	rddreg [dreg:$0x2];
	[bflag:$0x3] =	sbarrier.arrive $0xFFFF;
	s2 =	simm.s32 @!p0 $0x1C05  }
0x3dd: {  	[timem:s3], [sflag:s2] =	dma.local @!p0 [hbm:s0], s1  }
0x3de: {  	s0 =	simm.s32 @!p0 $0x5  }
0x3df: {  	_ =	swait.ge @!p0 [sflag:s0], s1  }
0x3e0: {  	s1 =	ssub.s32 @!p0 $0x0, s1;
	[sflag:s0] =	ssyncset.done @!p0 $0x0  }
0x3e1: {  	[sflag:s0] =	ssyncadd.s32 @!p0 s1  }
0x3e2: {  	[bflag:$0x3] =	sbarrier.arrive $0xFFFF  }
0x3e3: {  	_ =	shalt  }

</sc_bundles>
